<compile_context>
chip_gen: v7x
topology: tpu7x:2x2x1
jax: 0.10.2.dev20260603
libtpu: 0.0.44.dev20260713+nightly
codegen_flags: <defaults>
</compile_context>

<pallas_src>
import math

import jax
import jax.numpy as jnp
from jax import lax
from jax.experimental import pallas as pl
from jax.experimental.pallas import tpu as pltpu
from jax.experimental.pallas import tpu_sc as plsc

_VOCAB = 1000000
_D = 64
_B = 4096
_S = 200

_NC = 2
_NS = 16
_NW = _NC * _NS

_ROWS = _B * _S
_RPW = _ROWS // _NW
_CH = _S
_NCH = _RPW // _CH
_HALF = _CH // 2
_XROWS = _ROWS // _HALF


def _pe_table():
    pos = jnp.arange(0, _S, dtype=jnp.float32)[:, None]
    ang = pos * jnp.exp(
        -jnp.arange(0, _D, 2, dtype=jnp.float32) * math.log(1000.0) / _D)
    pe = jnp.zeros((_S, _D), dtype=jnp.float32)
    pe = pe.at[:, 0::2].set(jnp.sin(ang))
    pe = pe.at[:, 1::2].set(jnp.cos(ang))
    return pe.reshape(2, _HALF, _D)


def _body(x2, W, pe, out, pe_v, idx_v, gbuf, obuf,
          sem_g0, sem_g1, sem_o0, sem_o1):
    sem_g = (sem_g0, sem_g1)
    sem_o = (sem_o0, sem_o1)
    cid = lax.axis_index("c")
    sid = lax.axis_index("s")
    wid = sid * _NC + cid
    xbase = wid * (_RPW // _HALF)

    pltpu.sync_copy(pe, pe_v)

    def fire_gathers(b, cc):
        r0 = xbase + cc * 2
        pltpu.sync_copy(x2.at[pl.ds(r0, 2)], idx_v.at[b])
        for j in range(2):
            pltpu.async_copy(W.at[idx_v.at[b, j]], gbuf.at[b, j], sem_g[b])

    def wait_gathers(b):
        for j in range(2):
            pltpu.make_async_copy(W.at[idx_v.at[b, j]], gbuf.at[b, j],
                                  sem_g[b]).wait()

    def fire_store(b, cc):
        r0 = xbase + cc * 2
        pltpu.async_copy(obuf.at[b], out.at[pl.ds(r0, 2)], sem_o[b])

    def wait_store(b):
        pltpu.make_async_copy(obuf.at[b], out.at[pl.ds(0, 2)], sem_o[b]).wait()

    def add_pe(b):
        @pl.loop(0, _HALF, unroll=4)
        def _(r):
            for j in range(2):
                for k in range(_D // 16):
                    sl = pl.ds(k * 16, 16)
                    obuf[b, j, r, sl] = gbuf[b, j, r, sl] + pe_v[j, r, sl]

    fire_gathers(0, 0)
    fire_gathers(1, 1)

    @pl.loop(0, _NCH, step=2)
    def _(c):
        for b in range(2):
            cc = c + b
            wait_gathers(b)

            @pl.when(cc >= 2)
            def _():
                wait_store(b)

            add_pe(b)

            @pl.when(cc + 2 < _NCH)
            def _():
                fire_gathers(b, cc + 2)

            fire_store(b, cc)

    wait_store(0)
    wait_store(1)


def kernel(x, W):
    pe = _pe_table()
    x2 = x.astype(jnp.int32).reshape(_XROWS, _HALF)
    call = pl.kernel(
        _body,
        out_type=jax.ShapeDtypeStruct((_XROWS, _HALF, _D), jnp.float32),
        mesh=plsc.VectorSubcoreMesh(core_axis_name="c", subcore_axis_name="s"),
        compiler_params=pltpu.CompilerParams(use_tc_tiling_on_sc=False),
        scratch_types=[
            pltpu.VMEM((2, _HALF, _D), jnp.float32),
            pltpu.VMEM((2, 2, _HALF), jnp.int32),
            pltpu.VMEM((2, 2, _HALF, _D), jnp.float32),
            pltpu.VMEM((2, 2, _HALF, _D), jnp.float32),
            pltpu.SemaphoreType.DMA,
            pltpu.SemaphoreType.DMA,
            pltpu.SemaphoreType.DMA,
            pltpu.SemaphoreType.DMA,
        ],
    )
    out = call(x2, W, pe)
    return out.reshape(_B, _S, _D)

# --- scband reference (transcript-rebuilt; emitter-appended) ---
"""Pipeline reference for scband-embedding-with-position-51496657879108 (READ-ONLY COPY).

The authoritative reference and input builder live on the scoring server;
editing this copy changes nothing except your own understanding.
"""

import math
import jax, jax.numpy as jnp
import numpy as np

VOCAB = 1000000
EMB_DIM = 64
MAX_TOKEN = 200
BATCH = 4096
SEQ = 200


def _pos_encoding(max_token, emb_dim):
    position_idx = jnp.arange(0, max_token, dtype=jnp.float32)[:, None]
    position_emb = position_idx * jnp.exp(-jnp.arange(0, emb_dim, 2, dtype=jnp.float32) * math.log(1000.0) / emb_dim)
    pe = jnp.zeros((max_token, emb_dim), dtype=jnp.float32)
    pe = pe.at[:, 0::2].set(jnp.sin(position_emb))
    pe = pe.at[:, 1::2].set(jnp.cos(position_emb))
    return pe[None, :, :]  # (1, max_token, emb_dim)


def setup_inputs(seed: int = 0) -> dict:
    key = jax.random.key(seed)
    k_idx, k_w = jax.random.split(key)
    x = jax.random.randint(k_idx, (BATCH, SEQ), 0, VOCAB, dtype=jnp.int64 if jax.config.jax_enable_x64 else jnp.int32)
    W = jax.random.normal(k_w, (VOCAB, EMB_DIM), dtype=jnp.float32)
    return {"x": x, "W": W}


def reference(x, W):
    # word embedding lookup (gather)
    emb = jnp.take(W, x, axis=0)  # (B, S, D)
    pos = _pos_encoding(MAX_TOKEN, EMB_DIM)
    out = emb + pos[:, : emb.shape[1], :]
    # dropout p=0.0 -> identity in eval/train
    return out

if __name__ == "__main__":
    import jax
    _d = setup_inputs()
    print(jax.jit(kernel)(*tuple(_d.values())))

</pallas_src>

<mosaic_0001>
#map = affine_map<(d0, d1) -> (0, 0)>
#map1 = affine_map<(d0, d1) -> (0, 0, 0)>
module attributes {stable_mosaic.version = 14 : i64} {
  func.func @_body(%arg0: i32, %arg1: i32, %arg2: memref<8192x100xi32, #tpu.memory_space<hbm>>, %arg3: memref<1000000x64xf32, #tpu.memory_space<hbm>>, %arg4: memref<2x100x64xf32, #tpu.memory_space<hbm>>, %arg5: memref<8192x100x64xf32, #tpu.memory_space<hbm>>, %arg6: memref<2x100x64xf32, #tpu.memory_space<vmem>>, %arg7: memref<2x2x100xi32, #tpu.memory_space<vmem>>, %arg8: memref<2x2x100x64xf32, #tpu.memory_space<vmem>>, %arg9: memref<2x2x100x64xf32, #tpu.memory_space<vmem>>, %arg10: memref<!tpu.dma_semaphore, #tpu.memory_space<semaphore_mem>>, %arg11: memref<!tpu.dma_semaphore, #tpu.memory_space<semaphore_mem>>, %arg12: memref<!tpu.dma_semaphore, #tpu.memory_space<semaphore_mem>>, %arg13: memref<!tpu.dma_semaphore, #tpu.memory_space<semaphore_mem>>) attributes {dimension_semantics = [#tpu.dimension_semantics<core_parallel>, #tpu.dimension_semantics<subcore_parallel>], iteration_bounds = array<i64: 2, 16>, scalar_prefetch = 0 : i64, scratch_operands = 8 : i64, tpu.core_type = #tpu.core_type<sc_vector_subcore>, window_params = [{transform_indices = #map}, {transform_indices = #map}, {transform_indices = #map1}, {transform_indices = #map1}]} {
    %mul3A = arith.constant 2 : i32
    %mul3A_0 = arith.muli %arg1, %mul3A : i32
    %add3A = arith.addi %mul3A_0, %arg0 : i32
    %mul3A_1 = arith.constant 256 : i32
    %mul3A_2 = arith.muli %add3A, %mul3A_1 : i32
    "tpu.region"() ({
      %run_scoped3A_104 = tpu.sem_alloc : memref<!tpu.dma_semaphore, #tpu.memory_space<semaphore_mem>>
      tpu.enqueue_dma source(%arg4 : memref<2x100x64xf32, #tpu.memory_space<hbm>>) target(%arg6 : memref<2x100x64xf32, #tpu.memory_space<vmem>>) target_semaphore(%run_scoped3A_104 : memref<!tpu.dma_semaphore, #tpu.memory_space<semaphore_mem>>)
      tpu.wait_dma2 semaphore(%run_scoped3A_104 : memref<!tpu.dma_semaphore, #tpu.memory_space<semaphore_mem>>) src(%arg4 : memref<2x100x64xf32, #tpu.memory_space<hbm>>) dst(%arg6 : memref<2x100x64xf32, #tpu.memory_space<vmem>>)
      tpu.yield
    }) : () -> ()
    %add3A_3 = arith.constant 0 : i32
    %add3A_4 = arith.addi %mul3A_2, %add3A_3 : i32
    %run_scoped3A = arith.constant 0 : i32
    "tpu.region"() ({
      %run_scoped3A_104 = tpu.sem_alloc : memref<!tpu.dma_semaphore, #tpu.memory_space<semaphore_mem>>
      %dma_start3A_105 = arith.constant 0 : i32
      %dma_start3A_106 = arith.constant 0 : i32
      %dma_start3A_107 = tpu.memref_slice %arg7[%run_scoped3A, %dma_start3A_105, %dma_start3A_106] : memref<2x2x100xi32, #tpu.memory_space<vmem>> -> memref<1x2x100xi32, #tpu.memory_space<vmem>>
      %dma_start3A_108 = tpu.memref_squeeze %dma_start3A_107 : memref<1x2x100xi32, #tpu.memory_space<vmem>> -> memref<2x100xi32, #tpu.memory_space<vmem>>
      %dma_start3A_109 = arith.constant 0 : i32
      %dma_start3A_110 = tpu.memref_slice %arg2[%add3A_4, %dma_start3A_109] : memref<8192x100xi32, #tpu.memory_space<hbm>> -> memref<2x100xi32, #tpu.memory_space<hbm>>
      %dma_start3A_111 = arith.constant 0 : i32
      %dma_start3A_112 = arith.constant 0 : i32
      %dma_start3A_113 = tpu.memref_slice %arg7[%run_scoped3A, %dma_start3A_111, %dma_start3A_112] : memref<2x2x100xi32, #tpu.memory_space<vmem>> -> memref<1x2x100xi32, #tpu.memory_space<vmem>>
      %dma_start3A_114 = tpu.memref_squeeze %dma_start3A_113 : memref<1x2x100xi32, #tpu.memory_space<vmem>> -> memref<2x100xi32, #tpu.memory_space<vmem>>
      %dma_start3A_115 = arith.constant 0 : i32
      %dma_start3A_116 = tpu.memref_slice %arg2[%add3A_4, %dma_start3A_115] : memref<8192x100xi32, #tpu.memory_space<hbm>> -> memref<2x100xi32, #tpu.memory_space<hbm>>
      tpu.enqueue_dma source(%dma_start3A_116 : memref<2x100xi32, #tpu.memory_space<hbm>>) target(%dma_start3A_114 : memref<2x100xi32, #tpu.memory_space<vmem>>) target_semaphore(%run_scoped3A_104 : memref<!tpu.dma_semaphore, #tpu.memory_space<semaphore_mem>>)
      %dma_wait3A_117 = arith.constant 0 : i32
      %dma_wait3A_118 = arith.constant 0 : i32
      %dma_wait3A_119 = tpu.memref_slice %arg7[%run_scoped3A, %dma_wait3A_117, %dma_wait3A_118] : memref<2x2x100xi32, #tpu.memory_space<vmem>> -> memref<1x2x100xi32, #tpu.memory_space<vmem>>
      %dma_wait3A_120 = tpu.memref_squeeze %dma_wait3A_119 : memref<1x2x100xi32, #tpu.memory_space<vmem>> -> memref<2x100xi32, #tpu.memory_space<vmem>>
      %dma_wait3A_121 = arith.constant 0 : i32
      %dma_wait3A_122 = tpu.memref_slice %arg2[%add3A_4, %dma_wait3A_121] : memref<8192x100xi32, #tpu.memory_space<hbm>> -> memref<2x100xi32, #tpu.memory_space<hbm>>
      %dma_wait3A_123 = arith.constant 0 : i32
      %dma_wait3A_124 = arith.constant 0 : i32
      %dma_wait3A_125 = tpu.memref_slice %arg7[%run_scoped3A, %dma_wait3A_123, %dma_wait3A_124] : memref<2x2x100xi32, #tpu.memory_space<vmem>> -> memref<1x2x100xi32, #tpu.memory_space<vmem>>
      %dma_wait3A_126 = tpu.memref_squeeze %dma_wait3A_125 : memref<1x2x100xi32, #tpu.memory_space<vmem>> -> memref<2x100xi32, #tpu.memory_space<vmem>>
      %dma_wait3A_127 = arith.constant 0 : i32
      %dma_wait3A_128 = tpu.memref_slice %arg2[%add3A_4, %dma_wait3A_127] : memref<8192x100xi32, #tpu.memory_space<hbm>> -> memref<2x100xi32, #tpu.memory_space<hbm>>
      tpu.wait_dma2 semaphore(%run_scoped3A_104 : memref<!tpu.dma_semaphore, #tpu.memory_space<semaphore_mem>>) src(%dma_wait3A_128 : memref<2x100xi32, #tpu.memory_space<hbm>>) dst(%dma_wait3A_126 : memref<2x100xi32, #tpu.memory_space<vmem>>)
      tpu.yield
    }) : () -> ()
    %dma_start3A = arith.constant 0 : i32
    %dma_start3A_5 = arith.constant 0 : i32
    %dma_start3A_6 = arith.constant 0 : i32
    %dma_start3A_7 = arith.constant 0 : i32
    %dma_start3A_8 = arith.constant 0 : i32
    %dma_start3A_9 = arith.constant 0 : i32
    %dma_start3A_10 = tpu.memref_slice %arg8[%dma_start3A_6, %dma_start3A_7, %dma_start3A_8, %dma_start3A_9] : memref<2x2x100x64xf32, #tpu.memory_space<vmem>> -> memref<1x1x100x64xf32, #tpu.memory_space<vmem>>
    %dma_start3A_11 = tpu.memref_squeeze %dma_start3A_10 : memref<1x1x100x64xf32, #tpu.memory_space<vmem>> -> memref<100x64xf32, #tpu.memory_space<vmem>>
    %dma_start3A_12 = arith.constant 0 : i32
    %dma_start3A_13 = tpu.memref_slice %arg7[%dma_start3A, %dma_start3A_5, %dma_start3A_12] : memref<2x2x100xi32, #tpu.memory_space<vmem>> -> memref<1x1x100xi32, #tpu.memory_space<vmem>>
    %dma_start3A_14 = tpu.memref_squeeze %dma_start3A_13 : memref<1x1x100xi32, #tpu.memory_space<vmem>> -> memref<100xi32, #tpu.memory_space<vmem>>
    %dma_start3A_15 = arith.constant 0 : i32
    %dma_start3A_16 = arith.constant 0 : i32
    %dma_start3A_17 = tpu.memref_slice %arg3[%dma_start3A_15, %dma_start3A_16] : memref<1000000x64xf32, #tpu.memory_space<hbm>> -> memref<1000000x64xf32, #tpu.memory_space<hbm>>
    tpu.enqueue_indirect_dma source(%dma_start3A_17 : memref<1000000x64xf32, #tpu.memory_space<hbm>>) target(%dma_start3A_11 : memref<100x64xf32, #tpu.memory_space<vmem>>) offsets(%dma_start3A_14 : memref<100xi32, #tpu.memory_space<vmem>>) semaphore(%arg10 : memref<!tpu.dma_semaphore, #tpu.memory_space<semaphore_mem>>)
    %dma_start3A_18 = arith.constant 0 : i32
    %dma_start3A_19 = arith.constant 1 : i32
    %dma_start3A_20 = arith.constant 0 : i32
    %dma_start3A_21 = arith.constant 1 : i32
    %dma_start3A_22 = arith.constant 0 : i32
    %dma_start3A_23 = arith.constant 0 : i32
    %dma_start3A_24 = tpu.memref_slice %arg8[%dma_start3A_20, %dma_start3A_21, %dma_start3A_22, %dma_start3A_23] : memref<2x2x100x64xf32, #tpu.memory_space<vmem>> -> memref<1x1x100x64xf32, #tpu.memory_space<vmem>>
    %dma_start3A_25 = tpu.memref_squeeze %dma_start3A_24 : memref<1x1x100x64xf32, #tpu.memory_space<vmem>> -> memref<100x64xf32, #tpu.memory_space<vmem>>
    %dma_start3A_26 = arith.constant 0 : i32
    %dma_start3A_27 = tpu.memref_slice %arg7[%dma_start3A_18, %dma_start3A_19, %dma_start3A_26] : memref<2x2x100xi32, #tpu.memory_space<vmem>> -> memref<1x1x100xi32, #tpu.memory_space<vmem>>
    %dma_start3A_28 = tpu.memref_squeeze %dma_start3A_27 : memref<1x1x100xi32, #tpu.memory_space<vmem>> -> memref<100xi32, #tpu.memory_space<vmem>>
    %dma_start3A_29 = arith.constant 0 : i32
    %dma_start3A_30 = arith.constant 0 : i32
    %dma_start3A_31 = tpu.memref_slice %arg3[%dma_start3A_29, %dma_start3A_30] : memref<1000000x64xf32, #tpu.memory_space<hbm>> -> memref<1000000x64xf32, #tpu.memory_space<hbm>>
    tpu.enqueue_indirect_dma source(%dma_start3A_31 : memref<1000000x64xf32, #tpu.memory_space<hbm>>) target(%dma_start3A_25 : memref<100x64xf32, #tpu.memory_space<vmem>>) offsets(%dma_start3A_28 : memref<100xi32, #tpu.memory_space<vmem>>) semaphore(%arg10 : memref<!tpu.dma_semaphore, #tpu.memory_space<semaphore_mem>>)
    %add3A_32 = arith.constant 2 : i32
    %add3A_33 = arith.addi %mul3A_2, %add3A_32 : i32
    %run_scoped3A_34 = arith.constant 1 : i32
    "tpu.region"() ({
      %run_scoped3A_104 = tpu.sem_alloc : memref<!tpu.dma_semaphore, #tpu.memory_space<semaphore_mem>>
      %dma_start3A_105 = arith.constant 0 : i32
      %dma_start3A_106 = arith.constant 0 : i32
      %dma_start3A_107 = tpu.memref_slice %arg7[%run_scoped3A_34, %dma_start3A_105, %dma_start3A_106] : memref<2x2x100xi32, #tpu.memory_space<vmem>> -> memref<1x2x100xi32, #tpu.memory_space<vmem>>
      %dma_start3A_108 = tpu.memref_squeeze %dma_start3A_107 : memref<1x2x100xi32, #tpu.memory_space<vmem>> -> memref<2x100xi32, #tpu.memory_space<vmem>>
      %dma_start3A_109 = arith.constant 0 : i32
      %dma_start3A_110 = tpu.memref_slice %arg2[%add3A_33, %dma_start3A_109] : memref<8192x100xi32, #tpu.memory_space<hbm>> -> memref<2x100xi32, #tpu.memory_space<hbm>>
      %dma_start3A_111 = arith.constant 0 : i32
      %dma_start3A_112 = arith.constant 0 : i32
      %dma_start3A_113 = tpu.memref_slice %arg7[%run_scoped3A_34, %dma_start3A_111, %dma_start3A_112] : memref<2x2x100xi32, #tpu.memory_space<vmem>> -> memref<1x2x100xi32, #tpu.memory_space<vmem>>
      %dma_start3A_114 = tpu.memref_squeeze %dma_start3A_113 : memref<1x2x100xi32, #tpu.memory_space<vmem>> -> memref<2x100xi32, #tpu.memory_space<vmem>>
      %dma_start3A_115 = arith.constant 0 : i32
      %dma_start3A_116 = tpu.memref_slice %arg2[%add3A_33, %dma_start3A_115] : memref<8192x100xi32, #tpu.memory_space<hbm>> -> memref<2x100xi32, #tpu.memory_space<hbm>>
      tpu.enqueue_dma source(%dma_start3A_116 : memref<2x100xi32, #tpu.memory_space<hbm>>) target(%dma_start3A_114 : memref<2x100xi32, #tpu.memory_space<vmem>>) target_semaphore(%run_scoped3A_104 : memref<!tpu.dma_semaphore, #tpu.memory_space<semaphore_mem>>)
      %dma_wait3A_117 = arith.constant 0 : i32
      %dma_wait3A_118 = arith.constant 0 : i32
      %dma_wait3A_119 = tpu.memref_slice %arg7[%run_scoped3A_34, %dma_wait3A_117, %dma_wait3A_118] : memref<2x2x100xi32, #tpu.memory_space<vmem>> -> memref<1x2x100xi32, #tpu.memory_space<vmem>>
      %dma_wait3A_120 = tpu.memref_squeeze %dma_wait3A_119 : memref<1x2x100xi32, #tpu.memory_space<vmem>> -> memref<2x100xi32, #tpu.memory_space<vmem>>
      %dma_wait3A_121 = arith.constant 0 : i32
      %dma_wait3A_122 = tpu.memref_slice %arg2[%add3A_33, %dma_wait3A_121] : memref<8192x100xi32, #tpu.memory_space<hbm>> -> memref<2x100xi32, #tpu.memory_space<hbm>>
      %dma_wait3A_123 = arith.constant 0 : i32
      %dma_wait3A_124 = arith.constant 0 : i32
      %dma_wait3A_125 = tpu.memref_slice %arg7[%run_scoped3A_34, %dma_wait3A_123, %dma_wait3A_124] : memref<2x2x100xi32, #tpu.memory_space<vmem>> -> memref<1x2x100xi32, #tpu.memory_space<vmem>>
      %dma_wait3A_126 = tpu.memref_squeeze %dma_wait3A_125 : memref<1x2x100xi32, #tpu.memory_space<vmem>> -> memref<2x100xi32, #tpu.memory_space<vmem>>
      %dma_wait3A_127 = arith.constant 0 : i32
      %dma_wait3A_128 = tpu.memref_slice %arg2[%add3A_33, %dma_wait3A_127] : memref<8192x100xi32, #tpu.memory_space<hbm>> -> memref<2x100xi32, #tpu.memory_space<hbm>>
      tpu.wait_dma2 semaphore(%run_scoped3A_104 : memref<!tpu.dma_semaphore, #tpu.memory_space<semaphore_mem>>) src(%dma_wait3A_128 : memref<2x100xi32, #tpu.memory_space<hbm>>) dst(%dma_wait3A_126 : memref<2x100xi32, #tpu.memory_space<vmem>>)
      tpu.yield
    }) : () -> ()
    %dma_start3A_35 = arith.constant 1 : i32
    %dma_start3A_36 = arith.constant 0 : i32
    %dma_start3A_37 = arith.constant 1 : i32
    %dma_start3A_38 = arith.constant 0 : i32
    %dma_start3A_39 = arith.constant 0 : i32
    %dma_start3A_40 = arith.constant 0 : i32
    %dma_start3A_41 = tpu.memref_slice %arg8[%dma_start3A_37, %dma_start3A_38, %dma_start3A_39, %dma_start3A_40] : memref<2x2x100x64xf32, #tpu.memory_space<vmem>> -> memref<1x1x100x64xf32, #tpu.memory_space<vmem>>
    %dma_start3A_42 = tpu.memref_squeeze %dma_start3A_41 : memref<1x1x100x64xf32, #tpu.memory_space<vmem>> -> memref<100x64xf32, #tpu.memory_space<vmem>>
    %dma_start3A_43 = arith.constant 0 : i32
    %dma_start3A_44 = tpu.memref_slice %arg7[%dma_start3A_35, %dma_start3A_36, %dma_start3A_43] : memref<2x2x100xi32, #tpu.memory_space<vmem>> -> memref<1x1x100xi32, #tpu.memory_space<vmem>>
    %dma_start3A_45 = tpu.memref_squeeze %dma_start3A_44 : memref<1x1x100xi32, #tpu.memory_space<vmem>> -> memref<100xi32, #tpu.memory_space<vmem>>
    %dma_start3A_46 = arith.constant 0 : i32
    %dma_start3A_47 = arith.constant 0 : i32
    %dma_start3A_48 = tpu.memref_slice %arg3[%dma_start3A_46, %dma_start3A_47] : memref<1000000x64xf32, #tpu.memory_space<hbm>> -> memref<1000000x64xf32, #tpu.memory_space<hbm>>
    tpu.enqueue_indirect_dma source(%dma_start3A_48 : memref<1000000x64xf32, #tpu.memory_space<hbm>>) target(%dma_start3A_42 : memref<100x64xf32, #tpu.memory_space<vmem>>) offsets(%dma_start3A_45 : memref<100xi32, #tpu.memory_space<vmem>>) semaphore(%arg11 : memref<!tpu.dma_semaphore, #tpu.memory_space<semaphore_mem>>)
    %dma_start3A_49 = arith.constant 1 : i32
    %dma_start3A_50 = arith.constant 1 : i32
    %dma_start3A_51 = arith.constant 1 : i32
    %dma_start3A_52 = arith.constant 1 : i32
    %dma_start3A_53 = arith.constant 0 : i32
    %dma_start3A_54 = arith.constant 0 : i32
    %dma_start3A_55 = tpu.memref_slice %arg8[%dma_start3A_51, %dma_start3A_52, %dma_start3A_53, %dma_start3A_54] : memref<2x2x100x64xf32, #tpu.memory_space<vmem>> -> memref<1x1x100x64xf32, #tpu.memory_space<vmem>>
    %dma_start3A_56 = tpu.memref_squeeze %dma_start3A_55 : memref<1x1x100x64xf32, #tpu.memory_space<vmem>> -> memref<100x64xf32, #tpu.memory_space<vmem>>
    %dma_start3A_57 = arith.constant 0 : i32
    %dma_start3A_58 = tpu.memref_slice %arg7[%dma_start3A_49, %dma_start3A_50, %dma_start3A_57] : memref<2x2x100xi32, #tpu.memory_space<vmem>> -> memref<1x1x100xi32, #tpu.memory_space<vmem>>
    %dma_start3A_59 = tpu.memref_squeeze %dma_start3A_58 : memref<1x1x100xi32, #tpu.memory_space<vmem>> -> memref<100xi32, #tpu.memory_space<vmem>>
    %dma_start3A_60 = arith.constant 0 : i32
    %dma_start3A_61 = arith.constant 0 : i32
    %dma_start3A_62 = tpu.memref_slice %arg3[%dma_start3A_60, %dma_start3A_61] : memref<1000000x64xf32, #tpu.memory_space<hbm>> -> memref<1000000x64xf32, #tpu.memory_space<hbm>>
    tpu.enqueue_indirect_dma source(%dma_start3A_62 : memref<1000000x64xf32, #tpu.memory_space<hbm>>) target(%dma_start3A_56 : memref<100x64xf32, #tpu.memory_space<vmem>>) offsets(%dma_start3A_59 : memref<100xi32, #tpu.memory_space<vmem>>) semaphore(%arg11 : memref<!tpu.dma_semaphore, #tpu.memory_space<semaphore_mem>>)
    %scan3A = arith.constant 0 : i32
    %scan3A_63 = arith.constant 64 : i32
    %scan3A_64 = arith.addi %scan3A, %scan3A_63 : i32
    %scan3A_65 = arith.constant 1 : i32
    scf.for %scan3A_104 = %scan3A to %scan3A_64 step %scan3A_65  : i32 {
      %mul3A_105 = arith.constant 2 : i32
      %mul3A_106 = arith.muli %scan3A_104, %mul3A_105 : i32
      %add3A_107 = arith.constant 0 : i32
      %add3A_108 = arith.addi %add3A_107, %mul3A_106 : i32
      %add3A_109 = arith.constant 0 : i32
      %add3A_110 = arith.addi %add3A_108, %add3A_109 : i32
      %dma_wait3A_111 = arith.constant 0 : i32
      %dma_wait3A_112 = arith.constant 0 : i32
      %dma_wait3A_113 = arith.constant 0 : i32
      %dma_wait3A_114 = arith.constant 0 : i32
      %dma_wait3A_115 = arith.constant 0 : i32
      %dma_wait3A_116 = arith.constant 0 : i32
      %dma_wait3A_117 = tpu.memref_slice %arg8[%dma_wait3A_113, %dma_wait3A_114, %dma_wait3A_115, %dma_wait3A_116] : memref<2x2x100x64xf32, #tpu.memory_space<vmem>> -> memref<1x1x100x64xf32, #tpu.memory_space<vmem>>
      %dma_wait3A_118 = tpu.memref_squeeze %dma_wait3A_117 : memref<1x1x100x64xf32, #tpu.memory_space<vmem>> -> memref<100x64xf32, #tpu.memory_space<vmem>>
      %dma_wait3A_119 = arith.constant 0 : i32
      %dma_wait3A_120 = tpu.memref_slice %arg7[%dma_wait3A_111, %dma_wait3A_112, %dma_wait3A_119] : memref<2x2x100xi32, #tpu.memory_space<vmem>> -> memref<1x1x100xi32, #tpu.memory_space<vmem>>
      %dma_wait3A_121 = tpu.memref_squeeze %dma_wait3A_120 : memref<1x1x100xi32, #tpu.memory_space<vmem>> -> memref<100xi32, #tpu.memory_space<vmem>>
      %dma_wait3A_122 = arith.constant 0 : i32
      %dma_wait3A_123 = arith.constant 0 : i32
      %dma_wait3A_124 = tpu.memref_slice %arg3[%dma_wait3A_122, %dma_wait3A_123] : memref<1000000x64xf32, #tpu.memory_space<hbm>> -> memref<1000000x64xf32, #tpu.memory_space<hbm>>
      tpu.wait_indirect_dma semaphore(%arg10 : memref<!tpu.dma_semaphore, #tpu.memory_space<semaphore_mem>>) src(%dma_wait3A_124 : memref<1000000x64xf32, #tpu.memory_space<hbm>>) dst(%dma_wait3A_118 : memref<100x64xf32, #tpu.memory_space<vmem>>)
      %dma_wait3A_125 = arith.constant 0 : i32
      %dma_wait3A_126 = arith.constant 1 : i32
      %dma_wait3A_127 = arith.constant 0 : i32
      %dma_wait3A_128 = arith.constant 1 : i32
      %dma_wait3A_129 = arith.constant 0 : i32
      %dma_wait3A_130 = arith.constant 0 : i32
      %dma_wait3A_131 = tpu.memref_slice %arg8[%dma_wait3A_127, %dma_wait3A_128, %dma_wait3A_129, %dma_wait3A_130] : memref<2x2x100x64xf32, #tpu.memory_space<vmem>> -> memref<1x1x100x64xf32, #tpu.memory_space<vmem>>
      %dma_wait3A_132 = tpu.memref_squeeze %dma_wait3A_131 : memref<1x1x100x64xf32, #tpu.memory_space<vmem>> -> memref<100x64xf32, #tpu.memory_space<vmem>>
      %dma_wait3A_133 = arith.constant 0 : i32
      %dma_wait3A_134 = tpu.memref_slice %arg7[%dma_wait3A_125, %dma_wait3A_126, %dma_wait3A_133] : memref<2x2x100xi32, #tpu.memory_space<vmem>> -> memref<1x1x100xi32, #tpu.memory_space<vmem>>
      %dma_wait3A_135 = tpu.memref_squeeze %dma_wait3A_134 : memref<1x1x100xi32, #tpu.memory_space<vmem>> -> memref<100xi32, #tpu.memory_space<vmem>>
      %dma_wait3A_136 = arith.constant 0 : i32
      %dma_wait3A_137 = arith.constant 0 : i32
      %dma_wait3A_138 = tpu.memref_slice %arg3[%dma_wait3A_136, %dma_wait3A_137] : memref<1000000x64xf32, #tpu.memory_space<hbm>> -> memref<1000000x64xf32, #tpu.memory_space<hbm>>
      tpu.wait_indirect_dma semaphore(%arg10 : memref<!tpu.dma_semaphore, #tpu.memory_space<semaphore_mem>>) src(%dma_wait3A_138 : memref<1000000x64xf32, #tpu.memory_space<hbm>>) dst(%dma_wait3A_132 : memref<100x64xf32, #tpu.memory_space<vmem>>)
      %ge3A = arith.constant 2 : i32
      %ge3A_139 = arith.cmpi sge, %add3A_110, %ge3A : i32
      %convert_element_type3A = arith.extui %ge3A_139 : i1 to i32
      %cond3A = arith.constant 0 : i32
      %cond3A_140 = arith.cmpi ne, %convert_element_type3A, %cond3A : i32
      scf.if %cond3A_140 {
        %dma_wait3A_239 = arith.constant 0 : i32
        %dma_wait3A_240 = arith.constant 0 : i32
        %dma_wait3A_241 = arith.constant 0 : i32
        %dma_wait3A_242 = arith.constant 0 : i32
        %dma_wait3A_243 = tpu.memref_slice %arg9[%dma_wait3A_239, %dma_wait3A_240, %dma_wait3A_241, %dma_wait3A_242] : memref<2x2x100x64xf32, #tpu.memory_space<vmem>> -> memref<1x2x100x64xf32, #tpu.memory_space<vmem>>
        %dma_wait3A_244 = tpu.memref_squeeze %dma_wait3A_243 : memref<1x2x100x64xf32, #tpu.memory_space<vmem>> -> memref<2x100x64xf32, #tpu.memory_space<vmem>>
        %dma_wait3A_245 = arith.constant 0 : i32
        %dma_wait3A_246 = arith.constant 0 : i32
        %dma_wait3A_247 = arith.constant 0 : i32
        %dma_wait3A_248 = tpu.memref_slice %arg5[%dma_wait3A_245, %dma_wait3A_246, %dma_wait3A_247] : memref<8192x100x64xf32, #tpu.memory_space<hbm>> -> memref<2x100x64xf32, #tpu.memory_space<hbm>>
        %dma_wait3A_249 = arith.constant 0 : i32
        %dma_wait3A_250 = arith.constant 0 : i32
        %dma_wait3A_251 = arith.constant 0 : i32
        %dma_wait3A_252 = tpu.memref_slice %arg5[%dma_wait3A_249, %dma_wait3A_250, %dma_wait3A_251] : memref<8192x100x64xf32, #tpu.memory_space<hbm>> -> memref<2x100x64xf32, #tpu.memory_space<hbm>>
        %dma_wait3A_253 = arith.constant 0 : i32
        %dma_wait3A_254 = arith.constant 0 : i32
        %dma_wait3A_255 = arith.constant 0 : i32
        %dma_wait3A_256 = tpu.memref_slice %arg9[%dma_wait3A_239, %dma_wait3A_253, %dma_wait3A_254, %dma_wait3A_255] : memref<2x2x100x64xf32, #tpu.memory_space<vmem>> -> memref<1x2x100x64xf32, #tpu.memory_space<vmem>>
        %dma_wait3A_257 = tpu.memref_squeeze %dma_wait3A_256 : memref<1x2x100x64xf32, #tpu.memory_space<vmem>> -> memref<2x100x64xf32, #tpu.memory_space<vmem>>
        tpu.wait_dma2 semaphore(%arg12 : memref<!tpu.dma_semaphore, #tpu.memory_space<semaphore_mem>>) src(%dma_wait3A_257 : memref<2x100x64xf32, #tpu.memory_space<vmem>>) dst(%dma_wait3A_252 : memref<2x100x64xf32, #tpu.memory_space<hbm>>)
      } else {
      }
      %scan3A_141 = arith.constant 0 : i32
      %scan3A_142 = arith.constant 100 : i32
      %scan3A_143 = arith.addi %scan3A_141, %scan3A_142 : i32
      %scan3A_144 = arith.constant 4 : i32
      scf.for %scan3A_239 = %scan3A_141 to %scan3A_143 step %scan3A_144  : i32 {
        %mul3A_240 = arith.constant 1 : i32
        %mul3A_241 = arith.muli %scan3A_239, %mul3A_240 : i32
        %add3A_242 = arith.constant 0 : i32
        %add3A_243 = arith.addi %add3A_242, %mul3A_241 : i32
        %get3A = arith.constant 0 : i32
        %get3A_244 = arith.constant 0 : i32
        %get3A_245 = arith.index_cast %get3A : i32 to index
        %get3A_246 = arith.index_cast %get3A_244 : i32 to index
        %get3A_247 = arith.index_cast %add3A_243 : i32 to index
        %get3A_248 = arith.constant 0 : index
        %get3A_249 = tpu.vector_load %arg8[%get3A_245, %get3A_246, %get3A_247, %get3A_248] {strides = array<i32>} : memref<2x2x100x64xf32, #tpu.memory_space<vmem>>, vector<1x1x1x16xf32>,
        %get3A_250 = vector.shape_cast %get3A_249 : vector<1x1x1x16xf32> to vector<16xf32>
        %get3A_251 = arith.constant 0 : i32
        %get3A_252 = arith.index_cast %get3A_251 : i32 to index
        %get3A_253 = arith.index_cast %add3A_243 : i32 to index
        %get3A_254 = arith.constant 0 : index
        %get3A_255 = tpu.vector_load %arg6[%get3A_252, %get3A_253, %get3A_254] {strides = array<i32>} : memref<2x100x64xf32, #tpu.memory_space<vmem>>, vector<1x1x16xf32>,
        %get3A_256 = vector.shape_cast %get3A_255 : vector<1x1x16xf32> to vector<16xf32>
        %add3A_257 = arith.addf %get3A_250, %get3A_256 : vector<16xf32>
        %swap3A = arith.constant 0 : i32
        %swap3A_258 = arith.constant 0 : i32
        %swap3A_259 = arith.index_cast %swap3A : i32 to index
        %swap3A_260 = arith.index_cast %swap3A_258 : i32 to index
        %swap3A_261 = arith.index_cast %add3A_243 : i32 to index
        %swap3A_262 = arith.constant 0 : index
        %swap3A_263 = tpu.vector_load %arg9[%swap3A_259, %swap3A_260, %swap3A_261, %swap3A_262] {strides = array<i32>} : memref<2x2x100x64xf32, #tpu.memory_space<vmem>>, vector<1x1x1x16xf32>,
        %swap3A_264 = vector.shape_cast %swap3A_263 : vector<1x1x1x16xf32> to vector<16xf32>
        %swap3A_265 = vector.shape_cast %add3A_257 : vector<16xf32> to vector<1x1x1x16xf32>
        tpu.vector_store %arg9[%swap3A_259, %swap3A_260, %swap3A_261, %swap3A_262], %swap3A_265 {strides = array<i32>} : memref<2x2x100x64xf32, #tpu.memory_space<vmem>>, vector<1x1x1x16xf32>,
        %get3A_266 = arith.constant 0 : i32
        %get3A_267 = arith.constant 0 : i32
        %get3A_268 = arith.index_cast %get3A_266 : i32 to index
        %get3A_269 = arith.index_cast %get3A_267 : i32 to index
        %get3A_270 = arith.index_cast %add3A_243 : i32 to index
        %get3A_271 = arith.constant 16 : index
        %get3A_272 = tpu.vector_load %arg8[%get3A_268, %get3A_269, %get3A_270, %get3A_271] {strides = array<i32>} : memref<2x2x100x64xf32, #tpu.memory_space<vmem>>, vector<1x1x1x16xf32>,
        %get3A_273 = vector.shape_cast %get3A_272 : vector<1x1x1x16xf32> to vector<16xf32>
        %get3A_274 = arith.constant 0 : i32
        %get3A_275 = arith.index_cast %get3A_274 : i32 to index
        %get3A_276 = arith.index_cast %add3A_243 : i32 to index
        %get3A_277 = arith.constant 16 : index
        %get3A_278 = tpu.vector_load %arg6[%get3A_275, %get3A_276, %get3A_277] {strides = array<i32>} : memref<2x100x64xf32, #tpu.memory_space<vmem>>, vector<1x1x16xf32>,
        %get3A_279 = vector.shape_cast %get3A_278 : vector<1x1x16xf32> to vector<16xf32>
        %add3A_280 = arith.addf %get3A_273, %get3A_279 : vector<16xf32>
        %swap3A_281 = arith.constant 0 : i32
        %swap3A_282 = arith.constant 0 : i32
        %swap3A_283 = arith.index_cast %swap3A_281 : i32 to index
        %swap3A_284 = arith.index_cast %swap3A_282 : i32 to index
        %swap3A_285 = arith.index_cast %add3A_243 : i32 to index
        %swap3A_286 = arith.constant 16 : index
        %swap3A_287 = tpu.vector_load %arg9[%swap3A_283, %swap3A_284, %swap3A_285, %swap3A_286] {strides = array<i32>} : memref<2x2x100x64xf32, #tpu.memory_space<vmem>>, vector<1x1x1x16xf32>,
        %swap3A_288 = vector.shape_cast %swap3A_287 : vector<1x1x1x16xf32> to vector<16xf32>
        %swap3A_289 = vector.shape_cast %add3A_280 : vector<16xf32> to vector<1x1x1x16xf32>
        tpu.vector_store %arg9[%swap3A_283, %swap3A_284, %swap3A_285, %swap3A_286], %swap3A_289 {strides = array<i32>} : memref<2x2x100x64xf32, #tpu.memory_space<vmem>>, vector<1x1x1x16xf32>,
        %get3A_290 = arith.constant 0 : i32
        %get3A_291 = arith.constant 0 : i32
        %get3A_292 = arith.index_cast %get3A_290 : i32 to index
        %get3A_293 = arith.index_cast %get3A_291 : i32 to index
        %get3A_294 = arith.index_cast %add3A_243 : i32 to index
        %get3A_295 = arith.constant 32 : index
        %get3A_296 = tpu.vector_load %arg8[%get3A_292, %get3A_293, %get3A_294, %get3A_295] {strides = array<i32>} : memref<2x2x100x64xf32, #tpu.memory_space<vmem>>, vector<1x1x1x16xf32>,
        %get3A_297 = vector.shape_cast %get3A_296 : vector<1x1x1x16xf32> to vector<16xf32>
        %get3A_298 = arith.constant 0 : i32
        %get3A_299 = arith.index_cast %get3A_298 : i32 to index
        %get3A_300 = arith.index_cast %add3A_243 : i32 to index
        %get3A_301 = arith.constant 32 : index
        %get3A_302 = tpu.vector_load %arg6[%get3A_299, %get3A_300, %get3A_301] {strides = array<i32>} : memref<2x100x64xf32, #tpu.memory_space<vmem>>, vector<1x1x16xf32>,
        %get3A_303 = vector.shape_cast %get3A_302 : vector<1x1x16xf32> to vector<16xf32>
        %add3A_304 = arith.addf %get3A_297, %get3A_303 : vector<16xf32>
        %swap3A_305 = arith.constant 0 : i32
        %swap3A_306 = arith.constant 0 : i32
        %swap3A_307 = arith.index_cast %swap3A_305 : i32 to index
        %swap3A_308 = arith.index_cast %swap3A_306 : i32 to index
        %swap3A_309 = arith.index_cast %add3A_243 : i32 to index
        %swap3A_310 = arith.constant 32 : index
        %swap3A_311 = tpu.vector_load %arg9[%swap3A_307, %swap3A_308, %swap3A_309, %swap3A_310] {strides = array<i32>} : memref<2x2x100x64xf32, #tpu.memory_space<vmem>>, vector<1x1x1x16xf32>,
        %swap3A_312 = vector.shape_cast %swap3A_311 : vector<1x1x1x16xf32> to vector<16xf32>
        %swap3A_313 = vector.shape_cast %add3A_304 : vector<16xf32> to vector<1x1x1x16xf32>
        tpu.vector_store %arg9[%swap3A_307, %swap3A_308, %swap3A_309, %swap3A_310], %swap3A_313 {strides = array<i32>} : memref<2x2x100x64xf32, #tpu.memory_space<vmem>>, vector<1x1x1x16xf32>,
        %get3A_314 = arith.constant 0 : i32
        %get3A_315 = arith.constant 0 : i32
        %get3A_316 = arith.index_cast %get3A_314 : i32 to index
        %get3A_317 = arith.index_cast %get3A_315 : i32 to index
        %get3A_318 = arith.index_cast %add3A_243 : i32 to index
        %get3A_319 = arith.constant 48 : index
        %get3A_320 = tpu.vector_load %arg8[%get3A_316, %get3A_317, %get3A_318, %get3A_319] {strides = array<i32>} : memref<2x2x100x64xf32, #tpu.memory_space<vmem>>, vector<1x1x1x16xf32>,
        %get3A_321 = vector.shape_cast %get3A_320 : vector<1x1x1x16xf32> to vector<16xf32>
        %get3A_322 = arith.constant 0 : i32
        %get3A_323 = arith.index_cast %get3A_322 : i32 to index
        %get3A_324 = arith.index_cast %add3A_243 : i32 to index
        %get3A_325 = arith.constant 48 : index
        %get3A_326 = tpu.vector_load %arg6[%get3A_323, %get3A_324, %get3A_325] {strides = array<i32>} : memref<2x100x64xf32, #tpu.memory_space<vmem>>, vector<1x1x16xf32>,
        %get3A_327 = vector.shape_cast %get3A_326 : vector<1x1x16xf32> to vector<16xf32>
        %add3A_328 = arith.addf %get3A_321, %get3A_327 : vector<16xf32>
        %swap3A_329 = arith.constant 0 : i32
        %swap3A_330 = arith.constant 0 : i32
        %swap3A_331 = arith.index_cast %swap3A_329 : i32 to index
        %swap3A_332 = arith.index_cast %swap3A_330 : i32 to index
        %swap3A_333 = arith.index_cast %add3A_243 : i32 to index
        %swap3A_334 = arith.constant 48 : index
        %swap3A_335 = tpu.vector_load %arg9[%swap3A_331, %swap3A_332, %swap3A_333, %swap3A_334] {strides = array<i32>} : memref<2x2x100x64xf32, #tpu.memory_space<vmem>>, vector<1x1x1x16xf32>,
        %swap3A_336 = vector.shape_cast %swap3A_335 : vector<1x1x1x16xf32> to vector<16xf32>
        %swap3A_337 = vector.shape_cast %add3A_328 : vector<16xf32> to vector<1x1x1x16xf32>
        tpu.vector_store %arg9[%swap3A_331, %swap3A_332, %swap3A_333, %swap3A_334], %swap3A_337 {strides = array<i32>} : memref<2x2x100x64xf32, #tpu.memory_space<vmem>>, vector<1x1x1x16xf32>,
        %get3A_338 = arith.constant 0 : i32
        %get3A_339 = arith.constant 1 : i32
        %get3A_340 = arith.index_cast %get3A_338 : i32 to index
        %get3A_341 = arith.index_cast %get3A_339 : i32 to index
        %get3A_342 = arith.index_cast %add3A_243 : i32 to index
        %get3A_343 = arith.constant 0 : index
        %get3A_344 = tpu.vector_load %arg8[%get3A_340, %get3A_341, %get3A_342, %get3A_343] {strides = array<i32>} : memref<2x2x100x64xf32, #tpu.memory_space<vmem>>, vector<1x1x1x16xf32>,
        %get3A_345 = vector.shape_cast %get3A_344 : vector<1x1x1x16xf32> to vector<16xf32>
        %get3A_346 = arith.constant 1 : i32
        %get3A_347 = arith.index_cast %get3A_346 : i32 to index
        %get3A_348 = arith.index_cast %add3A_243 : i32 to index
        %get3A_349 = arith.constant 0 : index
        %get3A_350 = tpu.vector_load %arg6[%get3A_347, %get3A_348, %get3A_349] {strides = array<i32>} : memref<2x100x64xf32, #tpu.memory_space<vmem>>, vector<1x1x16xf32>,
        %get3A_351 = vector.shape_cast %get3A_350 : vector<1x1x16xf32> to vector<16xf32>
        %add3A_352 = arith.addf %get3A_345, %get3A_351 : vector<16xf32>
        %swap3A_353 = arith.constant 0 : i32
        %swap3A_354 = arith.constant 1 : i32
        %swap3A_355 = arith.index_cast %swap3A_353 : i32 to index
        %swap3A_356 = arith.index_cast %swap3A_354 : i32 to index
        %swap3A_357 = arith.index_cast %add3A_243 : i32 to index
        %swap3A_358 = arith.constant 0 : index
        %swap3A_359 = tpu.vector_load %arg9[%swap3A_355, %swap3A_356, %swap3A_357, %swap3A_358] {strides = array<i32>} : memref<2x2x100x64xf32, #tpu.memory_space<vmem>>, vector<1x1x1x16xf32>,
        %swap3A_360 = vector.shape_cast %swap3A_359 : vector<1x1x1x16xf32> to vector<16xf32>
        %swap3A_361 = vector.shape_cast %add3A_352 : vector<16xf32> to vector<1x1x1x16xf32>
        tpu.vector_store %arg9[%swap3A_355, %swap3A_356, %swap3A_357, %swap3A_358], %swap3A_361 {strides = array<i32>} : memref<2x2x100x64xf32, #tpu.memory_space<vmem>>, vector<1x1x1x16xf32>,
        %get3A_362 = arith.constant 0 : i32
        %get3A_363 = arith.constant 1 : i32
        %get3A_364 = arith.index_cast %get3A_362 : i32 to index
        %get3A_365 = arith.index_cast %get3A_363 : i32 to index
        %get3A_366 = arith.index_cast %add3A_243 : i32 to index
        %get3A_367 = arith.constant 16 : index
        %get3A_368 = tpu.vector_load %arg8[%get3A_364, %get3A_365, %get3A_366, %get3A_367] {strides = array<i32>} : memref<2x2x100x64xf32, #tpu.memory_space<vmem>>, vector<1x1x1x16xf32>,
        %get3A_369 = vector.shape_cast %get3A_368 : vector<1x1x1x16xf32> to vector<16xf32>
        %get3A_370 = arith.constant 1 : i32
        %get3A_371 = arith.index_cast %get3A_370 : i32 to index
        %get3A_372 = arith.index_cast %add3A_243 : i32 to index
        %get3A_373 = arith.constant 16 : index
        %get3A_374 = tpu.vector_load %arg6[%get3A_371, %get3A_372, %get3A_373] {strides = array<i32>} : memref<2x100x64xf32, #tpu.memory_space<vmem>>, vector<1x1x16xf32>,
        %get3A_375 = vector.shape_cast %get3A_374 : vector<1x1x16xf32> to vector<16xf32>
        %add3A_376 = arith.addf %get3A_369, %get3A_375 : vector<16xf32>
        %swap3A_377 = arith.constant 0 : i32
        %swap3A_378 = arith.constant 1 : i32
        %swap3A_379 = arith.index_cast %swap3A_377 : i32 to index
        %swap3A_380 = arith.index_cast %swap3A_378 : i32 to index
        %swap3A_381 = arith.index_cast %add3A_243 : i32 to index
        %swap3A_382 = arith.constant 16 : index
        %swap3A_383 = tpu.vector_load %arg9[%swap3A_379, %swap3A_380, %swap3A_381, %swap3A_382] {strides = array<i32>} : memref<2x2x100x64xf32, #tpu.memory_space<vmem>>, vector<1x1x1x16xf32>,
        %swap3A_384 = vector.shape_cast %swap3A_383 : vector<1x1x1x16xf32> to vector<16xf32>
        %swap3A_385 = vector.shape_cast %add3A_376 : vector<16xf32> to vector<1x1x1x16xf32>
        tpu.vector_store %arg9[%swap3A_379, %swap3A_380, %swap3A_381, %swap3A_382], %swap3A_385 {strides = array<i32>} : memref<2x2x100x64xf32, #tpu.memory_space<vmem>>, vector<1x1x1x16xf32>,
        %get3A_386 = arith.constant 0 : i32
        %get3A_387 = arith.constant 1 : i32
        %get3A_388 = arith.index_cast %get3A_386 : i32 to index
        %get3A_389 = arith.index_cast %get3A_387 : i32 to index
        %get3A_390 = arith.index_cast %add3A_243 : i32 to index
        %get3A_391 = arith.constant 32 : index
        %get3A_392 = tpu.vector_load %arg8[%get3A_388, %get3A_389, %get3A_390, %get3A_391] {strides = array<i32>} : memref<2x2x100x64xf32, #tpu.memory_space<vmem>>, vector<1x1x1x16xf32>,
        %get3A_393 = vector.shape_cast %get3A_392 : vector<1x1x1x16xf32> to vector<16xf32>
        %get3A_394 = arith.constant 1 : i32
        %get3A_395 = arith.index_cast %get3A_394 : i32 to index
        %get3A_396 = arith.index_cast %add3A_243 : i32 to index
        %get3A_397 = arith.constant 32 : index
        %get3A_398 = tpu.vector_load %arg6[%get3A_395, %get3A_396, %get3A_397] {strides = array<i32>} : memref<2x100x64xf32, #tpu.memory_space<vmem>>, vector<1x1x16xf32>,
        %get3A_399 = vector.shape_cast %get3A_398 : vector<1x1x16xf32> to vector<16xf32>
        %add3A_400 = arith.addf %get3A_393, %get3A_399 : vector<16xf32>
        %swap3A_401 = arith.constant 0 : i32
        %swap3A_402 = arith.constant 1 : i32
        %swap3A_403 = arith.index_cast %swap3A_401 : i32 to index
        %swap3A_404 = arith.index_cast %swap3A_402 : i32 to index
        %swap3A_405 = arith.index_cast %add3A_243 : i32 to index
        %swap3A_406 = arith.constant 32 : index
        %swap3A_407 = tpu.vector_load %arg9[%swap3A_403, %swap3A_404, %swap3A_405, %swap3A_406] {strides = array<i32>} : memref<2x2x100x64xf32, #tpu.memory_space<vmem>>, vector<1x1x1x16xf32>,
        %swap3A_408 = vector.shape_cast %swap3A_407 : vector<1x1x1x16xf32> to vector<16xf32>
        %swap3A_409 = vector.shape_cast %add3A_400 : vector<16xf32> to vector<1x1x1x16xf32>
        tpu.vector_store %arg9[%swap3A_403, %swap3A_404, %swap3A_405, %swap3A_406], %swap3A_409 {strides = array<i32>} : memref<2x2x100x64xf32, #tpu.memory_space<vmem>>, vector<1x1x1x16xf32>,
        %get3A_410 = arith.constant 0 : i32
        %get3A_411 = arith.constant 1 : i32
        %get3A_412 = arith.index_cast %get3A_410 : i32 to index
        %get3A_413 = arith.index_cast %get3A_411 : i32 to index
        %get3A_414 = arith.index_cast %add3A_243 : i32 to index
        %get3A_415 = arith.constant 48 : index
        %get3A_416 = tpu.vector_load %arg8[%get3A_412, %get3A_413, %get3A_414, %get3A_415] {strides = array<i32>} : memref<2x2x100x64xf32, #tpu.memory_space<vmem>>, vector<1x1x1x16xf32>,
        %get3A_417 = vector.shape_cast %get3A_416 : vector<1x1x1x16xf32> to vector<16xf32>
        %get3A_418 = arith.constant 1 : i32
        %get3A_419 = arith.index_cast %get3A_418 : i32 to index
        %get3A_420 = arith.index_cast %add3A_243 : i32 to index
        %get3A_421 = arith.constant 48 : index
        %get3A_422 = tpu.vector_load %arg6[%get3A_419, %get3A_420, %get3A_421] {strides = array<i32>} : memref<2x100x64xf32, #tpu.memory_space<vmem>>, vector<1x1x16xf32>,
        %get3A_423 = vector.shape_cast %get3A_422 : vector<1x1x16xf32> to vector<16xf32>
        %add3A_424 = arith.addf %get3A_417, %get3A_423 : vector<16xf32>
        %swap3A_425 = arith.constant 0 : i32
        %swap3A_426 = arith.constant 1 : i32
        %swap3A_427 = arith.index_cast %swap3A_425 : i32 to index
        %swap3A_428 = arith.index_cast %swap3A_426 : i32 to index
        %swap3A_429 = arith.index_cast %add3A_243 : i32 to index
        %swap3A_430 = arith.constant 48 : index
        %swap3A_431 = tpu.vector_load %arg9[%swap3A_427, %swap3A_428, %swap3A_429, %swap3A_430] {strides = array<i32>} : memref<2x2x100x64xf32, #tpu.memory_space<vmem>>, vector<1x1x1x16xf32>,
        %swap3A_432 = vector.shape_cast %swap3A_431 : vector<1x1x1x16xf32> to vector<16xf32>
        %swap3A_433 = vector.shape_cast %add3A_424 : vector<16xf32> to vector<1x1x1x16xf32>
        tpu.vector_store %arg9[%swap3A_427, %swap3A_428, %swap3A_429, %swap3A_430], %swap3A_433 {strides = array<i32>} : memref<2x2x100x64xf32, #tpu.memory_space<vmem>>, vector<1x1x1x16xf32>,
        %scan3A_434 = arith.constant 1 : i32
        %scan3A_435 = arith.addi %scan3A_239, %scan3A_434 : i32
        %mul3A_436 = arith.constant 1 : i32
        %mul3A_437 = arith.muli %scan3A_435, %mul3A_436 : i32
        %add3A_438 = arith.constant 0 : i32
        %add3A_439 = arith.addi %add3A_438, %mul3A_437 : i32
        %get3A_440 = arith.constant 0 : i32
        %get3A_441 = arith.constant 0 : i32
        %get3A_442 = arith.index_cast %get3A_440 : i32 to index
        %get3A_443 = arith.index_cast %get3A_441 : i32 to index
        %get3A_444 = arith.index_cast %add3A_439 : i32 to index
        %get3A_445 = arith.constant 0 : index
        %get3A_446 = tpu.vector_load %arg8[%get3A_442, %get3A_443, %get3A_444, %get3A_445] {strides = array<i32>} : memref<2x2x100x64xf32, #tpu.memory_space<vmem>>, vector<1x1x1x16xf32>,
        %get3A_447 = vector.shape_cast %get3A_446 : vector<1x1x1x16xf32> to vector<16xf32>
        %get3A_448 = arith.constant 0 : i32
        %get3A_449 = arith.index_cast %get3A_448 : i32 to index
        %get3A_450 = arith.index_cast %add3A_439 : i32 to index
        %get3A_451 = arith.constant 0 : index
        %get3A_452 = tpu.vector_load %arg6[%get3A_449, %get3A_450, %get3A_451] {strides = array<i32>} : memref<2x100x64xf32, #tpu.memory_space<vmem>>, vector<1x1x16xf32>,
        %get3A_453 = vector.shape_cast %get3A_452 : vector<1x1x16xf32> to vector<16xf32>
        %add3A_454 = arith.addf %get3A_447, %get3A_453 : vector<16xf32>
        %swap3A_455 = arith.constant 0 : i32
        %swap3A_456 = arith.constant 0 : i32
        %swap3A_457 = arith.index_cast %swap3A_455 : i32 to index
        %swap3A_458 = arith.index_cast %swap3A_456 : i32 to index
        %swap3A_459 = arith.index_cast %add3A_439 : i32 to index
        %swap3A_460 = arith.constant 0 : index
        %swap3A_461 = tpu.vector_load %arg9[%swap3A_457, %swap3A_458, %swap3A_459, %swap3A_460] {strides = array<i32>} : memref<2x2x100x64xf32, #tpu.memory_space<vmem>>, vector<1x1x1x16xf32>,
        %swap3A_462 = vector.shape_cast %swap3A_461 : vector<1x1x1x16xf32> to vector<16xf32>
        %swap3A_463 = vector.shape_cast %add3A_454 : vector<16xf32> to vector<1x1x1x16xf32>
        tpu.vector_store %arg9[%swap3A_457, %swap3A_458, %swap3A_459, %swap3A_460], %swap3A_463 {strides = array<i32>} : memref<2x2x100x64xf32, #tpu.memory_space<vmem>>, vector<1x1x1x16xf32>,
        %get3A_464 = arith.constant 0 : i32
        %get3A_465 = arith.constant 0 : i32
        %get3A_466 = arith.index_cast %get3A_464 : i32 to index
        %get3A_467 = arith.index_cast %get3A_465 : i32 to index
        %get3A_468 = arith.index_cast %add3A_439 : i32 to index
        %get3A_469 = arith.constant 16 : index
        %get3A_470 = tpu.vector_load %arg8[%get3A_466, %get3A_467, %get3A_468, %get3A_469] {strides = array<i32>} : memref<2x2x100x64xf32, #tpu.memory_space<vmem>>, vector<1x1x1x16xf32>,
        %get3A_471 = vector.shape_cast %get3A_470 : vector<1x1x1x16xf32> to vector<16xf32>
        %get3A_472 = arith.constant 0 : i32
        %get3A_473 = arith.index_cast %get3A_472 : i32 to index
        %get3A_474 = arith.index_cast %add3A_439 : i32 to index
        %get3A_475 = arith.constant 16 : index
        %get3A_476 = tpu.vector_load %arg6[%get3A_473, %get3A_474, %get3A_475] {strides = array<i32>} : memref<2x100x64xf32, #tpu.memory_space<vmem>>, vector<1x1x16xf32>,
        %get3A_477 = vector.shape_cast %get3A_476 : vector<1x1x16xf32> to vector<16xf32>
        %add3A_478 = arith.addf %get3A_471, %get3A_477 : vector<16xf32>
        %swap3A_479 = arith.constant 0 : i32
        %swap3A_480 = arith.constant 0 : i32
        %swap3A_481 = arith.index_cast %swap3A_479 : i32 to index
        %swap3A_482 = arith.index_cast %swap3A_480 : i32 to index
        %swap3A_483 = arith.index_cast %add3A_439 : i32 to index
        %swap3A_484 = arith.constant 16 : index
        %swap3A_485 = tpu.vector_load %arg9[%swap3A_481, %swap3A_482, %swap3A_483, %swap3A_484] {strides = array<i32>} : memref<2x2x100x64xf32, #tpu.memory_space<vmem>>, vector<1x1x1x16xf32>,
        %swap3A_486 = vector.shape_cast %swap3A_485 : vector<1x1x1x16xf32> to vector<16xf32>
        %swap3A_487 = vector.shape_cast %add3A_478 : vector<16xf32> to vector<1x1x1x16xf32>
        tpu.vector_store %arg9[%swap3A_481, %swap3A_482, %swap3A_483, %swap3A_484], %swap3A_487 {strides = array<i32>} : memref<2x2x100x64xf32, #tpu.memory_space<vmem>>, vector<1x1x1x16xf32>,
        %get3A_488 = arith.constant 0 : i32
        %get3A_489 = arith.constant 0 : i32
        %get3A_490 = arith.index_cast %get3A_488 : i32 to index
        %get3A_491 = arith.index_cast %get3A_489 : i32 to index
        %get3A_492 = arith.index_cast %add3A_439 : i32 to index
        %get3A_493 = arith.constant 32 : index
        %get3A_494 = tpu.vector_load %arg8[%get3A_490, %get3A_491, %get3A_492, %get3A_493] {strides = array<i32>} : memref<2x2x100x64xf32, #tpu.memory_space<vmem>>, vector<1x1x1x16xf32>,
        %get3A_495 = vector.shape_cast %get3A_494 : vector<1x1x1x16xf32> to vector<16xf32>
        %get3A_496 = arith.constant 0 : i32
        %get3A_497 = arith.index_cast %get3A_496 : i32 to index
        %get3A_498 = arith.index_cast %add3A_439 : i32 to index
        %get3A_499 = arith.constant 32 : index
        %get3A_500 = tpu.vector_load %arg6[%get3A_497, %get3A_498, %get3A_499] {strides = array<i32>} : memref<2x100x64xf32, #tpu.memory_space<vmem>>, vector<1x1x16xf32>,
        %get3A_501 = vector.shape_cast %get3A_500 : vector<1x1x16xf32> to vector<16xf32>
        %add3A_502 = arith.addf %get3A_495, %get3A_501 : vector<16xf32>
        %swap3A_503 = arith.constant 0 : i32
        %swap3A_504 = arith.constant 0 : i32
        %swap3A_505 = arith.index_cast %swap3A_503 : i32 to index
        %swap3A_506 = arith.index_cast %swap3A_504 : i32 to index
        %swap3A_507 = arith.index_cast %add3A_439 : i32 to index
        %swap3A_508 = arith.constant 32 : index
        %swap3A_509 = tpu.vector_load %arg9[%swap3A_505, %swap3A_506, %swap3A_507, %swap3A_508] {strides = array<i32>} : memref<2x2x100x64xf32, #tpu.memory_space<vmem>>, vector<1x1x1x16xf32>,
        %swap3A_510 = vector.shape_cast %swap3A_509 : vector<1x1x1x16xf32> to vector<16xf32>
        %swap3A_511 = vector.shape_cast %add3A_502 : vector<16xf32> to vector<1x1x1x16xf32>
        tpu.vector_store %arg9[%swap3A_505, %swap3A_506, %swap3A_507, %swap3A_508], %swap3A_511 {strides = array<i32>} : memref<2x2x100x64xf32, #tpu.memory_space<vmem>>, vector<1x1x1x16xf32>,
        %get3A_512 = arith.constant 0 : i32
        %get3A_513 = arith.constant 0 : i32
        %get3A_514 = arith.index_cast %get3A_512 : i32 to index
        %get3A_515 = arith.index_cast %get3A_513 : i32 to index
        %get3A_516 = arith.index_cast %add3A_439 : i32 to index
        %get3A_517 = arith.constant 48 : index
        %get3A_518 = tpu.vector_load %arg8[%get3A_514, %get3A_515, %get3A_516, %get3A_517] {strides = array<i32>} : memref<2x2x100x64xf32, #tpu.memory_space<vmem>>, vector<1x1x1x16xf32>,
        %get3A_519 = vector.shape_cast %get3A_518 : vector<1x1x1x16xf32> to vector<16xf32>
        %get3A_520 = arith.constant 0 : i32
        %get3A_521 = arith.index_cast %get3A_520 : i32 to index
        %get3A_522 = arith.index_cast %add3A_439 : i32 to index
        %get3A_523 = arith.constant 48 : index
        %get3A_524 = tpu.vector_load %arg6[%get3A_521, %get3A_522, %get3A_523] {strides = array<i32>} : memref<2x100x64xf32, #tpu.memory_space<vmem>>, vector<1x1x16xf32>,
        %get3A_525 = vector.shape_cast %get3A_524 : vector<1x1x16xf32> to vector<16xf32>
        %add3A_526 = arith.addf %get3A_519, %get3A_525 : vector<16xf32>
        %swap3A_527 = arith.constant 0 : i32
        %swap3A_528 = arith.constant 0 : i32
        %swap3A_529 = arith.index_cast %swap3A_527 : i32 to index
        %swap3A_530 = arith.index_cast %swap3A_528 : i32 to index
        %swap3A_531 = arith.index_cast %add3A_439 : i32 to index
        %swap3A_532 = arith.constant 48 : index
        %swap3A_533 = tpu.vector_load %arg9[%swap3A_529, %swap3A_530, %swap3A_531, %swap3A_532] {strides = array<i32>} : memref<2x2x100x64xf32, #tpu.memory_space<vmem>>, vector<1x1x1x16xf32>,
        %swap3A_534 = vector.shape_cast %swap3A_533 : vector<1x1x1x16xf32> to vector<16xf32>
        %swap3A_535 = vector.shape_cast %add3A_526 : vector<16xf32> to vector<1x1x1x16xf32>
        tpu.vector_store %arg9[%swap3A_529, %swap3A_530, %swap3A_531, %swap3A_532], %swap3A_535 {strides = array<i32>} : memref<2x2x100x64xf32, #tpu.memory_space<vmem>>, vector<1x1x1x16xf32>,
        %get3A_536 = arith.constant 0 : i32
        %get3A_537 = arith.constant 1 : i32
        %get3A_538 = arith.index_cast %get3A_536 : i32 to index
        %get3A_539 = arith.index_cast %get3A_537 : i32 to index
        %get3A_540 = arith.index_cast %add3A_439 : i32 to index
        %get3A_541 = arith.constant 0 : index
        %get3A_542 = tpu.vector_load %arg8[%get3A_538, %get3A_539, %get3A_540, %get3A_541] {strides = array<i32>} : memref<2x2x100x64xf32, #tpu.memory_space<vmem>>, vector<1x1x1x16xf32>,
        %get3A_543 = vector.shape_cast %get3A_542 : vector<1x1x1x16xf32> to vector<16xf32>
        %get3A_544 = arith.constant 1 : i32
        %get3A_545 = arith.index_cast %get3A_544 : i32 to index
        %get3A_546 = arith.index_cast %add3A_439 : i32 to index
        %get3A_547 = arith.constant 0 : index
        %get3A_548 = tpu.vector_load %arg6[%get3A_545, %get3A_546, %get3A_547] {strides = array<i32>} : memref<2x100x64xf32, #tpu.memory_space<vmem>>, vector<1x1x16xf32>,
        %get3A_549 = vector.shape_cast %get3A_548 : vector<1x1x16xf32> to vector<16xf32>
        %add3A_550 = arith.addf %get3A_543, %get3A_549 : vector<16xf32>
        %swap3A_551 = arith.constant 0 : i32
        %swap3A_552 = arith.constant 1 : i32
        %swap3A_553 = arith.index_cast %swap3A_551 : i32 to index
        %swap3A_554 = arith.index_cast %swap3A_552 : i32 to index
        %swap3A_555 = arith.index_cast %add3A_439 : i32 to index
        %swap3A_556 = arith.constant 0 : index
        %swap3A_557 = tpu.vector_load %arg9[%swap3A_553, %swap3A_554, %swap3A_555, %swap3A_556] {strides = array<i32>} : memref<2x2x100x64xf32, #tpu.memory_space<vmem>>, vector<1x1x1x16xf32>,
        %swap3A_558 = vector.shape_cast %swap3A_557 : vector<1x1x1x16xf32> to vector<16xf32>
        %swap3A_559 = vector.shape_cast %add3A_550 : vector<16xf32> to vector<1x1x1x16xf32>
        tpu.vector_store %arg9[%swap3A_553, %swap3A_554, %swap3A_555, %swap3A_556], %swap3A_559 {strides = array<i32>} : memref<2x2x100x64xf32, #tpu.memory_space<vmem>>, vector<1x1x1x16xf32>,
        %get3A_560 = arith.constant 0 : i32
        %get3A_561 = arith.constant 1 : i32
        %get3A_562 = arith.index_cast %get3A_560 : i32 to index
        %get3A_563 = arith.index_cast %get3A_561 : i32 to index
        %get3A_564 = arith.index_cast %add3A_439 : i32 to index
        %get3A_565 = arith.constant 16 : index
        %get3A_566 = tpu.vector_load %arg8[%get3A_562, %get3A_563, %get3A_564, %get3A_565] {strides = array<i32>} : memref<2x2x100x64xf32, #tpu.memory_space<vmem>>, vector<1x1x1x16xf32>,
        %get3A_567 = vector.shape_cast %get3A_566 : vector<1x1x1x16xf32> to vector<16xf32>
        %get3A_568 = arith.constant 1 : i32
        %get3A_569 = arith.index_cast %get3A_568 : i32 to index
        %get3A_570 = arith.index_cast %add3A_439 : i32 to index
        %get3A_571 = arith.constant 16 : index
        %get3A_572 = tpu.vector_load %arg6[%get3A_569, %get3A_570, %get3A_571] {strides = array<i32>} : memref<2x100x64xf32, #tpu.memory_space<vmem>>, vector<1x1x16xf32>,
        %get3A_573 = vector.shape_cast %get3A_572 : vector<1x1x16xf32> to vector<16xf32>
        %add3A_574 = arith.addf %get3A_567, %get3A_573 : vector<16xf32>
        %swap3A_575 = arith.constant 0 : i32
        %swap3A_576 = arith.constant 1 : i32
        %swap3A_577 = arith.index_cast %swap3A_575 : i32 to index
        %swap3A_578 = arith.index_cast %swap3A_576 : i32 to index
        %swap3A_579 = arith.index_cast %add3A_439 : i32 to index
        %swap3A_580 = arith.constant 16 : index
        %swap3A_581 = tpu.vector_load %arg9[%swap3A_577, %swap3A_578, %swap3A_579, %swap3A_580] {strides = array<i32>} : memref<2x2x100x64xf32, #tpu.memory_space<vmem>>, vector<1x1x1x16xf32>,
        %swap3A_582 = vector.shape_cast %swap3A_581 : vector<1x1x1x16xf32> to vector<16xf32>
        %swap3A_583 = vector.shape_cast %add3A_574 : vector<16xf32> to vector<1x1x1x16xf32>
        tpu.vector_store %arg9[%swap3A_577, %swap3A_578, %swap3A_579, %swap3A_580], %swap3A_583 {strides = array<i32>} : memref<2x2x100x64xf32, #tpu.memory_space<vmem>>, vector<1x1x1x16xf32>,
        %get3A_584 = arith.constant 0 : i32
        %get3A_585 = arith.constant 1 : i32
        %get3A_586 = arith.index_cast %get3A_584 : i32 to index
        %get3A_587 = arith.index_cast %get3A_585 : i32 to index
        %get3A_588 = arith.index_cast %add3A_439 : i32 to index
        %get3A_589 = arith.constant 32 : index
        %get3A_590 = tpu.vector_load %arg8[%get3A_586, %get3A_587, %get3A_588, %get3A_589] {strides = array<i32>} : memref<2x2x100x64xf32, #tpu.memory_space<vmem>>, vector<1x1x1x16xf32>,
        %get3A_591 = vector.shape_cast %get3A_590 : vector<1x1x1x16xf32> to vector<16xf32>
        %get3A_592 = arith.constant 1 : i32
        %get3A_593 = arith.index_cast %get3A_592 : i32 to index
        %get3A_594 = arith.index_cast %add3A_439 : i32 to index
        %get3A_595 = arith.constant 32 : index
        %get3A_596 = tpu.vector_load %arg6[%get3A_593, %get3A_594, %get3A_595] {strides = array<i32>} : memref<2x100x64xf32, #tpu.memory_space<vmem>>, vector<1x1x16xf32>,
        %get3A_597 = vector.shape_cast %get3A_596 : vector<1x1x16xf32> to vector<16xf32>
        %add3A_598 = arith.addf %get3A_591, %get3A_597 : vector<16xf32>
        %swap3A_599 = arith.constant 0 : i32
        %swap3A_600 = arith.constant 1 : i32
        %swap3A_601 = arith.index_cast %swap3A_599 : i32 to index
        %swap3A_602 = arith.index_cast %swap3A_600 : i32 to index
        %swap3A_603 = arith.index_cast %add3A_439 : i32 to index
        %swap3A_604 = arith.constant 32 : index
        %swap3A_605 = tpu.vector_load %arg9[%swap3A_601, %swap3A_602, %swap3A_603, %swap3A_604] {strides = array<i32>} : memref<2x2x100x64xf32, #tpu.memory_space<vmem>>, vector<1x1x1x16xf32>,
        %swap3A_606 = vector.shape_cast %swap3A_605 : vector<1x1x1x16xf32> to vector<16xf32>
        %swap3A_607 = vector.shape_cast %add3A_598 : vector<16xf32> to vector<1x1x1x16xf32>
        tpu.vector_store %arg9[%swap3A_601, %swap3A_602, %swap3A_603, %swap3A_604], %swap3A_607 {strides = array<i32>} : memref<2x2x100x64xf32, #tpu.memory_space<vmem>>, vector<1x1x1x16xf32>,
        %get3A_608 = arith.constant 0 : i32
        %get3A_609 = arith.constant 1 : i32
        %get3A_610 = arith.index_cast %get3A_608 : i32 to index
        %get3A_611 = arith.index_cast %get3A_609 : i32 to index
        %get3A_612 = arith.index_cast %add3A_439 : i32 to index
        %get3A_613 = arith.constant 48 : index
        %get3A_614 = tpu.vector_load %arg8[%get3A_610, %get3A_611, %get3A_612, %get3A_613] {strides = array<i32>} : memref<2x2x100x64xf32, #tpu.memory_space<vmem>>, vector<1x1x1x16xf32>,
        %get3A_615 = vector.shape_cast %get3A_614 : vector<1x1x1x16xf32> to vector<16xf32>
        %get3A_616 = arith.constant 1 : i32
        %get3A_617 = arith.index_cast %get3A_616 : i32 to index
        %get3A_618 = arith.index_cast %add3A_439 : i32 to index
        %get3A_619 = arith.constant 48 : index
        %get3A_620 = tpu.vector_load %arg6[%get3A_617, %get3A_618, %get3A_619] {strides = array<i32>} : memref<2x100x64xf32, #tpu.memory_space<vmem>>, vector<1x1x16xf32>,
        %get3A_621 = vector.shape_cast %get3A_620 : vector<1x1x16xf32> to vector<16xf32>
        %add3A_622 = arith.addf %get3A_615, %get3A_621 : vector<16xf32>
        %swap3A_623 = arith.constant 0 : i32
        %swap3A_624 = arith.constant 1 : i32
        %swap3A_625 = arith.index_cast %swap3A_623 : i32 to index
        %swap3A_626 = arith.index_cast %swap3A_624 : i32 to index
        %swap3A_627 = arith.index_cast %add3A_439 : i32 to index
        %swap3A_628 = arith.constant 48 : index
        %swap3A_629 = tpu.vector_load %arg9[%swap3A_625, %swap3A_626, %swap3A_627, %swap3A_628] {strides = array<i32>} : memref<2x2x100x64xf32, #tpu.memory_space<vmem>>, vector<1x1x1x16xf32>,
        %swap3A_630 = vector.shape_cast %swap3A_629 : vector<1x1x1x16xf32> to vector<16xf32>
        %swap3A_631 = vector.shape_cast %add3A_622 : vector<16xf32> to vector<1x1x1x16xf32>
        tpu.vector_store %arg9[%swap3A_625, %swap3A_626, %swap3A_627, %swap3A_628], %swap3A_631 {strides = array<i32>} : memref<2x2x100x64xf32, #tpu.memory_space<vmem>>, vector<1x1x1x16xf32>,
        %scan3A_632 = arith.constant 2 : i32
        %scan3A_633 = arith.addi %scan3A_239, %scan3A_632 : i32
        %mul3A_634 = arith.constant 1 : i32
        %mul3A_635 = arith.muli %scan3A_633, %mul3A_634 : i32
        %add3A_636 = arith.constant 0 : i32
        %add3A_637 = arith.addi %add3A_636, %mul3A_635 : i32
        %get3A_638 = arith.constant 0 : i32
        %get3A_639 = arith.constant 0 : i32
        %get3A_640 = arith.index_cast %get3A_638 : i32 to index
        %get3A_641 = arith.index_cast %get3A_639 : i32 to index
        %get3A_642 = arith.index_cast %add3A_637 : i32 to index
        %get3A_643 = arith.constant 0 : index
        %get3A_644 = tpu.vector_load %arg8[%get3A_640, %get3A_641, %get3A_642, %get3A_643] {strides = array<i32>} : memref<2x2x100x64xf32, #tpu.memory_space<vmem>>, vector<1x1x1x16xf32>,
        %get3A_645 = vector.shape_cast %get3A_644 : vector<1x1x1x16xf32> to vector<16xf32>
        %get3A_646 = arith.constant 0 : i32
        %get3A_647 = arith.index_cast %get3A_646 : i32 to index
        %get3A_648 = arith.index_cast %add3A_637 : i32 to index
        %get3A_649 = arith.constant 0 : index
        %get3A_650 = tpu.vector_load %arg6[%get3A_647, %get3A_648, %get3A_649] {strides = array<i32>} : memref<2x100x64xf32, #tpu.memory_space<vmem>>, vector<1x1x16xf32>,
        %get3A_651 = vector.shape_cast %get3A_650 : vector<1x1x16xf32> to vector<16xf32>
        %add3A_652 = arith.addf %get3A_645, %get3A_651 : vector<16xf32>
        %swap3A_653 = arith.constant 0 : i32
        %swap3A_654 = arith.constant 0 : i32
        %swap3A_655 = arith.index_cast %swap3A_653 : i32 to index
        %swap3A_656 = arith.index_cast %swap3A_654 : i32 to index
        %swap3A_657 = arith.index_cast %add3A_637 : i32 to index
        %swap3A_658 = arith.constant 0 : index
        %swap3A_659 = tpu.vector_load %arg9[%swap3A_655, %swap3A_656, %swap3A_657, %swap3A_658] {strides = array<i32>} : memref<2x2x100x64xf32, #tpu.memory_space<vmem>>, vector<1x1x1x16xf32>,
        %swap3A_660 = vector.shape_cast %swap3A_659 : vector<1x1x1x16xf32> to vector<16xf32>
        %swap3A_661 = vector.shape_cast %add3A_652 : vector<16xf32> to vector<1x1x1x16xf32>
        tpu.vector_store %arg9[%swap3A_655, %swap3A_656, %swap3A_657, %swap3A_658], %swap3A_661 {strides = array<i32>} : memref<2x2x100x64xf32, #tpu.memory_space<vmem>>, vector<1x1x1x16xf32>,
        %get3A_662 = arith.constant 0 : i32
        %get3A_663 = arith.constant 0 : i32
        %get3A_664 = arith.index_cast %get3A_662 : i32 to index
        %get3A_665 = arith.index_cast %get3A_663 : i32 to index
        %get3A_666 = arith.index_cast %add3A_637 : i32 to index
        %get3A_667 = arith.constant 16 : index
        %get3A_668 = tpu.vector_load %arg8[%get3A_664, %get3A_665, %get3A_666, %get3A_667] {strides = array<i32>} : memref<2x2x100x64xf32, #tpu.memory_space<vmem>>, vector<1x1x1x16xf32>,
        %get3A_669 = vector.shape_cast %get3A_668 : vector<1x1x1x16xf32> to vector<16xf32>
        %get3A_670 = arith.constant 0 : i32
        %get3A_671 = arith.index_cast %get3A_670 : i32 to index
        %get3A_672 = arith.index_cast %add3A_637 : i32 to index
        %get3A_673 = arith.constant 16 : index
        %get3A_674 = tpu.vector_load %arg6[%get3A_671, %get3A_672, %get3A_673] {strides = array<i32>} : memref<2x100x64xf32, #tpu.memory_space<vmem>>, vector<1x1x16xf32>,
        %get3A_675 = vector.shape_cast %get3A_674 : vector<1x1x16xf32> to vector<16xf32>
        %add3A_676 = arith.addf %get3A_669, %get3A_675 : vector<16xf32>
        %swap3A_677 = arith.constant 0 : i32
        %swap3A_678 = arith.constant 0 : i32
        %swap3A_679 = arith.index_cast %swap3A_677 : i32 to index
        %swap3A_680 = arith.index_cast %swap3A_678 : i32 to index
        %swap3A_681 = arith.index_cast %add3A_637 : i32 to index
        %swap3A_682 = arith.constant 16 : index
        %swap3A_683 = tpu.vector_load %arg9[%swap3A_679, %swap3A_680, %swap3A_681, %swap3A_682] {strides = array<i32>} : memref<2x2x100x64xf32, #tpu.memory_space<vmem>>, vector<1x1x1x16xf32>,
        %swap3A_684 = vector.shape_cast %swap3A_683 : vector<1x1x1x16xf32> to vector<16xf32>
        %swap3A_685 = vector.shape_cast %add3A_676 : vector<16xf32> to vector<1x1x1x16xf32>
        tpu.vector_store %arg9[%swap3A_679, %swap3A_680, %swap3A_681, %swap3A_682], %swap3A_685 {strides = array<i32>} : memref<2x2x100x64xf32, #tpu.memory_space<vmem>>, vector<1x1x1x16xf32>,
        %get3A_686 = arith.constant 0 : i32
        %get3A_687 = arith.constant 0 : i32
        %get3A_688 = arith.index_cast %get3A_686 : i32 to index
        %get3A_689 = arith.index_cast %get3A_687 : i32 to index
        %get3A_690 = arith.index_cast %add3A_637 : i32 to index
        %get3A_691 = arith.constant 32 : index
        %get3A_692 = tpu.vector_load %arg8[%get3A_688, %get3A_689, %get3A_690, %get3A_691] {strides = array<i32>} : memref<2x2x100x64xf32, #tpu.memory_space<vmem>>, vector<1x1x1x16xf32>,
        %get3A_693 = vector.shape_cast %get3A_692 : vector<1x1x1x16xf32> to vector<16xf32>
        %get3A_694 = arith.constant 0 : i32
        %get3A_695 = arith.index_cast %get3A_694 : i32 to index
        %get3A_696 = arith.index_cast %add3A_637 : i32 to index
        %get3A_697 = arith.constant 32 : index
        %get3A_698 = tpu.vector_load %arg6[%get3A_695, %get3A_696, %get3A_697] {strides = array<i32>} : memref<2x100x64xf32, #tpu.memory_space<vmem>>, vector<1x1x16xf32>,
        %get3A_699 = vector.shape_cast %get3A_698 : vector<1x1x16xf32> to vector<16xf32>
        %add3A_700 = arith.addf %get3A_693, %get3A_699 : vector<16xf32>
        %swap3A_701 = arith.constant 0 : i32
        %swap3A_702 = arith.constant 0 : i32
        %swap3A_703 = arith.index_cast %swap3A_701 : i32 to index
        %swap3A_704 = arith.index_cast %swap3A_702 : i32 to index
        %swap3A_705 = arith.index_cast %add3A_637 : i32 to index
        %swap3A_706 = arith.constant 32 : index
        %swap3A_707 = tpu.vector_load %arg9[%swap3A_703, %swap3A_704, %swap3A_705, %swap3A_706] {strides = array<i32>} : memref<2x2x100x64xf32, #tpu.memory_space<vmem>>, vector<1x1x1x16xf32>,
        %swap3A_708 = vector.shape_cast %swap3A_707 : vector<1x1x1x16xf32> to vector<16xf32>
        %swap3A_709 = vector.shape_cast %add3A_700 : vector<16xf32> to vector<1x1x1x16xf32>
        tpu.vector_store %arg9[%swap3A_703, %swap3A_704, %swap3A_705, %swap3A_706], %swap3A_709 {strides = array<i32>} : memref<2x2x100x64xf32, #tpu.memory_space<vmem>>, vector<1x1x1x16xf32>,
        %get3A_710 = arith.constant 0 : i32
        %get3A_711 = arith.constant 0 : i32
        %get3A_712 = arith.index_cast %get3A_710 : i32 to index
        %get3A_713 = arith.index_cast %get3A_711 : i32 to index
        %get3A_714 = arith.index_cast %add3A_637 : i32 to index
        %get3A_715 = arith.constant 48 : index
        %get3A_716 = tpu.vector_load %arg8[%get3A_712, %get3A_713, %get3A_714, %get3A_715] {strides = array<i32>} : memref<2x2x100x64xf32, #tpu.memory_space<vmem>>, vector<1x1x1x16xf32>,
        %get3A_717 = vector.shape_cast %get3A_716 : vector<1x1x1x16xf32> to vector<16xf32>
        %get3A_718 = arith.constant 0 : i32
        %get3A_719 = arith.index_cast %get3A_718 : i32 to index
        %get3A_720 = arith.index_cast %add3A_637 : i32 to index
        %get3A_721 = arith.constant 48 : index
        %get3A_722 = tpu.vector_load %arg6[%get3A_719, %get3A_720, %get3A_721] {strides = array<i32>} : memref<2x100x64xf32, #tpu.memory_space<vmem>>, vector<1x1x16xf32>,
        %get3A_723 = vector.shape_cast %get3A_722 : vector<1x1x16xf32> to vector<16xf32>
        %add3A_724 = arith.addf %get3A_717, %get3A_723 : vector<16xf32>
        %swap3A_725 = arith.constant 0 : i32
        %swap3A_726 = arith.constant 0 : i32
        %swap3A_727 = arith.index_cast %swap3A_725 : i32 to index
        %swap3A_728 = arith.index_cast %swap3A_726 : i32 to index
        %swap3A_729 = arith.index_cast %add3A_637 : i32 to index
        %swap3A_730 = arith.constant 48 : index
        %swap3A_731 = tpu.vector_load %arg9[%swap3A_727, %swap3A_728, %swap3A_729, %swap3A_730] {strides = array<i32>} : memref<2x2x100x64xf32, #tpu.memory_space<vmem>>, vector<1x1x1x16xf32>,
        %swap3A_732 = vector.shape_cast %swap3A_731 : vector<1x1x1x16xf32> to vector<16xf32>
        %swap3A_733 = vector.shape_cast %add3A_724 : vector<16xf32> to vector<1x1x1x16xf32>
        tpu.vector_store %arg9[%swap3A_727, %swap3A_728, %swap3A_729, %swap3A_730], %swap3A_733 {strides = array<i32>} : memref<2x2x100x64xf32, #tpu.memory_space<vmem>>, vector<1x1x1x16xf32>,
        %get3A_734 = arith.constant 0 : i32
        %get3A_735 = arith.constant 1 : i32
        %get3A_736 = arith.index_cast %get3A_734 : i32 to index
        %get3A_737 = arith.index_cast %get3A_735 : i32 to index
        %get3A_738 = arith.index_cast %add3A_637 : i32 to index
        %get3A_739 = arith.constant 0 : index
        %get3A_740 = tpu.vector_load %arg8[%get3A_736, %get3A_737, %get3A_738, %get3A_739] {strides = array<i32>} : memref<2x2x100x64xf32, #tpu.memory_space<vmem>>, vector<1x1x1x16xf32>,
        %get3A_741 = vector.shape_cast %get3A_740 : vector<1x1x1x16xf32> to vector<16xf32>
        %get3A_742 = arith.constant 1 : i32
        %get3A_743 = arith.index_cast %get3A_742 : i32 to index
        %get3A_744 = arith.index_cast %add3A_637 : i32 to index
        %get3A_745 = arith.constant 0 : index
        %get3A_746 = tpu.vector_load %arg6[%get3A_743, %get3A_744, %get3A_745] {strides = array<i32>} : memref<2x100x64xf32, #tpu.memory_space<vmem>>, vector<1x1x16xf32>,
        %get3A_747 = vector.shape_cast %get3A_746 : vector<1x1x16xf32> to vector<16xf32>
        %add3A_748 = arith.addf %get3A_741, %get3A_747 : vector<16xf32>
        %swap3A_749 = arith.constant 0 : i32
        %swap3A_750 = arith.constant 1 : i32
        %swap3A_751 = arith.index_cast %swap3A_749 : i32 to index
        %swap3A_752 = arith.index_cast %swap3A_750 : i32 to index
        %swap3A_753 = arith.index_cast %add3A_637 : i32 to index
        %swap3A_754 = arith.constant 0 : index
        %swap3A_755 = tpu.vector_load %arg9[%swap3A_751, %swap3A_752, %swap3A_753, %swap3A_754] {strides = array<i32>} : memref<2x2x100x64xf32, #tpu.memory_space<vmem>>, vector<1x1x1x16xf32>,
        %swap3A_756 = vector.shape_cast %swap3A_755 : vector<1x1x1x16xf32> to vector<16xf32>
        %swap3A_757 = vector.shape_cast %add3A_748 : vector<16xf32> to vector<1x1x1x16xf32>
        tpu.vector_store %arg9[%swap3A_751, %swap3A_752, %swap3A_753, %swap3A_754], %swap3A_757 {strides = array<i32>} : memref<2x2x100x64xf32, #tpu.memory_space<vmem>>, vector<1x1x1x16xf32>,
        %get3A_758 = arith.constant 0 : i32
        %get3A_759 = arith.constant 1 : i32
        %get3A_760 = arith.index_cast %get3A_758 : i32 to index
        %get3A_761 = arith.index_cast %get3A_759 : i32 to index
        %get3A_762 = arith.index_cast %add3A_637 : i32 to index
        %get3A_763 = arith.constant 16 : index
        %get3A_764 = tpu.vector_load %arg8[%get3A_760, %get3A_761, %get3A_762, %get3A_763] {strides = array<i32>} : memref<2x2x100x64xf32, #tpu.memory_space<vmem>>, vector<1x1x1x16xf32>,
        %get3A_765 = vector.shape_cast %get3A_764 : vector<1x1x1x16xf32> to vector<16xf32>
        %get3A_766 = arith.constant 1 : i32
        %get3A_767 = arith.index_cast %get3A_766 : i32 to index
        %get3A_768 = arith.index_cast %add3A_637 : i32 to index
        %get3A_769 = arith.constant 16 : index
        %get3A_770 = tpu.vector_load %arg6[%get3A_767, %get3A_768, %get3A_769] {strides = array<i32>} : memref<2x100x64xf32, #tpu.memory_space<vmem>>, vector<1x1x16xf32>,
        %get3A_771 = vector.shape_cast %get3A_770 : vector<1x1x16xf32> to vector<16xf32>
        %add3A_772 = arith.addf %get3A_765, %get3A_771 : vector<16xf32>
        %swap3A_773 = arith.constant 0 : i32
        %swap3A_774 = arith.constant 1 : i32
        %swap3A_775 = arith.index_cast %swap3A_773 : i32 to index
        %swap3A_776 = arith.index_cast %swap3A_774 : i32 to index
        %swap3A_777 = arith.index_cast %add3A_637 : i32 to index
        %swap3A_778 = arith.constant 16 : index
        %swap3A_779 = tpu.vector_load %arg9[%swap3A_775, %swap3A_776, %swap3A_777, %swap3A_778] {strides = array<i32>} : memref<2x2x100x64xf32, #tpu.memory_space<vmem>>, vector<1x1x1x16xf32>,
        %swap3A_780 = vector.shape_cast %swap3A_779 : vector<1x1x1x16xf32> to vector<16xf32>
        %swap3A_781 = vector.shape_cast %add3A_772 : vector<16xf32> to vector<1x1x1x16xf32>
        tpu.vector_store %arg9[%swap3A_775, %swap3A_776, %swap3A_777, %swap3A_778], %swap3A_781 {strides = array<i32>} : memref<2x2x100x64xf32, #tpu.memory_space<vmem>>, vector<1x1x1x16xf32>,
        %get3A_782 = arith.constant 0 : i32
        %get3A_783 = arith.constant 1 : i32
        %get3A_784 = arith.index_cast %get3A_782 : i32 to index
        %get3A_785 = arith.index_cast %get3A_783 : i32 to index
        %get3A_786 = arith.index_cast %add3A_637 : i32 to index
        %get3A_787 = arith.constant 32 : index
        %get3A_788 = tpu.vector_load %arg8[%get3A_784, %get3A_785, %get3A_786, %get3A_787] {strides = array<i32>} : memref<2x2x100x64xf32, #tpu.memory_space<vmem>>, vector<1x1x1x16xf32>,
        %get3A_789 = vector.shape_cast %get3A_788 : vector<1x1x1x16xf32> to vector<16xf32>
        %get3A_790 = arith.constant 1 : i32
        %get3A_791 = arith.index_cast %get3A_790 : i32 to index
        %get3A_792 = arith.index_cast %add3A_637 : i32 to index
        %get3A_793 = arith.constant 32 : index
        %get3A_794 = tpu.vector_load %arg6[%get3A_791, %get3A_792, %get3A_793] {strides = array<i32>} : memref<2x100x64xf32, #tpu.memory_space<vmem>>, vector<1x1x16xf32>,
        %get3A_795 = vector.shape_cast %get3A_794 : vector<1x1x16xf32> to vector<16xf32>
        %add3A_796 = arith.addf %get3A_789, %get3A_795 : vector<16xf32>
        %swap3A_797 = arith.constant 0 : i32
        %swap3A_798 = arith.constant 1 : i32
        %swap3A_799 = arith.index_cast %swap3A_797 : i32 to index
        %swap3A_800 = arith.index_cast %swap3A_798 : i32 to index
        %swap3A_801 = arith.index_cast %add3A_637 : i32 to index
        %swap3A_802 = arith.constant 32 : index
        %swap3A_803 = tpu.vector_load %arg9[%swap3A_799, %swap3A_800, %swap3A_801, %swap3A_802] {strides = array<i32>} : memref<2x2x100x64xf32, #tpu.memory_space<vmem>>, vector<1x1x1x16xf32>,
        %swap3A_804 = vector.shape_cast %swap3A_803 : vector<1x1x1x16xf32> to vector<16xf32>
        %swap3A_805 = vector.shape_cast %add3A_796 : vector<16xf32> to vector<1x1x1x16xf32>
        tpu.vector_store %arg9[%swap3A_799, %swap3A_800, %swap3A_801, %swap3A_802], %swap3A_805 {strides = array<i32>} : memref<2x2x100x64xf32, #tpu.memory_space<vmem>>, vector<1x1x1x16xf32>,
        %get3A_806 = arith.constant 0 : i32
        %get3A_807 = arith.constant 1 : i32
        %get3A_808 = arith.index_cast %get3A_806 : i32 to index
        %get3A_809 = arith.index_cast %get3A_807 : i32 to index
        %get3A_810 = arith.index_cast %add3A_637 : i32 to index
        %get3A_811 = arith.constant 48 : index
        %get3A_812 = tpu.vector_load %arg8[%get3A_808, %get3A_809, %get3A_810, %get3A_811] {strides = array<i32>} : memref<2x2x100x64xf32, #tpu.memory_space<vmem>>, vector<1x1x1x16xf32>,
        %get3A_813 = vector.shape_cast %get3A_812 : vector<1x1x1x16xf32> to vector<16xf32>
        %get3A_814 = arith.constant 1 : i32
        %get3A_815 = arith.index_cast %get3A_814 : i32 to index
        %get3A_816 = arith.index_cast %add3A_637 : i32 to index
        %get3A_817 = arith.constant 48 : index
        %get3A_818 = tpu.vector_load %arg6[%get3A_815, %get3A_816, %get3A_817] {strides = array<i32>} : memref<2x100x64xf32, #tpu.memory_space<vmem>>, vector<1x1x16xf32>,
        %get3A_819 = vector.shape_cast %get3A_818 : vector<1x1x16xf32> to vector<16xf32>
        %add3A_820 = arith.addf %get3A_813, %get3A_819 : vector<16xf32>
        %swap3A_821 = arith.constant 0 : i32
        %swap3A_822 = arith.constant 1 : i32
        %swap3A_823 = arith.index_cast %swap3A_821 : i32 to index
        %swap3A_824 = arith.index_cast %swap3A_822 : i32 to index
        %swap3A_825 = arith.index_cast %add3A_637 : i32 to index
        %swap3A_826 = arith.constant 48 : index
        %swap3A_827 = tpu.vector_load %arg9[%swap3A_823, %swap3A_824, %swap3A_825, %swap3A_826] {strides = array<i32>} : memref<2x2x100x64xf32, #tpu.memory_space<vmem>>, vector<1x1x1x16xf32>,
        %swap3A_828 = vector.shape_cast %swap3A_827 : vector<1x1x1x16xf32> to vector<16xf32>
        %swap3A_829 = vector.shape_cast %add3A_820 : vector<16xf32> to vector<1x1x1x16xf32>
        tpu.vector_store %arg9[%swap3A_823, %swap3A_824, %swap3A_825, %swap3A_826], %swap3A_829 {strides = array<i32>} : memref<2x2x100x64xf32, #tpu.memory_space<vmem>>, vector<1x1x1x16xf32>,
        %scan3A_830 = arith.constant 3 : i32
        %scan3A_831 = arith.addi %scan3A_239, %scan3A_830 : i32
        %mul3A_832 = arith.constant 1 : i32
        %mul3A_833 = arith.muli %scan3A_831, %mul3A_832 : i32
        %add3A_834 = arith.constant 0 : i32
        %add3A_835 = arith.addi %add3A_834, %mul3A_833 : i32
        %get3A_836 = arith.constant 0 : i32
        %get3A_837 = arith.constant 0 : i32
        %get3A_838 = arith.index_cast %get3A_836 : i32 to index
        %get3A_839 = arith.index_cast %get3A_837 : i32 to index
        %get3A_840 = arith.index_cast %add3A_835 : i32 to index
        %get3A_841 = arith.constant 0 : index
        %get3A_842 = tpu.vector_load %arg8[%get3A_838, %get3A_839, %get3A_840, %get3A_841] {strides = array<i32>} : memref<2x2x100x64xf32, #tpu.memory_space<vmem>>, vector<1x1x1x16xf32>,
        %get3A_843 = vector.shape_cast %get3A_842 : vector<1x1x1x16xf32> to vector<16xf32>
        %get3A_844 = arith.constant 0 : i32
        %get3A_845 = arith.index_cast %get3A_844 : i32 to index
        %get3A_846 = arith.index_cast %add3A_835 : i32 to index
        %get3A_847 = arith.constant 0 : index
        %get3A_848 = tpu.vector_load %arg6[%get3A_845, %get3A_846, %get3A_847] {strides = array<i32>} : memref<2x100x64xf32, #tpu.memory_space<vmem>>, vector<1x1x16xf32>,
        %get3A_849 = vector.shape_cast %get3A_848 : vector<1x1x16xf32> to vector<16xf32>
        %add3A_850 = arith.addf %get3A_843, %get3A_849 : vector<16xf32>
        %swap3A_851 = arith.constant 0 : i32
        %swap3A_852 = arith.constant 0 : i32
        %swap3A_853 = arith.index_cast %swap3A_851 : i32 to index
        %swap3A_854 = arith.index_cast %swap3A_852 : i32 to index
        %swap3A_855 = arith.index_cast %add3A_835 : i32 to index
        %swap3A_856 = arith.constant 0 : index
        %swap3A_857 = tpu.vector_load %arg9[%swap3A_853, %swap3A_854, %swap3A_855, %swap3A_856] {strides = array<i32>} : memref<2x2x100x64xf32, #tpu.memory_space<vmem>>, vector<1x1x1x16xf32>,
        %swap3A_858 = vector.shape_cast %swap3A_857 : vector<1x1x1x16xf32> to vector<16xf32>
        %swap3A_859 = vector.shape_cast %add3A_850 : vector<16xf32> to vector<1x1x1x16xf32>
        tpu.vector_store %arg9[%swap3A_853, %swap3A_854, %swap3A_855, %swap3A_856], %swap3A_859 {strides = array<i32>} : memref<2x2x100x64xf32, #tpu.memory_space<vmem>>, vector<1x1x1x16xf32>,
        %get3A_860 = arith.constant 0 : i32
        %get3A_861 = arith.constant 0 : i32
        %get3A_862 = arith.index_cast %get3A_860 : i32 to index
        %get3A_863 = arith.index_cast %get3A_861 : i32 to index
        %get3A_864 = arith.index_cast %add3A_835 : i32 to index
        %get3A_865 = arith.constant 16 : index
        %get3A_866 = tpu.vector_load %arg8[%get3A_862, %get3A_863, %get3A_864, %get3A_865] {strides = array<i32>} : memref<2x2x100x64xf32, #tpu.memory_space<vmem>>, vector<1x1x1x16xf32>,
        %get3A_867 = vector.shape_cast %get3A_866 : vector<1x1x1x16xf32> to vector<16xf32>
        %get3A_868 = arith.constant 0 : i32
        %get3A_869 = arith.index_cast %get3A_868 : i32 to index
        %get3A_870 = arith.index_cast %add3A_835 : i32 to index
        %get3A_871 = arith.constant 16 : index
        %get3A_872 = tpu.vector_load %arg6[%get3A_869, %get3A_870, %get3A_871] {strides = array<i32>} : memref<2x100x64xf32, #tpu.memory_space<vmem>>, vector<1x1x16xf32>,
        %get3A_873 = vector.shape_cast %get3A_872 : vector<1x1x16xf32> to vector<16xf32>
        %add3A_874 = arith.addf %get3A_867, %get3A_873 : vector<16xf32>
        %swap3A_875 = arith.constant 0 : i32
        %swap3A_876 = arith.constant 0 : i32
        %swap3A_877 = arith.index_cast %swap3A_875 : i32 to index
        %swap3A_878 = arith.index_cast %swap3A_876 : i32 to index
        %swap3A_879 = arith.index_cast %add3A_835 : i32 to index
        %swap3A_880 = arith.constant 16 : index
        %swap3A_881 = tpu.vector_load %arg9[%swap3A_877, %swap3A_878, %swap3A_879, %swap3A_880] {strides = array<i32>} : memref<2x2x100x64xf32, #tpu.memory_space<vmem>>, vector<1x1x1x16xf32>,
        %swap3A_882 = vector.shape_cast %swap3A_881 : vector<1x1x1x16xf32> to vector<16xf32>
        %swap3A_883 = vector.shape_cast %add3A_874 : vector<16xf32> to vector<1x1x1x16xf32>
        tpu.vector_store %arg9[%swap3A_877, %swap3A_878, %swap3A_879, %swap3A_880], %swap3A_883 {strides = array<i32>} : memref<2x2x100x64xf32, #tpu.memory_space<vmem>>, vector<1x1x1x16xf32>,
        %get3A_884 = arith.constant 0 : i32
        %get3A_885 = arith.constant 0 : i32
        %get3A_886 = arith.index_cast %get3A_884 : i32 to index
        %get3A_887 = arith.index_cast %get3A_885 : i32 to index
        %get3A_888 = arith.index_cast %add3A_835 : i32 to index
        %get3A_889 = arith.constant 32 : index
        %get3A_890 = tpu.vector_load %arg8[%get3A_886, %get3A_887, %get3A_888, %get3A_889] {strides = array<i32>} : memref<2x2x100x64xf32, #tpu.memory_space<vmem>>, vector<1x1x1x16xf32>,
        %get3A_891 = vector.shape_cast %get3A_890 : vector<1x1x1x16xf32> to vector<16xf32>
        %get3A_892 = arith.constant 0 : i32
        %get3A_893 = arith.index_cast %get3A_892 : i32 to index
        %get3A_894 = arith.index_cast %add3A_835 : i32 to index
        %get3A_895 = arith.constant 32 : index
        %get3A_896 = tpu.vector_load %arg6[%get3A_893, %get3A_894, %get3A_895] {strides = array<i32>} : memref<2x100x64xf32, #tpu.memory_space<vmem>>, vector<1x1x16xf32>,
        %get3A_897 = vector.shape_cast %get3A_896 : vector<1x1x16xf32> to vector<16xf32>
        %add3A_898 = arith.addf %get3A_891, %get3A_897 : vector<16xf32>
        %swap3A_899 = arith.constant 0 : i32
        %swap3A_900 = arith.constant 0 : i32
        %swap3A_901 = arith.index_cast %swap3A_899 : i32 to index
        %swap3A_902 = arith.index_cast %swap3A_900 : i32 to index
        %swap3A_903 = arith.index_cast %add3A_835 : i32 to index
        %swap3A_904 = arith.constant 32 : index
        %swap3A_905 = tpu.vector_load %arg9[%swap3A_901, %swap3A_902, %swap3A_903, %swap3A_904] {strides = array<i32>} : memref<2x2x100x64xf32, #tpu.memory_space<vmem>>, vector<1x1x1x16xf32>,
        %swap3A_906 = vector.shape_cast %swap3A_905 : vector<1x1x1x16xf32> to vector<16xf32>
        %swap3A_907 = vector.shape_cast %add3A_898 : vector<16xf32> to vector<1x1x1x16xf32>
        tpu.vector_store %arg9[%swap3A_901, %swap3A_902, %swap3A_903, %swap3A_904], %swap3A_907 {strides = array<i32>} : memref<2x2x100x64xf32, #tpu.memory_space<vmem>>, vector<1x1x1x16xf32>,
        %get3A_908 = arith.constant 0 : i32
        %get3A_909 = arith.constant 0 : i32
        %get3A_910 = arith.index_cast %get3A_908 : i32 to index
        %get3A_911 = arith.index_cast %get3A_909 : i32 to index
        %get3A_912 = arith.index_cast %add3A_835 : i32 to index
        %get3A_913 = arith.constant 48 : index
        %get3A_914 = tpu.vector_load %arg8[%get3A_910, %get3A_911, %get3A_912, %get3A_913] {strides = array<i32>} : memref<2x2x100x64xf32, #tpu.memory_space<vmem>>, vector<1x1x1x16xf32>,
        %get3A_915 = vector.shape_cast %get3A_914 : vector<1x1x1x16xf32> to vector<16xf32>
        %get3A_916 = arith.constant 0 : i32
        %get3A_917 = arith.index_cast %get3A_916 : i32 to index
        %get3A_918 = arith.index_cast %add3A_835 : i32 to index
        %get3A_919 = arith.constant 48 : index
        %get3A_920 = tpu.vector_load %arg6[%get3A_917, %get3A_918, %get3A_919] {strides = array<i32>} : memref<2x100x64xf32, #tpu.memory_space<vmem>>, vector<1x1x16xf32>,
        %get3A_921 = vector.shape_cast %get3A_920 : vector<1x1x16xf32> to vector<16xf32>
        %add3A_922 = arith.addf %get3A_915, %get3A_921 : vector<16xf32>
        %swap3A_923 = arith.constant 0 : i32
        %swap3A_924 = arith.constant 0 : i32
        %swap3A_925 = arith.index_cast %swap3A_923 : i32 to index
        %swap3A_926 = arith.index_cast %swap3A_924 : i32 to index
        %swap3A_927 = arith.index_cast %add3A_835 : i32 to index
        %swap3A_928 = arith.constant 48 : index
        %swap3A_929 = tpu.vector_load %arg9[%swap3A_925, %swap3A_926, %swap3A_927, %swap3A_928] {strides = array<i32>} : memref<2x2x100x64xf32, #tpu.memory_space<vmem>>, vector<1x1x1x16xf32>,
        %swap3A_930 = vector.shape_cast %swap3A_929 : vector<1x1x1x16xf32> to vector<16xf32>
        %swap3A_931 = vector.shape_cast %add3A_922 : vector<16xf32> to vector<1x1x1x16xf32>
        tpu.vector_store %arg9[%swap3A_925, %swap3A_926, %swap3A_927, %swap3A_928], %swap3A_931 {strides = array<i32>} : memref<2x2x100x64xf32, #tpu.memory_space<vmem>>, vector<1x1x1x16xf32>,
        %get3A_932 = arith.constant 0 : i32
        %get3A_933 = arith.constant 1 : i32
        %get3A_934 = arith.index_cast %get3A_932 : i32 to index
        %get3A_935 = arith.index_cast %get3A_933 : i32 to index
        %get3A_936 = arith.index_cast %add3A_835 : i32 to index
        %get3A_937 = arith.constant 0 : index
        %get3A_938 = tpu.vector_load %arg8[%get3A_934, %get3A_935, %get3A_936, %get3A_937] {strides = array<i32>} : memref<2x2x100x64xf32, #tpu.memory_space<vmem>>, vector<1x1x1x16xf32>,
        %get3A_939 = vector.shape_cast %get3A_938 : vector<1x1x1x16xf32> to vector<16xf32>
        %get3A_940 = arith.constant 1 : i32
        %get3A_941 = arith.index_cast %get3A_940 : i32 to index
        %get3A_942 = arith.index_cast %add3A_835 : i32 to index
        %get3A_943 = arith.constant 0 : index
        %get3A_944 = tpu.vector_load %arg6[%get3A_941, %get3A_942, %get3A_943] {strides = array<i32>} : memref<2x100x64xf32, #tpu.memory_space<vmem>>, vector<1x1x16xf32>,
        %get3A_945 = vector.shape_cast %get3A_944 : vector<1x1x16xf32> to vector<16xf32>
        %add3A_946 = arith.addf %get3A_939, %get3A_945 : vector<16xf32>
        %swap3A_947 = arith.constant 0 : i32
        %swap3A_948 = arith.constant 1 : i32
        %swap3A_949 = arith.index_cast %swap3A_947 : i32 to index
        %swap3A_950 = arith.index_cast %swap3A_948 : i32 to index
        %swap3A_951 = arith.index_cast %add3A_835 : i32 to index
        %swap3A_952 = arith.constant 0 : index
        %swap3A_953 = tpu.vector_load %arg9[%swap3A_949, %swap3A_950, %swap3A_951, %swap3A_952] {strides = array<i32>} : memref<2x2x100x64xf32, #tpu.memory_space<vmem>>, vector<1x1x1x16xf32>,
        %swap3A_954 = vector.shape_cast %swap3A_953 : vector<1x1x1x16xf32> to vector<16xf32>
        %swap3A_955 = vector.shape_cast %add3A_946 : vector<16xf32> to vector<1x1x1x16xf32>
        tpu.vector_store %arg9[%swap3A_949, %swap3A_950, %swap3A_951, %swap3A_952], %swap3A_955 {strides = array<i32>} : memref<2x2x100x64xf32, #tpu.memory_space<vmem>>, vector<1x1x1x16xf32>,
        %get3A_956 = arith.constant 0 : i32
        %get3A_957 = arith.constant 1 : i32
        %get3A_958 = arith.index_cast %get3A_956 : i32 to index
        %get3A_959 = arith.index_cast %get3A_957 : i32 to index
        %get3A_960 = arith.index_cast %add3A_835 : i32 to index
        %get3A_961 = arith.constant 16 : index
        %get3A_962 = tpu.vector_load %arg8[%get3A_958, %get3A_959, %get3A_960, %get3A_961] {strides = array<i32>} : memref<2x2x100x64xf32, #tpu.memory_space<vmem>>, vector<1x1x1x16xf32>,
        %get3A_963 = vector.shape_cast %get3A_962 : vector<1x1x1x16xf32> to vector<16xf32>
        %get3A_964 = arith.constant 1 : i32
        %get3A_965 = arith.index_cast %get3A_964 : i32 to index
        %get3A_966 = arith.index_cast %add3A_835 : i32 to index
        %get3A_967 = arith.constant 16 : index
        %get3A_968 = tpu.vector_load %arg6[%get3A_965, %get3A_966, %get3A_967] {strides = array<i32>} : memref<2x100x64xf32, #tpu.memory_space<vmem>>, vector<1x1x16xf32>,
        %get3A_969 = vector.shape_cast %get3A_968 : vector<1x1x16xf32> to vector<16xf32>
        %add3A_970 = arith.addf %get3A_963, %get3A_969 : vector<16xf32>
        %swap3A_971 = arith.constant 0 : i32
        %swap3A_972 = arith.constant 1 : i32
        %swap3A_973 = arith.index_cast %swap3A_971 : i32 to index
        %swap3A_974 = arith.index_cast %swap3A_972 : i32 to index
        %swap3A_975 = arith.index_cast %add3A_835 : i32 to index
        %swap3A_976 = arith.constant 16 : index
        %swap3A_977 = tpu.vector_load %arg9[%swap3A_973, %swap3A_974, %swap3A_975, %swap3A_976] {strides = array<i32>} : memref<2x2x100x64xf32, #tpu.memory_space<vmem>>, vector<1x1x1x16xf32>,
        %swap3A_978 = vector.shape_cast %swap3A_977 : vector<1x1x1x16xf32> to vector<16xf32>
        %swap3A_979 = vector.shape_cast %add3A_970 : vector<16xf32> to vector<1x1x1x16xf32>
        tpu.vector_store %arg9[%swap3A_973, %swap3A_974, %swap3A_975, %swap3A_976], %swap3A_979 {strides = array<i32>} : memref<2x2x100x64xf32, #tpu.memory_space<vmem>>, vector<1x1x1x16xf32>,
        %get3A_980 = arith.constant 0 : i32
        %get3A_981 = arith.constant 1 : i32
        %get3A_982 = arith.index_cast %get3A_980 : i32 to index
        %get3A_983 = arith.index_cast %get3A_981 : i32 to index
        %get3A_984 = arith.index_cast %add3A_835 : i32 to index
        %get3A_985 = arith.constant 32 : index
        %get3A_986 = tpu.vector_load %arg8[%get3A_982, %get3A_983, %get3A_984, %get3A_985] {strides = array<i32>} : memref<2x2x100x64xf32, #tpu.memory_space<vmem>>, vector<1x1x1x16xf32>,
        %get3A_987 = vector.shape_cast %get3A_986 : vector<1x1x1x16xf32> to vector<16xf32>
        %get3A_988 = arith.constant 1 : i32
        %get3A_989 = arith.index_cast %get3A_988 : i32 to index
        %get3A_990 = arith.index_cast %add3A_835 : i32 to index
        %get3A_991 = arith.constant 32 : index
        %get3A_992 = tpu.vector_load %arg6[%get3A_989, %get3A_990, %get3A_991] {strides = array<i32>} : memref<2x100x64xf32, #tpu.memory_space<vmem>>, vector<1x1x16xf32>,
        %get3A_993 = vector.shape_cast %get3A_992 : vector<1x1x16xf32> to vector<16xf32>
        %add3A_994 = arith.addf %get3A_987, %get3A_993 : vector<16xf32>
        %swap3A_995 = arith.constant 0 : i32
        %swap3A_996 = arith.constant 1 : i32
        %swap3A_997 = arith.index_cast %swap3A_995 : i32 to index
        %swap3A_998 = arith.index_cast %swap3A_996 : i32 to index
        %swap3A_999 = arith.index_cast %add3A_835 : i32 to index
        %swap3A_1000 = arith.constant 32 : index
        %swap3A_1001 = tpu.vector_load %arg9[%swap3A_997, %swap3A_998, %swap3A_999, %swap3A_1000] {strides = array<i32>} : memref<2x2x100x64xf32, #tpu.memory_space<vmem>>, vector<1x1x1x16xf32>,
        %swap3A_1002 = vector.shape_cast %swap3A_1001 : vector<1x1x1x16xf32> to vector<16xf32>
        %swap3A_1003 = vector.shape_cast %add3A_994 : vector<16xf32> to vector<1x1x1x16xf32>
        tpu.vector_store %arg9[%swap3A_997, %swap3A_998, %swap3A_999, %swap3A_1000], %swap3A_1003 {strides = array<i32>} : memref<2x2x100x64xf32, #tpu.memory_space<vmem>>, vector<1x1x1x16xf32>,
        %get3A_1004 = arith.constant 0 : i32
        %get3A_1005 = arith.constant 1 : i32
        %get3A_1006 = arith.index_cast %get3A_1004 : i32 to index
        %get3A_1007 = arith.index_cast %get3A_1005 : i32 to index
        %get3A_1008 = arith.index_cast %add3A_835 : i32 to index
        %get3A_1009 = arith.constant 48 : index
        %get3A_1010 = tpu.vector_load %arg8[%get3A_1006, %get3A_1007, %get3A_1008, %get3A_1009] {strides = array<i32>} : memref<2x2x100x64xf32, #tpu.memory_space<vmem>>, vector<1x1x1x16xf32>,
        %get3A_1011 = vector.shape_cast %get3A_1010 : vector<1x1x1x16xf32> to vector<16xf32>
        %get3A_1012 = arith.constant 1 : i32
        %get3A_1013 = arith.index_cast %get3A_1012 : i32 to index
        %get3A_1014 = arith.index_cast %add3A_835 : i32 to index
        %get3A_1015 = arith.constant 48 : index
        %get3A_1016 = tpu.vector_load %arg6[%get3A_1013, %get3A_1014, %get3A_1015] {strides = array<i32>} : memref<2x100x64xf32, #tpu.memory_space<vmem>>, vector<1x1x16xf32>,
        %get3A_1017 = vector.shape_cast %get3A_1016 : vector<1x1x16xf32> to vector<16xf32>
        %add3A_1018 = arith.addf %get3A_1011, %get3A_1017 : vector<16xf32>
        %swap3A_1019 = arith.constant 0 : i32
        %swap3A_1020 = arith.constant 1 : i32
        %swap3A_1021 = arith.index_cast %swap3A_1019 : i32 to index
        %swap3A_1022 = arith.index_cast %swap3A_1020 : i32 to index
        %swap3A_1023 = arith.index_cast %add3A_835 : i32 to index
        %swap3A_1024 = arith.constant 48 : index
        %swap3A_1025 = tpu.vector_load %arg9[%swap3A_1021, %swap3A_1022, %swap3A_1023, %swap3A_1024] {strides = array<i32>} : memref<2x2x100x64xf32, #tpu.memory_space<vmem>>, vector<1x1x1x16xf32>,
        %swap3A_1026 = vector.shape_cast %swap3A_1025 : vector<1x1x1x16xf32> to vector<16xf32>
        %swap3A_1027 = vector.shape_cast %add3A_1018 : vector<16xf32> to vector<1x1x1x16xf32>
        tpu.vector_store %arg9[%swap3A_1021, %swap3A_1022, %swap3A_1023, %swap3A_1024], %swap3A_1027 {strides = array<i32>} : memref<2x2x100x64xf32, #tpu.memory_space<vmem>>, vector<1x1x1x16xf32>,
      }
      %scan3A_145 = arith.constant 100 : i32
      %add3A_146 = arith.constant 2 : i32
      %add3A_147 = arith.addi %add3A_110, %add3A_146 : i32
      %lt3A = arith.constant 128 : i32
      %lt3A_148 = arith.cmpi slt, %add3A_147, %lt3A : i32
      %convert_element_type3A_149 = arith.extui %lt3A_148 : i1 to i32
      %cond3A_150 = arith.constant 0 : i32
      %cond3A_151 = arith.cmpi ne, %convert_element_type3A_149, %cond3A_150 : i32
      scf.if %cond3A_151 {
        %add3A_239 = arith.constant 2 : i32
        %add3A_240 = arith.addi %add3A_110, %add3A_239 : i32
        %mul3A_241 = arith.constant 2 : i32
        %mul3A_242 = arith.muli %add3A_240, %mul3A_241 : i32
        %add3A_243 = arith.addi %mul3A_2, %mul3A_242 : i32
        %run_scoped3A_244 = arith.constant 0 : i32
        "tpu.region"() ({
          %run_scoped3A_273 = tpu.sem_alloc : memref<!tpu.dma_semaphore, #tpu.memory_space<semaphore_mem>>
          %dma_start3A_274 = arith.constant 0 : i32
          %dma_start3A_275 = arith.constant 0 : i32
          %dma_start3A_276 = tpu.memref_slice %arg7[%run_scoped3A_244, %dma_start3A_274, %dma_start3A_275] : memref<2x2x100xi32, #tpu.memory_space<vmem>> -> memref<1x2x100xi32, #tpu.memory_space<vmem>>
          %dma_start3A_277 = tpu.memref_squeeze %dma_start3A_276 : memref<1x2x100xi32, #tpu.memory_space<vmem>> -> memref<2x100xi32, #tpu.memory_space<vmem>>
          %dma_start3A_278 = arith.constant 0 : i32
          %dma_start3A_279 = tpu.memref_slice %arg2[%add3A_243, %dma_start3A_278] : memref<8192x100xi32, #tpu.memory_space<hbm>> -> memref<2x100xi32, #tpu.memory_space<hbm>>
          %dma_start3A_280 = arith.constant 0 : i32
          %dma_start3A_281 = arith.constant 0 : i32
          %dma_start3A_282 = tpu.memref_slice %arg7[%run_scoped3A_244, %dma_start3A_280, %dma_start3A_281] : memref<2x2x100xi32, #tpu.memory_space<vmem>> -> memref<1x2x100xi32, #tpu.memory_space<vmem>>
          %dma_start3A_283 = tpu.memref_squeeze %dma_start3A_282 : memref<1x2x100xi32, #tpu.memory_space<vmem>> -> memref<2x100xi32, #tpu.memory_space<vmem>>
          %dma_start3A_284 = arith.constant 0 : i32
          %dma_start3A_285 = tpu.memref_slice %arg2[%add3A_243, %dma_start3A_284] : memref<8192x100xi32, #tpu.memory_space<hbm>> -> memref<2x100xi32, #tpu.memory_space<hbm>>
          tpu.enqueue_dma source(%dma_start3A_285 : memref<2x100xi32, #tpu.memory_space<hbm>>) target(%dma_start3A_283 : memref<2x100xi32, #tpu.memory_space<vmem>>) target_semaphore(%run_scoped3A_273 : memref<!tpu.dma_semaphore, #tpu.memory_space<semaphore_mem>>)
          %dma_wait3A_286 = arith.constant 0 : i32
          %dma_wait3A_287 = arith.constant 0 : i32
          %dma_wait3A_288 = tpu.memref_slice %arg7[%run_scoped3A_244, %dma_wait3A_286, %dma_wait3A_287] : memref<2x2x100xi32, #tpu.memory_space<vmem>> -> memref<1x2x100xi32, #tpu.memory_space<vmem>>
          %dma_wait3A_289 = tpu.memref_squeeze %dma_wait3A_288 : memref<1x2x100xi32, #tpu.memory_space<vmem>> -> memref<2x100xi32, #tpu.memory_space<vmem>>
          %dma_wait3A_290 = arith.constant 0 : i32
          %dma_wait3A_291 = tpu.memref_slice %arg2[%add3A_243, %dma_wait3A_290] : memref<8192x100xi32, #tpu.memory_space<hbm>> -> memref<2x100xi32, #tpu.memory_space<hbm>>
          %dma_wait3A_292 = arith.constant 0 : i32
          %dma_wait3A_293 = arith.constant 0 : i32
          %dma_wait3A_294 = tpu.memref_slice %arg7[%run_scoped3A_244, %dma_wait3A_292, %dma_wait3A_293] : memref<2x2x100xi32, #tpu.memory_space<vmem>> -> memref<1x2x100xi32, #tpu.memory_space<vmem>>
          %dma_wait3A_295 = tpu.memref_squeeze %dma_wait3A_294 : memref<1x2x100xi32, #tpu.memory_space<vmem>> -> memref<2x100xi32, #tpu.memory_space<vmem>>
          %dma_wait3A_296 = arith.constant 0 : i32
          %dma_wait3A_297 = tpu.memref_slice %arg2[%add3A_243, %dma_wait3A_296] : memref<8192x100xi32, #tpu.memory_space<hbm>> -> memref<2x100xi32, #tpu.memory_space<hbm>>
          tpu.wait_dma2 semaphore(%run_scoped3A_273 : memref<!tpu.dma_semaphore, #tpu.memory_space<semaphore_mem>>) src(%dma_wait3A_297 : memref<2x100xi32, #tpu.memory_space<hbm>>) dst(%dma_wait3A_295 : memref<2x100xi32, #tpu.memory_space<vmem>>)
          tpu.yield
        }) : () -> ()
        %dma_start3A_245 = arith.constant 0 : i32
        %dma_start3A_246 = arith.constant 0 : i32
        %dma_start3A_247 = arith.constant 0 : i32
        %dma_start3A_248 = arith.constant 0 : i32
        %dma_start3A_249 = arith.constant 0 : i32
        %dma_start3A_250 = arith.constant 0 : i32
        %dma_start3A_251 = tpu.memref_slice %arg8[%dma_start3A_247, %dma_start3A_248, %dma_start3A_249, %dma_start3A_250] : memref<2x2x100x64xf32, #tpu.memory_space<vmem>> -> memref<1x1x100x64xf32, #tpu.memory_space<vmem>>
        %dma_start3A_252 = tpu.memref_squeeze %dma_start3A_251 : memref<1x1x100x64xf32, #tpu.memory_space<vmem>> -> memref<100x64xf32, #tpu.memory_space<vmem>>
        %dma_start3A_253 = arith.constant 0 : i32
        %dma_start3A_254 = tpu.memref_slice %arg7[%dma_start3A_245, %dma_start3A_246, %dma_start3A_253] : memref<2x2x100xi32, #tpu.memory_space<vmem>> -> memref<1x1x100xi32, #tpu.memory_space<vmem>>
        %dma_start3A_255 = tpu.memref_squeeze %dma_start3A_254 : memref<1x1x100xi32, #tpu.memory_space<vmem>> -> memref<100xi32, #tpu.memory_space<vmem>>
        %dma_start3A_256 = arith.constant 0 : i32
        %dma_start3A_257 = arith.constant 0 : i32
        %dma_start3A_258 = tpu.memref_slice %arg3[%dma_start3A_256, %dma_start3A_257] : memref<1000000x64xf32, #tpu.memory_space<hbm>> -> memref<1000000x64xf32, #tpu.memory_space<hbm>>
        tpu.enqueue_indirect_dma source(%dma_start3A_258 : memref<1000000x64xf32, #tpu.memory_space<hbm>>) target(%dma_start3A_252 : memref<100x64xf32, #tpu.memory_space<vmem>>) offsets(%dma_start3A_255 : memref<100xi32, #tpu.memory_space<vmem>>) semaphore(%arg10 : memref<!tpu.dma_semaphore, #tpu.memory_space<semaphore_mem>>)
        %dma_start3A_259 = arith.constant 0 : i32
        %dma_start3A_260 = arith.constant 1 : i32
        %dma_start3A_261 = arith.constant 0 : i32
        %dma_start3A_262 = arith.constant 1 : i32
        %dma_start3A_263 = arith.constant 0 : i32
        %dma_start3A_264 = arith.constant 0 : i32
        %dma_start3A_265 = tpu.memref_slice %arg8[%dma_start3A_261, %dma_start3A_262, %dma_start3A_263, %dma_start3A_264] : memref<2x2x100x64xf32, #tpu.memory_space<vmem>> -> memref<1x1x100x64xf32, #tpu.memory_space<vmem>>
        %dma_start3A_266 = tpu.memref_squeeze %dma_start3A_265 : memref<1x1x100x64xf32, #tpu.memory_space<vmem>> -> memref<100x64xf32, #tpu.memory_space<vmem>>
        %dma_start3A_267 = arith.constant 0 : i32
        %dma_start3A_268 = tpu.memref_slice %arg7[%dma_start3A_259, %dma_start3A_260, %dma_start3A_267] : memref<2x2x100xi32, #tpu.memory_space<vmem>> -> memref<1x1x100xi32, #tpu.memory_space<vmem>>
        %dma_start3A_269 = tpu.memref_squeeze %dma_start3A_268 : memref<1x1x100xi32, #tpu.memory_space<vmem>> -> memref<100xi32, #tpu.memory_space<vmem>>
        %dma_start3A_270 = arith.constant 0 : i32
        %dma_start3A_271 = arith.constant 0 : i32
        %dma_start3A_272 = tpu.memref_slice %arg3[%dma_start3A_270, %dma_start3A_271] : memref<1000000x64xf32, #tpu.memory_space<hbm>> -> memref<1000000x64xf32, #tpu.memory_space<hbm>>
        tpu.enqueue_indirect_dma source(%dma_start3A_272 : memref<1000000x64xf32, #tpu.memory_space<hbm>>) target(%dma_start3A_266 : memref<100x64xf32, #tpu.memory_space<vmem>>) offsets(%dma_start3A_269 : memref<100xi32, #tpu.memory_space<vmem>>) semaphore(%arg10 : memref<!tpu.dma_semaphore, #tpu.memory_space<semaphore_mem>>)
      } else {
      }
      %mul3A_152 = arith.constant 2 : i32
      %mul3A_153 = arith.muli %add3A_110, %mul3A_152 : i32
      %add3A_154 = arith.addi %mul3A_2, %mul3A_153 : i32
      %dma_start3A_155 = arith.constant 0 : i32
      %dma_start3A_156 = arith.constant 0 : i32
      %dma_start3A_157 = arith.constant 0 : i32
      %dma_start3A_158 = arith.constant 0 : i32
      %dma_start3A_159 = tpu.memref_slice %arg9[%dma_start3A_155, %dma_start3A_156, %dma_start3A_157, %dma_start3A_158] : memref<2x2x100x64xf32, #tpu.memory_space<vmem>> -> memref<1x2x100x64xf32, #tpu.memory_space<vmem>>
      %dma_start3A_160 = tpu.memref_squeeze %dma_start3A_159 : memref<1x2x100x64xf32, #tpu.memory_space<vmem>> -> memref<2x100x64xf32, #tpu.memory_space<vmem>>
      %dma_start3A_161 = arith.constant 0 : i32
      %dma_start3A_162 = arith.constant 0 : i32
      %dma_start3A_163 = tpu.memref_slice %arg5[%add3A_154, %dma_start3A_161, %dma_start3A_162] : memref<8192x100x64xf32, #tpu.memory_space<hbm>> -> memref<2x100x64xf32, #tpu.memory_space<hbm>>
      %dma_start3A_164 = arith.constant 0 : i32
      %dma_start3A_165 = arith.constant 0 : i32
      %dma_start3A_166 = tpu.memref_slice %arg5[%add3A_154, %dma_start3A_164, %dma_start3A_165] : memref<8192x100x64xf32, #tpu.memory_space<hbm>> -> memref<2x100x64xf32, #tpu.memory_space<hbm>>
      %dma_start3A_167 = arith.constant 0 : i32
      %dma_start3A_168 = arith.constant 0 : i32
      %dma_start3A_169 = arith.constant 0 : i32
      %dma_start3A_170 = tpu.memref_slice %arg9[%dma_start3A_155, %dma_start3A_167, %dma_start3A_168, %dma_start3A_169] : memref<2x2x100x64xf32, #tpu.memory_space<vmem>> -> memref<1x2x100x64xf32, #tpu.memory_space<vmem>>
      %dma_start3A_171 = tpu.memref_squeeze %dma_start3A_170 : memref<1x2x100x64xf32, #tpu.memory_space<vmem>> -> memref<2x100x64xf32, #tpu.memory_space<vmem>>
      tpu.enqueue_dma source(%dma_start3A_171 : memref<2x100x64xf32, #tpu.memory_space<vmem>>) target(%dma_start3A_166 : memref<2x100x64xf32, #tpu.memory_space<hbm>>) target_semaphore(%arg12 : memref<!tpu.dma_semaphore, #tpu.memory_space<semaphore_mem>>)
      %add3A_172 = arith.constant 1 : i32
      %add3A_173 = arith.addi %add3A_108, %add3A_172 : i32
      %dma_wait3A_174 = arith.constant 1 : i32
      %dma_wait3A_175 = arith.constant 0 : i32
      %dma_wait3A_176 = arith.constant 1 : i32
      %dma_wait3A_177 = arith.constant 0 : i32
      %dma_wait3A_178 = arith.constant 0 : i32
      %dma_wait3A_179 = arith.constant 0 : i32
      %dma_wait3A_180 = tpu.memref_slice %arg8[%dma_wait3A_176, %dma_wait3A_177, %dma_wait3A_178, %dma_wait3A_179] : memref<2x2x100x64xf32, #tpu.memory_space<vmem>> -> memref<1x1x100x64xf32, #tpu.memory_space<vmem>>
      %dma_wait3A_181 = tpu.memref_squeeze %dma_wait3A_180 : memref<1x1x100x64xf32, #tpu.memory_space<vmem>> -> memref<100x64xf32, #tpu.memory_space<vmem>>
      %dma_wait3A_182 = arith.constant 0 : i32
      %dma_wait3A_183 = tpu.memref_slice %arg7[%dma_wait3A_174, %dma_wait3A_175, %dma_wait3A_182] : memref<2x2x100xi32, #tpu.memory_space<vmem>> -> memref<1x1x100xi32, #tpu.memory_space<vmem>>
      %dma_wait3A_184 = tpu.memref_squeeze %dma_wait3A_183 : memref<1x1x100xi32, #tpu.memory_space<vmem>> -> memref<100xi32, #tpu.memory_space<vmem>>
      %dma_wait3A_185 = arith.constant 0 : i32
      %dma_wait3A_186 = arith.constant 0 : i32
      %dma_wait3A_187 = tpu.memref_slice %arg3[%dma_wait3A_185, %dma_wait3A_186] : memref<1000000x64xf32, #tpu.memory_space<hbm>> -> memref<1000000x64xf32, #tpu.memory_space<hbm>>
      tpu.wait_indirect_dma semaphore(%arg11 : memref<!tpu.dma_semaphore, #tpu.memory_space<semaphore_mem>>) src(%dma_wait3A_187 : memref<1000000x64xf32, #tpu.memory_space<hbm>>) dst(%dma_wait3A_181 : memref<100x64xf32, #tpu.memory_space<vmem>>)
      %dma_wait3A_188 = arith.constant 1 : i32
      %dma_wait3A_189 = arith.constant 1 : i32
      %dma_wait3A_190 = arith.constant 1 : i32
      %dma_wait3A_191 = arith.constant 1 : i32
      %dma_wait3A_192 = arith.constant 0 : i32
      %dma_wait3A_193 = arith.constant 0 : i32
      %dma_wait3A_194 = tpu.memref_slice %arg8[%dma_wait3A_190, %dma_wait3A_191, %dma_wait3A_192, %dma_wait3A_193] : memref<2x2x100x64xf32, #tpu.memory_space<vmem>> -> memref<1x1x100x64xf32, #tpu.memory_space<vmem>>
      %dma_wait3A_195 = tpu.memref_squeeze %dma_wait3A_194 : memref<1x1x100x64xf32, #tpu.memory_space<vmem>> -> memref<100x64xf32, #tpu.memory_space<vmem>>
      %dma_wait3A_196 = arith.constant 0 : i32
      %dma_wait3A_197 = tpu.memref_slice %arg7[%dma_wait3A_188, %dma_wait3A_189, %dma_wait3A_196] : memref<2x2x100xi32, #tpu.memory_space<vmem>> -> memref<1x1x100xi32, #tpu.memory_space<vmem>>
      %dma_wait3A_198 = tpu.memref_squeeze %dma_wait3A_197 : memref<1x1x100xi32, #tpu.memory_space<vmem>> -> memref<100xi32, #tpu.memory_space<vmem>>
      %dma_wait3A_199 = arith.constant 0 : i32
      %dma_wait3A_200 = arith.constant 0 : i32
      %dma_wait3A_201 = tpu.memref_slice %arg3[%dma_wait3A_199, %dma_wait3A_200] : memref<1000000x64xf32, #tpu.memory_space<hbm>> -> memref<1000000x64xf32, #tpu.memory_space<hbm>>
      tpu.wait_indirect_dma semaphore(%arg11 : memref<!tpu.dma_semaphore, #tpu.memory_space<semaphore_mem>>) src(%dma_wait3A_201 : memref<1000000x64xf32, #tpu.memory_space<hbm>>) dst(%dma_wait3A_195 : memref<100x64xf32, #tpu.memory_space<vmem>>)
      %ge3A_202 = arith.constant 2 : i32
      %ge3A_203 = arith.cmpi sge, %add3A_173, %ge3A_202 : i32
      %convert_element_type3A_204 = arith.extui %ge3A_203 : i1 to i32
      %cond3A_205 = arith.constant 0 : i32
      %cond3A_206 = arith.cmpi ne, %convert_element_type3A_204, %cond3A_205 : i32
      scf.if %cond3A_206 {
        %dma_wait3A_239 = arith.constant 1 : i32
        %dma_wait3A_240 = arith.constant 0 : i32
        %dma_wait3A_241 = arith.constant 0 : i32
        %dma_wait3A_242 = arith.constant 0 : i32
        %dma_wait3A_243 = tpu.memref_slice %arg9[%dma_wait3A_239, %dma_wait3A_240, %dma_wait3A_241, %dma_wait3A_242] : memref<2x2x100x64xf32, #tpu.memory_space<vmem>> -> memref<1x2x100x64xf32, #tpu.memory_space<vmem>>
        %dma_wait3A_244 = tpu.memref_squeeze %dma_wait3A_243 : memref<1x2x100x64xf32, #tpu.memory_space<vmem>> -> memref<2x100x64xf32, #tpu.memory_space<vmem>>
        %dma_wait3A_245 = arith.constant 0 : i32
        %dma_wait3A_246 = arith.constant 0 : i32
        %dma_wait3A_247 = arith.constant 0 : i32
        %dma_wait3A_248 = tpu.memref_slice %arg5[%dma_wait3A_245, %dma_wait3A_246, %dma_wait3A_247] : memref<8192x100x64xf32, #tpu.memory_space<hbm>> -> memref<2x100x64xf32, #tpu.memory_space<hbm>>
        %dma_wait3A_249 = arith.constant 0 : i32
        %dma_wait3A_250 = arith.constant 0 : i32
        %dma_wait3A_251 = arith.constant 0 : i32
        %dma_wait3A_252 = tpu.memref_slice %arg5[%dma_wait3A_249, %dma_wait3A_250, %dma_wait3A_251] : memref<8192x100x64xf32, #tpu.memory_space<hbm>> -> memref<2x100x64xf32, #tpu.memory_space<hbm>>
        %dma_wait3A_253 = arith.constant 0 : i32
        %dma_wait3A_254 = arith.constant 0 : i32
        %dma_wait3A_255 = arith.constant 0 : i32
        %dma_wait3A_256 = tpu.memref_slice %arg9[%dma_wait3A_239, %dma_wait3A_253, %dma_wait3A_254, %dma_wait3A_255] : memref<2x2x100x64xf32, #tpu.memory_space<vmem>> -> memref<1x2x100x64xf32, #tpu.memory_space<vmem>>
        %dma_wait3A_257 = tpu.memref_squeeze %dma_wait3A_256 : memref<1x2x100x64xf32, #tpu.memory_space<vmem>> -> memref<2x100x64xf32, #tpu.memory_space<vmem>>
        tpu.wait_dma2 semaphore(%arg13 : memref<!tpu.dma_semaphore, #tpu.memory_space<semaphore_mem>>) src(%dma_wait3A_257 : memref<2x100x64xf32, #tpu.memory_space<vmem>>) dst(%dma_wait3A_252 : memref<2x100x64xf32, #tpu.memory_space<hbm>>)
      } else {
      }
      %scan3A_207 = arith.constant 0 : i32
      %scan3A_208 = arith.constant 100 : i32
      %scan3A_209 = arith.addi %scan3A_207, %scan3A_208 : i32
      %scan3A_210 = arith.constant 4 : i32
      scf.for %scan3A_239 = %scan3A_207 to %scan3A_209 step %scan3A_210  : i32 {
        %mul3A_240 = arith.constant 1 : i32
        %mul3A_241 = arith.muli %scan3A_239, %mul3A_240 : i32
        %add3A_242 = arith.constant 0 : i32
        %add3A_243 = arith.addi %add3A_242, %mul3A_241 : i32
        %get3A = arith.constant 1 : i32
        %get3A_244 = arith.constant 0 : i32
        %get3A_245 = arith.index_cast %get3A : i32 to index
        %get3A_246 = arith.index_cast %get3A_244 : i32 to index
        %get3A_247 = arith.index_cast %add3A_243 : i32 to index
        %get3A_248 = arith.constant 0 : index
        %get3A_249 = tpu.vector_load %arg8[%get3A_245, %get3A_246, %get3A_247, %get3A_248] {strides = array<i32>} : memref<2x2x100x64xf32, #tpu.memory_space<vmem>>, vector<1x1x1x16xf32>,
        %get3A_250 = vector.shape_cast %get3A_249 : vector<1x1x1x16xf32> to vector<16xf32>
        %get3A_251 = arith.constant 0 : i32
        %get3A_252 = arith.index_cast %get3A_251 : i32 to index
        %get3A_253 = arith.index_cast %add3A_243 : i32 to index
        %get3A_254 = arith.constant 0 : index
        %get3A_255 = tpu.vector_load %arg6[%get3A_252, %get3A_253, %get3A_254] {strides = array<i32>} : memref<2x100x64xf32, #tpu.memory_space<vmem>>, vector<1x1x16xf32>,
        %get3A_256 = vector.shape_cast %get3A_255 : vector<1x1x16xf32> to vector<16xf32>
        %add3A_257 = arith.addf %get3A_250, %get3A_256 : vector<16xf32>
        %swap3A = arith.constant 1 : i32
        %swap3A_258 = arith.constant 0 : i32
        %swap3A_259 = arith.index_cast %swap3A : i32 to index
        %swap3A_260 = arith.index_cast %swap3A_258 : i32 to index
        %swap3A_261 = arith.index_cast %add3A_243 : i32 to index
        %swap3A_262 = arith.constant 0 : index
        %swap3A_263 = tpu.vector_load %arg9[%swap3A_259, %swap3A_260, %swap3A_261, %swap3A_262] {strides = array<i32>} : memref<2x2x100x64xf32, #tpu.memory_space<vmem>>, vector<1x1x1x16xf32>,
        %swap3A_264 = vector.shape_cast %swap3A_263 : vector<1x1x1x16xf32> to vector<16xf32>
        %swap3A_265 = vector.shape_cast %add3A_257 : vector<16xf32> to vector<1x1x1x16xf32>
        tpu.vector_store %arg9[%swap3A_259, %swap3A_260, %swap3A_261, %swap3A_262], %swap3A_265 {strides = array<i32>} : memref<2x2x100x64xf32, #tpu.memory_space<vmem>>, vector<1x1x1x16xf32>,
        %get3A_266 = arith.constant 1 : i32
        %get3A_267 = arith.constant 0 : i32
        %get3A_268 = arith.index_cast %get3A_266 : i32 to index
        %get3A_269 = arith.index_cast %get3A_267 : i32 to index
        %get3A_270 = arith.index_cast %add3A_243 : i32 to index
        %get3A_271 = arith.constant 16 : index
        %get3A_272 = tpu.vector_load %arg8[%get3A_268, %get3A_269, %get3A_270, %get3A_271] {strides = array<i32>} : memref<2x2x100x64xf32, #tpu.memory_space<vmem>>, vector<1x1x1x16xf32>,
        %get3A_273 = vector.shape_cast %get3A_272 : vector<1x1x1x16xf32> to vector<16xf32>
        %get3A_274 = arith.constant 0 : i32
        %get3A_275 = arith.index_cast %get3A_274 : i32 to index
        %get3A_276 = arith.index_cast %add3A_243 : i32 to index
        %get3A_277 = arith.constant 16 : index
        %get3A_278 = tpu.vector_load %arg6[%get3A_275, %get3A_276, %get3A_277] {strides = array<i32>} : memref<2x100x64xf32, #tpu.memory_space<vmem>>, vector<1x1x16xf32>,
        %get3A_279 = vector.shape_cast %get3A_278 : vector<1x1x16xf32> to vector<16xf32>
        %add3A_280 = arith.addf %get3A_273, %get3A_279 : vector<16xf32>
        %swap3A_281 = arith.constant 1 : i32
        %swap3A_282 = arith.constant 0 : i32
        %swap3A_283 = arith.index_cast %swap3A_281 : i32 to index
        %swap3A_284 = arith.index_cast %swap3A_282 : i32 to index
        %swap3A_285 = arith.index_cast %add3A_243 : i32 to index
        %swap3A_286 = arith.constant 16 : index
        %swap3A_287 = tpu.vector_load %arg9[%swap3A_283, %swap3A_284, %swap3A_285, %swap3A_286] {strides = array<i32>} : memref<2x2x100x64xf32, #tpu.memory_space<vmem>>, vector<1x1x1x16xf32>,
        %swap3A_288 = vector.shape_cast %swap3A_287 : vector<1x1x1x16xf32> to vector<16xf32>
        %swap3A_289 = vector.shape_cast %add3A_280 : vector<16xf32> to vector<1x1x1x16xf32>
        tpu.vector_store %arg9[%swap3A_283, %swap3A_284, %swap3A_285, %swap3A_286], %swap3A_289 {strides = array<i32>} : memref<2x2x100x64xf32, #tpu.memory_space<vmem>>, vector<1x1x1x16xf32>,
        %get3A_290 = arith.constant 1 : i32
        %get3A_291 = arith.constant 0 : i32
        %get3A_292 = arith.index_cast %get3A_290 : i32 to index
        %get3A_293 = arith.index_cast %get3A_291 : i32 to index
        %get3A_294 = arith.index_cast %add3A_243 : i32 to index
        %get3A_295 = arith.constant 32 : index
        %get3A_296 = tpu.vector_load %arg8[%get3A_292, %get3A_293, %get3A_294, %get3A_295] {strides = array<i32>} : memref<2x2x100x64xf32, #tpu.memory_space<vmem>>, vector<1x1x1x16xf32>,
        %get3A_297 = vector.shape_cast %get3A_296 : vector<1x1x1x16xf32> to vector<16xf32>
        %get3A_298 = arith.constant 0 : i32
        %get3A_299 = arith.index_cast %get3A_298 : i32 to index
        %get3A_300 = arith.index_cast %add3A_243 : i32 to index
        %get3A_301 = arith.constant 32 : index
        %get3A_302 = tpu.vector_load %arg6[%get3A_299, %get3A_300, %get3A_301] {strides = array<i32>} : memref<2x100x64xf32, #tpu.memory_space<vmem>>, vector<1x1x16xf32>,
        %get3A_303 = vector.shape_cast %get3A_302 : vector<1x1x16xf32> to vector<16xf32>
        %add3A_304 = arith.addf %get3A_297, %get3A_303 : vector<16xf32>
        %swap3A_305 = arith.constant 1 : i32
        %swap3A_306 = arith.constant 0 : i32
        %swap3A_307 = arith.index_cast %swap3A_305 : i32 to index
        %swap3A_308 = arith.index_cast %swap3A_306 : i32 to index
        %swap3A_309 = arith.index_cast %add3A_243 : i32 to index
        %swap3A_310 = arith.constant 32 : index
        %swap3A_311 = tpu.vector_load %arg9[%swap3A_307, %swap3A_308, %swap3A_309, %swap3A_310] {strides = array<i32>} : memref<2x2x100x64xf32, #tpu.memory_space<vmem>>, vector<1x1x1x16xf32>,
        %swap3A_312 = vector.shape_cast %swap3A_311 : vector<1x1x1x16xf32> to vector<16xf32>
        %swap3A_313 = vector.shape_cast %add3A_304 : vector<16xf32> to vector<1x1x1x16xf32>
        tpu.vector_store %arg9[%swap3A_307, %swap3A_308, %swap3A_309, %swap3A_310], %swap3A_313 {strides = array<i32>} : memref<2x2x100x64xf32, #tpu.memory_space<vmem>>, vector<1x1x1x16xf32>,
        %get3A_314 = arith.constant 1 : i32
        %get3A_315 = arith.constant 0 : i32
        %get3A_316 = arith.index_cast %get3A_314 : i32 to index
        %get3A_317 = arith.index_cast %get3A_315 : i32 to index
        %get3A_318 = arith.index_cast %add3A_243 : i32 to index
        %get3A_319 = arith.constant 48 : index
        %get3A_320 = tpu.vector_load %arg8[%get3A_316, %get3A_317, %get3A_318, %get3A_319] {strides = array<i32>} : memref<2x2x100x64xf32, #tpu.memory_space<vmem>>, vector<1x1x1x16xf32>,
        %get3A_321 = vector.shape_cast %get3A_320 : vector<1x1x1x16xf32> to vector<16xf32>
        %get3A_322 = arith.constant 0 : i32
        %get3A_323 = arith.index_cast %get3A_322 : i32 to index
        %get3A_324 = arith.index_cast %add3A_243 : i32 to index
        %get3A_325 = arith.constant 48 : index
        %get3A_326 = tpu.vector_load %arg6[%get3A_323, %get3A_324, %get3A_325] {strides = array<i32>} : memref<2x100x64xf32, #tpu.memory_space<vmem>>, vector<1x1x16xf32>,
        %get3A_327 = vector.shape_cast %get3A_326 : vector<1x1x16xf32> to vector<16xf32>
        %add3A_328 = arith.addf %get3A_321, %get3A_327 : vector<16xf32>
        %swap3A_329 = arith.constant 1 : i32
        %swap3A_330 = arith.constant 0 : i32
        %swap3A_331 = arith.index_cast %swap3A_329 : i32 to index
        %swap3A_332 = arith.index_cast %swap3A_330 : i32 to index
        %swap3A_333 = arith.index_cast %add3A_243 : i32 to index
        %swap3A_334 = arith.constant 48 : index
        %swap3A_335 = tpu.vector_load %arg9[%swap3A_331, %swap3A_332, %swap3A_333, %swap3A_334] {strides = array<i32>} : memref<2x2x100x64xf32, #tpu.memory_space<vmem>>, vector<1x1x1x16xf32>,
        %swap3A_336 = vector.shape_cast %swap3A_335 : vector<1x1x1x16xf32> to vector<16xf32>
        %swap3A_337 = vector.shape_cast %add3A_328 : vector<16xf32> to vector<1x1x1x16xf32>
        tpu.vector_store %arg9[%swap3A_331, %swap3A_332, %swap3A_333, %swap3A_334], %swap3A_337 {strides = array<i32>} : memref<2x2x100x64xf32, #tpu.memory_space<vmem>>, vector<1x1x1x16xf32>,
        %get3A_338 = arith.constant 1 : i32
        %get3A_339 = arith.constant 1 : i32
        %get3A_340 = arith.index_cast %get3A_338 : i32 to index
        %get3A_341 = arith.index_cast %get3A_339 : i32 to index
        %get3A_342 = arith.index_cast %add3A_243 : i32 to index
        %get3A_343 = arith.constant 0 : index
        %get3A_344 = tpu.vector_load %arg8[%get3A_340, %get3A_341, %get3A_342, %get3A_343] {strides = array<i32>} : memref<2x2x100x64xf32, #tpu.memory_space<vmem>>, vector<1x1x1x16xf32>,
        %get3A_345 = vector.shape_cast %get3A_344 : vector<1x1x1x16xf32> to vector<16xf32>
        %get3A_346 = arith.constant 1 : i32
        %get3A_347 = arith.index_cast %get3A_346 : i32 to index
        %get3A_348 = arith.index_cast %add3A_243 : i32 to index
        %get3A_349 = arith.constant 0 : index
        %get3A_350 = tpu.vector_load %arg6[%get3A_347, %get3A_348, %get3A_349] {strides = array<i32>} : memref<2x100x64xf32, #tpu.memory_space<vmem>>, vector<1x1x16xf32>,
        %get3A_351 = vector.shape_cast %get3A_350 : vector<1x1x16xf32> to vector<16xf32>
        %add3A_352 = arith.addf %get3A_345, %get3A_351 : vector<16xf32>
        %swap3A_353 = arith.constant 1 : i32
        %swap3A_354 = arith.constant 1 : i32
        %swap3A_355 = arith.index_cast %swap3A_353 : i32 to index
        %swap3A_356 = arith.index_cast %swap3A_354 : i32 to index
        %swap3A_357 = arith.index_cast %add3A_243 : i32 to index
        %swap3A_358 = arith.constant 0 : index
        %swap3A_359 = tpu.vector_load %arg9[%swap3A_355, %swap3A_356, %swap3A_357, %swap3A_358] {strides = array<i32>} : memref<2x2x100x64xf32, #tpu.memory_space<vmem>>, vector<1x1x1x16xf32>,
        %swap3A_360 = vector.shape_cast %swap3A_359 : vector<1x1x1x16xf32> to vector<16xf32>
        %swap3A_361 = vector.shape_cast %add3A_352 : vector<16xf32> to vector<1x1x1x16xf32>
        tpu.vector_store %arg9[%swap3A_355, %swap3A_356, %swap3A_357, %swap3A_358], %swap3A_361 {strides = array<i32>} : memref<2x2x100x64xf32, #tpu.memory_space<vmem>>, vector<1x1x1x16xf32>,
        %get3A_362 = arith.constant 1 : i32
        %get3A_363 = arith.constant 1 : i32
        %get3A_364 = arith.index_cast %get3A_362 : i32 to index
        %get3A_365 = arith.index_cast %get3A_363 : i32 to index
        %get3A_366 = arith.index_cast %add3A_243 : i32 to index
        %get3A_367 = arith.constant 16 : index
        %get3A_368 = tpu.vector_load %arg8[%get3A_364, %get3A_365, %get3A_366, %get3A_367] {strides = array<i32>} : memref<2x2x100x64xf32, #tpu.memory_space<vmem>>, vector<1x1x1x16xf32>,
        %get3A_369 = vector.shape_cast %get3A_368 : vector<1x1x1x16xf32> to vector<16xf32>
        %get3A_370 = arith.constant 1 : i32
        %get3A_371 = arith.index_cast %get3A_370 : i32 to index
        %get3A_372 = arith.index_cast %add3A_243 : i32 to index
        %get3A_373 = arith.constant 16 : index
        %get3A_374 = tpu.vector_load %arg6[%get3A_371, %get3A_372, %get3A_373] {strides = array<i32>} : memref<2x100x64xf32, #tpu.memory_space<vmem>>, vector<1x1x16xf32>,
        %get3A_375 = vector.shape_cast %get3A_374 : vector<1x1x16xf32> to vector<16xf32>
        %add3A_376 = arith.addf %get3A_369, %get3A_375 : vector<16xf32>
        %swap3A_377 = arith.constant 1 : i32
        %swap3A_378 = arith.constant 1 : i32
        %swap3A_379 = arith.index_cast %swap3A_377 : i32 to index
        %swap3A_380 = arith.index_cast %swap3A_378 : i32 to index
        %swap3A_381 = arith.index_cast %add3A_243 : i32 to index
        %swap3A_382 = arith.constant 16 : index
        %swap3A_383 = tpu.vector_load %arg9[%swap3A_379, %swap3A_380, %swap3A_381, %swap3A_382] {strides = array<i32>} : memref<2x2x100x64xf32, #tpu.memory_space<vmem>>, vector<1x1x1x16xf32>,
        %swap3A_384 = vector.shape_cast %swap3A_383 : vector<1x1x1x16xf32> to vector<16xf32>
        %swap3A_385 = vector.shape_cast %add3A_376 : vector<16xf32> to vector<1x1x1x16xf32>
        tpu.vector_store %arg9[%swap3A_379, %swap3A_380, %swap3A_381, %swap3A_382], %swap3A_385 {strides = array<i32>} : memref<2x2x100x64xf32, #tpu.memory_space<vmem>>, vector<1x1x1x16xf32>,
        %get3A_386 = arith.constant 1 : i32
        %get3A_387 = arith.constant 1 : i32
        %get3A_388 = arith.index_cast %get3A_386 : i32 to index
        %get3A_389 = arith.index_cast %get3A_387 : i32 to index
        %get3A_390 = arith.index_cast %add3A_243 : i32 to index
        %get3A_391 = arith.constant 32 : index
        %get3A_392 = tpu.vector_load %arg8[%get3A_388, %get3A_389, %get3A_390, %get3A_391] {strides = array<i32>} : memref<2x2x100x64xf32, #tpu.memory_space<vmem>>, vector<1x1x1x16xf32>,
        %get3A_393 = vector.shape_cast %get3A_392 : vector<1x1x1x16xf32> to vector<16xf32>
        %get3A_394 = arith.constant 1 : i32
        %get3A_395 = arith.index_cast %get3A_394 : i32 to index
        %get3A_396 = arith.index_cast %add3A_243 : i32 to index
        %get3A_397 = arith.constant 32 : index
        %get3A_398 = tpu.vector_load %arg6[%get3A_395, %get3A_396, %get3A_397] {strides = array<i32>} : memref<2x100x64xf32, #tpu.memory_space<vmem>>, vector<1x1x16xf32>,
        %get3A_399 = vector.shape_cast %get3A_398 : vector<1x1x16xf32> to vector<16xf32>
        %add3A_400 = arith.addf %get3A_393, %get3A_399 : vector<16xf32>
        %swap3A_401 = arith.constant 1 : i32
        %swap3A_402 = arith.constant 1 : i32
        %swap3A_403 = arith.index_cast %swap3A_401 : i32 to index
        %swap3A_404 = arith.index_cast %swap3A_402 : i32 to index
        %swap3A_405 = arith.index_cast %add3A_243 : i32 to index
        %swap3A_406 = arith.constant 32 : index
        %swap3A_407 = tpu.vector_load %arg9[%swap3A_403, %swap3A_404, %swap3A_405, %swap3A_406] {strides = array<i32>} : memref<2x2x100x64xf32, #tpu.memory_space<vmem>>, vector<1x1x1x16xf32>,
        %swap3A_408 = vector.shape_cast %swap3A_407 : vector<1x1x1x16xf32> to vector<16xf32>
        %swap3A_409 = vector.shape_cast %add3A_400 : vector<16xf32> to vector<1x1x1x16xf32>
        tpu.vector_store %arg9[%swap3A_403, %swap3A_404, %swap3A_405, %swap3A_406], %swap3A_409 {strides = array<i32>} : memref<2x2x100x64xf32, #tpu.memory_space<vmem>>, vector<1x1x1x16xf32>,
        %get3A_410 = arith.constant 1 : i32
        %get3A_411 = arith.constant 1 : i32
        %get3A_412 = arith.index_cast %get3A_410 : i32 to index
        %get3A_413 = arith.index_cast %get3A_411 : i32 to index
        %get3A_414 = arith.index_cast %add3A_243 : i32 to index
        %get3A_415 = arith.constant 48 : index
        %get3A_416 = tpu.vector_load %arg8[%get3A_412, %get3A_413, %get3A_414, %get3A_415] {strides = array<i32>} : memref<2x2x100x64xf32, #tpu.memory_space<vmem>>, vector<1x1x1x16xf32>,
        %get3A_417 = vector.shape_cast %get3A_416 : vector<1x1x1x16xf32> to vector<16xf32>
        %get3A_418 = arith.constant 1 : i32
        %get3A_419 = arith.index_cast %get3A_418 : i32 to index
        %get3A_420 = arith.index_cast %add3A_243 : i32 to index
        %get3A_421 = arith.constant 48 : index
        %get3A_422 = tpu.vector_load %arg6[%get3A_419, %get3A_420, %get3A_421] {strides = array<i32>} : memref<2x100x64xf32, #tpu.memory_space<vmem>>, vector<1x1x16xf32>,
        %get3A_423 = vector.shape_cast %get3A_422 : vector<1x1x16xf32> to vector<16xf32>
        %add3A_424 = arith.addf %get3A_417, %get3A_423 : vector<16xf32>
        %swap3A_425 = arith.constant 1 : i32
        %swap3A_426 = arith.constant 1 : i32
        %swap3A_427 = arith.index_cast %swap3A_425 : i32 to index
        %swap3A_428 = arith.index_cast %swap3A_426 : i32 to index
        %swap3A_429 = arith.index_cast %add3A_243 : i32 to index
        %swap3A_430 = arith.constant 48 : index
        %swap3A_431 = tpu.vector_load %arg9[%swap3A_427, %swap3A_428, %swap3A_429, %swap3A_430] {strides = array<i32>} : memref<2x2x100x64xf32, #tpu.memory_space<vmem>>, vector<1x1x1x16xf32>,
        %swap3A_432 = vector.shape_cast %swap3A_431 : vector<1x1x1x16xf32> to vector<16xf32>
        %swap3A_433 = vector.shape_cast %add3A_424 : vector<16xf32> to vector<1x1x1x16xf32>
        tpu.vector_store %arg9[%swap3A_427, %swap3A_428, %swap3A_429, %swap3A_430], %swap3A_433 {strides = array<i32>} : memref<2x2x100x64xf32, #tpu.memory_space<vmem>>, vector<1x1x1x16xf32>,
        %scan3A_434 = arith.constant 1 : i32
        %scan3A_435 = arith.addi %scan3A_239, %scan3A_434 : i32
        %mul3A_436 = arith.constant 1 : i32
        %mul3A_437 = arith.muli %scan3A_435, %mul3A_436 : i32
        %add3A_438 = arith.constant 0 : i32
        %add3A_439 = arith.addi %add3A_438, %mul3A_437 : i32
        %get3A_440 = arith.constant 1 : i32
        %get3A_441 = arith.constant 0 : i32
        %get3A_442 = arith.index_cast %get3A_440 : i32 to index
        %get3A_443 = arith.index_cast %get3A_441 : i32 to index
        %get3A_444 = arith.index_cast %add3A_439 : i32 to index
        %get3A_445 = arith.constant 0 : index
        %get3A_446 = tpu.vector_load %arg8[%get3A_442, %get3A_443, %get3A_444, %get3A_445] {strides = array<i32>} : memref<2x2x100x64xf32, #tpu.memory_space<vmem>>, vector<1x1x1x16xf32>,
        %get3A_447 = vector.shape_cast %get3A_446 : vector<1x1x1x16xf32> to vector<16xf32>
        %get3A_448 = arith.constant 0 : i32
        %get3A_449 = arith.index_cast %get3A_448 : i32 to index
        %get3A_450 = arith.index_cast %add3A_439 : i32 to index
        %get3A_451 = arith.constant 0 : index
        %get3A_452 = tpu.vector_load %arg6[%get3A_449, %get3A_450, %get3A_451] {strides = array<i32>} : memref<2x100x64xf32, #tpu.memory_space<vmem>>, vector<1x1x16xf32>,
        %get3A_453 = vector.shape_cast %get3A_452 : vector<1x1x16xf32> to vector<16xf32>
        %add3A_454 = arith.addf %get3A_447, %get3A_453 : vector<16xf32>
        %swap3A_455 = arith.constant 1 : i32
        %swap3A_456 = arith.constant 0 : i32
        %swap3A_457 = arith.index_cast %swap3A_455 : i32 to index
        %swap3A_458 = arith.index_cast %swap3A_456 : i32 to index
        %swap3A_459 = arith.index_cast %add3A_439 : i32 to index
        %swap3A_460 = arith.constant 0 : index
        %swap3A_461 = tpu.vector_load %arg9[%swap3A_457, %swap3A_458, %swap3A_459, %swap3A_460] {strides = array<i32>} : memref<2x2x100x64xf32, #tpu.memory_space<vmem>>, vector<1x1x1x16xf32>,
        %swap3A_462 = vector.shape_cast %swap3A_461 : vector<1x1x1x16xf32> to vector<16xf32>
        %swap3A_463 = vector.shape_cast %add3A_454 : vector<16xf32> to vector<1x1x1x16xf32>
        tpu.vector_store %arg9[%swap3A_457, %swap3A_458, %swap3A_459, %swap3A_460], %swap3A_463 {strides = array<i32>} : memref<2x2x100x64xf32, #tpu.memory_space<vmem>>, vector<1x1x1x16xf32>,
        %get3A_464 = arith.constant 1 : i32
        %get3A_465 = arith.constant 0 : i32
        %get3A_466 = arith.index_cast %get3A_464 : i32 to index
        %get3A_467 = arith.index_cast %get3A_465 : i32 to index
        %get3A_468 = arith.index_cast %add3A_439 : i32 to index
        %get3A_469 = arith.constant 16 : index
        %get3A_470 = tpu.vector_load %arg8[%get3A_466, %get3A_467, %get3A_468, %get3A_469] {strides = array<i32>} : memref<2x2x100x64xf32, #tpu.memory_space<vmem>>, vector<1x1x1x16xf32>,
        %get3A_471 = vector.shape_cast %get3A_470 : vector<1x1x1x16xf32> to vector<16xf32>
        %get3A_472 = arith.constant 0 : i32
        %get3A_473 = arith.index_cast %get3A_472 : i32 to index
        %get3A_474 = arith.index_cast %add3A_439 : i32 to index
        %get3A_475 = arith.constant 16 : index
        %get3A_476 = tpu.vector_load %arg6[%get3A_473, %get3A_474, %get3A_475] {strides = array<i32>} : memref<2x100x64xf32, #tpu.memory_space<vmem>>, vector<1x1x16xf32>,
        %get3A_477 = vector.shape_cast %get3A_476 : vector<1x1x16xf32> to vector<16xf32>
        %add3A_478 = arith.addf %get3A_471, %get3A_477 : vector<16xf32>
        %swap3A_479 = arith.constant 1 : i32
        %swap3A_480 = arith.constant 0 : i32
        %swap3A_481 = arith.index_cast %swap3A_479 : i32 to index
        %swap3A_482 = arith.index_cast %swap3A_480 : i32 to index
        %swap3A_483 = arith.index_cast %add3A_439 : i32 to index
        %swap3A_484 = arith.constant 16 : index
        %swap3A_485 = tpu.vector_load %arg9[%swap3A_481, %swap3A_482, %swap3A_483, %swap3A_484] {strides = array<i32>} : memref<2x2x100x64xf32, #tpu.memory_space<vmem>>, vector<1x1x1x16xf32>,
        %swap3A_486 = vector.shape_cast %swap3A_485 : vector<1x1x1x16xf32> to vector<16xf32>
        %swap3A_487 = vector.shape_cast %add3A_478 : vector<16xf32> to vector<1x1x1x16xf32>
        tpu.vector_store %arg9[%swap3A_481, %swap3A_482, %swap3A_483, %swap3A_484], %swap3A_487 {strides = array<i32>} : memref<2x2x100x64xf32, #tpu.memory_space<vmem>>, vector<1x1x1x16xf32>,
        %get3A_488 = arith.constant 1 : i32
        %get3A_489 = arith.constant 0 : i32
        %get3A_490 = arith.index_cast %get3A_488 : i32 to index
        %get3A_491 = arith.index_cast %get3A_489 : i32 to index
        %get3A_492 = arith.index_cast %add3A_439 : i32 to index
        %get3A_493 = arith.constant 32 : index
        %get3A_494 = tpu.vector_load %arg8[%get3A_490, %get3A_491, %get3A_492, %get3A_493] {strides = array<i32>} : memref<2x2x100x64xf32, #tpu.memory_space<vmem>>, vector<1x1x1x16xf32>,
        %get3A_495 = vector.shape_cast %get3A_494 : vector<1x1x1x16xf32> to vector<16xf32>
        %get3A_496 = arith.constant 0 : i32
        %get3A_497 = arith.index_cast %get3A_496 : i32 to index
        %get3A_498 = arith.index_cast %add3A_439 : i32 to index
        %get3A_499 = arith.constant 32 : index
        %get3A_500 = tpu.vector_load %arg6[%get3A_497, %get3A_498, %get3A_499] {strides = array<i32>} : memref<2x100x64xf32, #tpu.memory_space<vmem>>, vector<1x1x16xf32>,
        %get3A_501 = vector.shape_cast %get3A_500 : vector<1x1x16xf32> to vector<16xf32>
        %add3A_502 = arith.addf %get3A_495, %get3A_501 : vector<16xf32>
        %swap3A_503 = arith.constant 1 : i32
        %swap3A_504 = arith.constant 0 : i32
        %swap3A_505 = arith.index_cast %swap3A_503 : i32 to index
        %swap3A_506 = arith.index_cast %swap3A_504 : i32 to index
        %swap3A_507 = arith.index_cast %add3A_439 : i32 to index
        %swap3A_508 = arith.constant 32 : index
        %swap3A_509 = tpu.vector_load %arg9[%swap3A_505, %swap3A_506, %swap3A_507, %swap3A_508] {strides = array<i32>} : memref<2x2x100x64xf32, #tpu.memory_space<vmem>>, vector<1x1x1x16xf32>,
        %swap3A_510 = vector.shape_cast %swap3A_509 : vector<1x1x1x16xf32> to vector<16xf32>
        %swap3A_511 = vector.shape_cast %add3A_502 : vector<16xf32> to vector<1x1x1x16xf32>
        tpu.vector_store %arg9[%swap3A_505, %swap3A_506, %swap3A_507, %swap3A_508], %swap3A_511 {strides = array<i32>} : memref<2x2x100x64xf32, #tpu.memory_space<vmem>>, vector<1x1x1x16xf32>,
        %get3A_512 = arith.constant 1 : i32
        %get3A_513 = arith.constant 0 : i32
        %get3A_514 = arith.index_cast %get3A_512 : i32 to index
        %get3A_515 = arith.index_cast %get3A_513 : i32 to index
        %get3A_516 = arith.index_cast %add3A_439 : i32 to index
        %get3A_517 = arith.constant 48 : index
        %get3A_518 = tpu.vector_load %arg8[%get3A_514, %get3A_515, %get3A_516, %get3A_517] {strides = array<i32>} : memref<2x2x100x64xf32, #tpu.memory_space<vmem>>, vector<1x1x1x16xf32>,
        %get3A_519 = vector.shape_cast %get3A_518 : vector<1x1x1x16xf32> to vector<16xf32>
        %get3A_520 = arith.constant 0 : i32
        %get3A_521 = arith.index_cast %get3A_520 : i32 to index
        %get3A_522 = arith.index_cast %add3A_439 : i32 to index
        %get3A_523 = arith.constant 48 : index
        %get3A_524 = tpu.vector_load %arg6[%get3A_521, %get3A_522, %get3A_523] {strides = array<i32>} : memref<2x100x64xf32, #tpu.memory_space<vmem>>, vector<1x1x16xf32>,
        %get3A_525 = vector.shape_cast %get3A_524 : vector<1x1x16xf32> to vector<16xf32>
        %add3A_526 = arith.addf %get3A_519, %get3A_525 : vector<16xf32>
        %swap3A_527 = arith.constant 1 : i32
        %swap3A_528 = arith.constant 0 : i32
        %swap3A_529 = arith.index_cast %swap3A_527 : i32 to index
        %swap3A_530 = arith.index_cast %swap3A_528 : i32 to index
        %swap3A_531 = arith.index_cast %add3A_439 : i32 to index
        %swap3A_532 = arith.constant 48 : index
        %swap3A_533 = tpu.vector_load %arg9[%swap3A_529, %swap3A_530, %swap3A_531, %swap3A_532] {strides = array<i32>} : memref<2x2x100x64xf32, #tpu.memory_space<vmem>>, vector<1x1x1x16xf32>,
        %swap3A_534 = vector.shape_cast %swap3A_533 : vector<1x1x1x16xf32> to vector<16xf32>
        %swap3A_535 = vector.shape_cast %add3A_526 : vector<16xf32> to vector<1x1x1x16xf32>
        tpu.vector_store %arg9[%swap3A_529, %swap3A_530, %swap3A_531, %swap3A_532], %swap3A_535 {strides = array<i32>} : memref<2x2x100x64xf32, #tpu.memory_space<vmem>>, vector<1x1x1x16xf32>,
        %get3A_536 = arith.constant 1 : i32
        %get3A_537 = arith.constant 1 : i32
        %get3A_538 = arith.index_cast %get3A_536 : i32 to index
        %get3A_539 = arith.index_cast %get3A_537 : i32 to index
        %get3A_540 = arith.index_cast %add3A_439 : i32 to index
        %get3A_541 = arith.constant 0 : index
        %get3A_542 = tpu.vector_load %arg8[%get3A_538, %get3A_539, %get3A_540, %get3A_541] {strides = array<i32>} : memref<2x2x100x64xf32, #tpu.memory_space<vmem>>, vector<1x1x1x16xf32>,
        %get3A_543 = vector.shape_cast %get3A_542 : vector<1x1x1x16xf32> to vector<16xf32>
        %get3A_544 = arith.constant 1 : i32
        %get3A_545 = arith.index_cast %get3A_544 : i32 to index
        %get3A_546 = arith.index_cast %add3A_439 : i32 to index
        %get3A_547 = arith.constant 0 : index
        %get3A_548 = tpu.vector_load %arg6[%get3A_545, %get3A_546, %get3A_547] {strides = array<i32>} : memref<2x100x64xf32, #tpu.memory_space<vmem>>, vector<1x1x16xf32>,
        %get3A_549 = vector.shape_cast %get3A_548 : vector<1x1x16xf32> to vector<16xf32>
        %add3A_550 = arith.addf %get3A_543, %get3A_549 : vector<16xf32>
        %swap3A_551 = arith.constant 1 : i32
        %swap3A_552 = arith.constant 1 : i32
        %swap3A_553 = arith.index_cast %swap3A_551 : i32 to index
        %swap3A_554 = arith.index_cast %swap3A_552 : i32 to index
        %swap3A_555 = arith.index_cast %add3A_439 : i32 to index
        %swap3A_556 = arith.constant 0 : index
        %swap3A_557 = tpu.vector_load %arg9[%swap3A_553, %swap3A_554, %swap3A_555, %swap3A_556] {strides = array<i32>} : memref<2x2x100x64xf32, #tpu.memory_space<vmem>>, vector<1x1x1x16xf32>,
        %swap3A_558 = vector.shape_cast %swap3A_557 : vector<1x1x1x16xf32> to vector<16xf32>
        %swap3A_559 = vector.shape_cast %add3A_550 : vector<16xf32> to vector<1x1x1x16xf32>
        tpu.vector_store %arg9[%swap3A_553, %swap3A_554, %swap3A_555, %swap3A_556], %swap3A_559 {strides = array<i32>} : memref<2x2x100x64xf32, #tpu.memory_space<vmem>>, vector<1x1x1x16xf32>,
        %get3A_560 = arith.constant 1 : i32
        %get3A_561 = arith.constant 1 : i32
        %get3A_562 = arith.index_cast %get3A_560 : i32 to index
        %get3A_563 = arith.index_cast %get3A_561 : i32 to index
        %get3A_564 = arith.index_cast %add3A_439 : i32 to index
        %get3A_565 = arith.constant 16 : index
        %get3A_566 = tpu.vector_load %arg8[%get3A_562, %get3A_563, %get3A_564, %get3A_565] {strides = array<i32>} : memref<2x2x100x64xf32, #tpu.memory_space<vmem>>, vector<1x1x1x16xf32>,
        %get3A_567 = vector.shape_cast %get3A_566 : vector<1x1x1x16xf32> to vector<16xf32>
        %get3A_568 = arith.constant 1 : i32
        %get3A_569 = arith.index_cast %get3A_568 : i32 to index
        %get3A_570 = arith.index_cast %add3A_439 : i32 to index
        %get3A_571 = arith.constant 16 : index
        %get3A_572 = tpu.vector_load %arg6[%get3A_569, %get3A_570, %get3A_571] {strides = array<i32>} : memref<2x100x64xf32, #tpu.memory_space<vmem>>, vector<1x1x16xf32>,
        %get3A_573 = vector.shape_cast %get3A_572 : vector<1x1x16xf32> to vector<16xf32>
        %add3A_574 = arith.addf %get3A_567, %get3A_573 : vector<16xf32>
        %swap3A_575 = arith.constant 1 : i32
        %swap3A_576 = arith.constant 1 : i32
        %swap3A_577 = arith.index_cast %swap3A_575 : i32 to index
        %swap3A_578 = arith.index_cast %swap3A_576 : i32 to index
        %swap3A_579 = arith.index_cast %add3A_439 : i32 to index
        %swap3A_580 = arith.constant 16 : index
        %swap3A_581 = tpu.vector_load %arg9[%swap3A_577, %swap3A_578, %swap3A_579, %swap3A_580] {strides = array<i32>} : memref<2x2x100x64xf32, #tpu.memory_space<vmem>>, vector<1x1x1x16xf32>,
        %swap3A_582 = vector.shape_cast %swap3A_581 : vector<1x1x1x16xf32> to vector<16xf32>
        %swap3A_583 = vector.shape_cast %add3A_574 : vector<16xf32> to vector<1x1x1x16xf32>
        tpu.vector_store %arg9[%swap3A_577, %swap3A_578, %swap3A_579, %swap3A_580], %swap3A_583 {strides = array<i32>} : memref<2x2x100x64xf32, #tpu.memory_space<vmem>>, vector<1x1x1x16xf32>,
        %get3A_584 = arith.constant 1 : i32
        %get3A_585 = arith.constant 1 : i32
        %get3A_586 = arith.index_cast %get3A_584 : i32 to index
        %get3A_587 = arith.index_cast %get3A_585 : i32 to index
        %get3A_588 = arith.index_cast %add3A_439 : i32 to index
        %get3A_589 = arith.constant 32 : index
        %get3A_590 = tpu.vector_load %arg8[%get3A_586, %get3A_587, %get3A_588, %get3A_589] {strides = array<i32>} : memref<2x2x100x64xf32, #tpu.memory_space<vmem>>, vector<1x1x1x16xf32>,
        %get3A_591 = vector.shape_cast %get3A_590 : vector<1x1x1x16xf32> to vector<16xf32>
        %get3A_592 = arith.constant 1 : i32
        %get3A_593 = arith.index_cast %get3A_592 : i32 to index
        %get3A_594 = arith.index_cast %add3A_439 : i32 to index
        %get3A_595 = arith.constant 32 : index
        %get3A_596 = tpu.vector_load %arg6[%get3A_593, %get3A_594, %get3A_595] {strides = array<i32>} : memref<2x100x64xf32, #tpu.memory_space<vmem>>, vector<1x1x16xf32>,
        %get3A_597 = vector.shape_cast %get3A_596 : vector<1x1x16xf32> to vector<16xf32>
        %add3A_598 = arith.addf %get3A_591, %get3A_597 : vector<16xf32>
        %swap3A_599 = arith.constant 1 : i32
        %swap3A_600 = arith.constant 1 : i32
        %swap3A_601 = arith.index_cast %swap3A_599 : i32 to index
        %swap3A_602 = arith.index_cast %swap3A_600 : i32 to index
        %swap3A_603 = arith.index_cast %add3A_439 : i32 to index
        %swap3A_604 = arith.constant 32 : index
        %swap3A_605 = tpu.vector_load %arg9[%swap3A_601, %swap3A_602, %swap3A_603, %swap3A_604] {strides = array<i32>} : memref<2x2x100x64xf32, #tpu.memory_space<vmem>>, vector<1x1x1x16xf32>,
        %swap3A_606 = vector.shape_cast %swap3A_605 : vector<1x1x1x16xf32> to vector<16xf32>
        %swap3A_607 = vector.shape_cast %add3A_598 : vector<16xf32> to vector<1x1x1x16xf32>
        tpu.vector_store %arg9[%swap3A_601, %swap3A_602, %swap3A_603, %swap3A_604], %swap3A_607 {strides = array<i32>} : memref<2x2x100x64xf32, #tpu.memory_space<vmem>>, vector<1x1x1x16xf32>,
        %get3A_608 = arith.constant 1 : i32
        %get3A_609 = arith.constant 1 : i32
        %get3A_610 = arith.index_cast %get3A_608 : i32 to index
        %get3A_611 = arith.index_cast %get3A_609 : i32 to index
        %get3A_612 = arith.index_cast %add3A_439 : i32 to index
        %get3A_613 = arith.constant 48 : index
        %get3A_614 = tpu.vector_load %arg8[%get3A_610, %get3A_611, %get3A_612, %get3A_613] {strides = array<i32>} : memref<2x2x100x64xf32, #tpu.memory_space<vmem>>, vector<1x1x1x16xf32>,
        %get3A_615 = vector.shape_cast %get3A_614 : vector<1x1x1x16xf32> to vector<16xf32>
        %get3A_616 = arith.constant 1 : i32
        %get3A_617 = arith.index_cast %get3A_616 : i32 to index
        %get3A_618 = arith.index_cast %add3A_439 : i32 to index
        %get3A_619 = arith.constant 48 : index
        %get3A_620 = tpu.vector_load %arg6[%get3A_617, %get3A_618, %get3A_619] {strides = array<i32>} : memref<2x100x64xf32, #tpu.memory_space<vmem>>, vector<1x1x16xf32>,
        %get3A_621 = vector.shape_cast %get3A_620 : vector<1x1x16xf32> to vector<16xf32>
        %add3A_622 = arith.addf %get3A_615, %get3A_621 : vector<16xf32>
        %swap3A_623 = arith.constant 1 : i32
        %swap3A_624 = arith.constant 1 : i32
        %swap3A_625 = arith.index_cast %swap3A_623 : i32 to index
        %swap3A_626 = arith.index_cast %swap3A_624 : i32 to index
        %swap3A_627 = arith.index_cast %add3A_439 : i32 to index
        %swap3A_628 = arith.constant 48 : index
        %swap3A_629 = tpu.vector_load %arg9[%swap3A_625, %swap3A_626, %swap3A_627, %swap3A_628] {strides = array<i32>} : memref<2x2x100x64xf32, #tpu.memory_space<vmem>>, vector<1x1x1x16xf32>,
        %swap3A_630 = vector.shape_cast %swap3A_629 : vector<1x1x1x16xf32> to vector<16xf32>
        %swap3A_631 = vector.shape_cast %add3A_622 : vector<16xf32> to vector<1x1x1x16xf32>
        tpu.vector_store %arg9[%swap3A_625, %swap3A_626, %swap3A_627, %swap3A_628], %swap3A_631 {strides = array<i32>} : memref<2x2x100x64xf32, #tpu.memory_space<vmem>>, vector<1x1x1x16xf32>,
        %scan3A_632 = arith.constant 2 : i32
        %scan3A_633 = arith.addi %scan3A_239, %scan3A_632 : i32
        %mul3A_634 = arith.constant 1 : i32
        %mul3A_635 = arith.muli %scan3A_633, %mul3A_634 : i32
        %add3A_636 = arith.constant 0 : i32
        %add3A_637 = arith.addi %add3A_636, %mul3A_635 : i32
        %get3A_638 = arith.constant 1 : i32
        %get3A_639 = arith.constant 0 : i32
        %get3A_640 = arith.index_cast %get3A_638 : i32 to index
        %get3A_641 = arith.index_cast %get3A_639 : i32 to index
        %get3A_642 = arith.index_cast %add3A_637 : i32 to index
        %get3A_643 = arith.constant 0 : index
        %get3A_644 = tpu.vector_load %arg8[%get3A_640, %get3A_641, %get3A_642, %get3A_643] {strides = array<i32>} : memref<2x2x100x64xf32, #tpu.memory_space<vmem>>, vector<1x1x1x16xf32>,
        %get3A_645 = vector.shape_cast %get3A_644 : vector<1x1x1x16xf32> to vector<16xf32>
        %get3A_646 = arith.constant 0 : i32
        %get3A_647 = arith.index_cast %get3A_646 : i32 to index
        %get3A_648 = arith.index_cast %add3A_637 : i32 to index
        %get3A_649 = arith.constant 0 : index
        %get3A_650 = tpu.vector_load %arg6[%get3A_647, %get3A_648, %get3A_649] {strides = array<i32>} : memref<2x100x64xf32, #tpu.memory_space<vmem>>, vector<1x1x16xf32>,
        %get3A_651 = vector.shape_cast %get3A_650 : vector<1x1x16xf32> to vector<16xf32>
        %add3A_652 = arith.addf %get3A_645, %get3A_651 : vector<16xf32>
        %swap3A_653 = arith.constant 1 : i32
        %swap3A_654 = arith.constant 0 : i32
        %swap3A_655 = arith.index_cast %swap3A_653 : i32 to index
        %swap3A_656 = arith.index_cast %swap3A_654 : i32 to index
        %swap3A_657 = arith.index_cast %add3A_637 : i32 to index
        %swap3A_658 = arith.constant 0 : index
        %swap3A_659 = tpu.vector_load %arg9[%swap3A_655, %swap3A_656, %swap3A_657, %swap3A_658] {strides = array<i32>} : memref<2x2x100x64xf32, #tpu.memory_space<vmem>>, vector<1x1x1x16xf32>,
        %swap3A_660 = vector.shape_cast %swap3A_659 : vector<1x1x1x16xf32> to vector<16xf32>
        %swap3A_661 = vector.shape_cast %add3A_652 : vector<16xf32> to vector<1x1x1x16xf32>
        tpu.vector_store %arg9[%swap3A_655, %swap3A_656, %swap3A_657, %swap3A_658], %swap3A_661 {strides = array<i32>} : memref<2x2x100x64xf32, #tpu.memory_space<vmem>>, vector<1x1x1x16xf32>,
        %get3A_662 = arith.constant 1 : i32
        %get3A_663 = arith.constant 0 : i32
        %get3A_664 = arith.index_cast %get3A_662 : i32 to index
        %get3A_665 = arith.index_cast %get3A_663 : i32 to index
        %get3A_666 = arith.index_cast %add3A_637 : i32 to index
        %get3A_667 = arith.constant 16 : index
        %get3A_668 = tpu.vector_load %arg8[%get3A_664, %get3A_665, %get3A_666, %get3A_667] {strides = array<i32>} : memref<2x2x100x64xf32, #tpu.memory_space<vmem>>, vector<1x1x1x16xf32>,
        %get3A_669 = vector.shape_cast %get3A_668 : vector<1x1x1x16xf32> to vector<16xf32>
        %get3A_670 = arith.constant 0 : i32
        %get3A_671 = arith.index_cast %get3A_670 : i32 to index
        %get3A_672 = arith.index_cast %add3A_637 : i32 to index
        %get3A_673 = arith.constant 16 : index
        %get3A_674 = tpu.vector_load %arg6[%get3A_671, %get3A_672, %get3A_673] {strides = array<i32>} : memref<2x100x64xf32, #tpu.memory_space<vmem>>, vector<1x1x16xf32>,
        %get3A_675 = vector.shape_cast %get3A_674 : vector<1x1x16xf32> to vector<16xf32>
        %add3A_676 = arith.addf %get3A_669, %get3A_675 : vector<16xf32>
        %swap3A_677 = arith.constant 1 : i32
        %swap3A_678 = arith.constant 0 : i32
        %swap3A_679 = arith.index_cast %swap3A_677 : i32 to index
        %swap3A_680 = arith.index_cast %swap3A_678 : i32 to index
        %swap3A_681 = arith.index_cast %add3A_637 : i32 to index
        %swap3A_682 = arith.constant 16 : index
        %swap3A_683 = tpu.vector_load %arg9[%swap3A_679, %swap3A_680, %swap3A_681, %swap3A_682] {strides = array<i32>} : memref<2x2x100x64xf32, #tpu.memory_space<vmem>>, vector<1x1x1x16xf32>,
        %swap3A_684 = vector.shape_cast %swap3A_683 : vector<1x1x1x16xf32> to vector<16xf32>
        %swap3A_685 = vector.shape_cast %add3A_676 : vector<16xf32> to vector<1x1x1x16xf32>
        tpu.vector_store %arg9[%swap3A_679, %swap3A_680, %swap3A_681, %swap3A_682], %swap3A_685 {strides = array<i32>} : memref<2x2x100x64xf32, #tpu.memory_space<vmem>>, vector<1x1x1x16xf32>,
        %get3A_686 = arith.constant 1 : i32
        %get3A_687 = arith.constant 0 : i32
        %get3A_688 = arith.index_cast %get3A_686 : i32 to index
        %get3A_689 = arith.index_cast %get3A_687 : i32 to index
        %get3A_690 = arith.index_cast %add3A_637 : i32 to index
        %get3A_691 = arith.constant 32 : index
        %get3A_692 = tpu.vector_load %arg8[%get3A_688, %get3A_689, %get3A_690, %get3A_691] {strides = array<i32>} : memref<2x2x100x64xf32, #tpu.memory_space<vmem>>, vector<1x1x1x16xf32>,
        %get3A_693 = vector.shape_cast %get3A_692 : vector<1x1x1x16xf32> to vector<16xf32>
        %get3A_694 = arith.constant 0 : i32
        %get3A_695 = arith.index_cast %get3A_694 : i32 to index
        %get3A_696 = arith.index_cast %add3A_637 : i32 to index
        %get3A_697 = arith.constant 32 : index
        %get3A_698 = tpu.vector_load %arg6[%get3A_695, %get3A_696, %get3A_697] {strides = array<i32>} : memref<2x100x64xf32, #tpu.memory_space<vmem>>, vector<1x1x16xf32>,
        %get3A_699 = vector.shape_cast %get3A_698 : vector<1x1x16xf32> to vector<16xf32>
        %add3A_700 = arith.addf %get3A_693, %get3A_699 : vector<16xf32>
        %swap3A_701 = arith.constant 1 : i32
        %swap3A_702 = arith.constant 0 : i32
        %swap3A_703 = arith.index_cast %swap3A_701 : i32 to index
        %swap3A_704 = arith.index_cast %swap3A_702 : i32 to index
        %swap3A_705 = arith.index_cast %add3A_637 : i32 to index
        %swap3A_706 = arith.constant 32 : index
        %swap3A_707 = tpu.vector_load %arg9[%swap3A_703, %swap3A_704, %swap3A_705, %swap3A_706] {strides = array<i32>} : memref<2x2x100x64xf32, #tpu.memory_space<vmem>>, vector<1x1x1x16xf32>,
        %swap3A_708 = vector.shape_cast %swap3A_707 : vector<1x1x1x16xf32> to vector<16xf32>
        %swap3A_709 = vector.shape_cast %add3A_700 : vector<16xf32> to vector<1x1x1x16xf32>
        tpu.vector_store %arg9[%swap3A_703, %swap3A_704, %swap3A_705, %swap3A_706], %swap3A_709 {strides = array<i32>} : memref<2x2x100x64xf32, #tpu.memory_space<vmem>>, vector<1x1x1x16xf32>,
        %get3A_710 = arith.constant 1 : i32
        %get3A_711 = arith.constant 0 : i32
        %get3A_712 = arith.index_cast %get3A_710 : i32 to index
        %get3A_713 = arith.index_cast %get3A_711 : i32 to index
        %get3A_714 = arith.index_cast %add3A_637 : i32 to index
        %get3A_715 = arith.constant 48 : index
        %get3A_716 = tpu.vector_load %arg8[%get3A_712, %get3A_713, %get3A_714, %get3A_715] {strides = array<i32>} : memref<2x2x100x64xf32, #tpu.memory_space<vmem>>, vector<1x1x1x16xf32>,
        %get3A_717 = vector.shape_cast %get3A_716 : vector<1x1x1x16xf32> to vector<16xf32>
        %get3A_718 = arith.constant 0 : i32
        %get3A_719 = arith.index_cast %get3A_718 : i32 to index
        %get3A_720 = arith.index_cast %add3A_637 : i32 to index
        %get3A_721 = arith.constant 48 : index
        %get3A_722 = tpu.vector_load %arg6[%get3A_719, %get3A_720, %get3A_721] {strides = array<i32>} : memref<2x100x64xf32, #tpu.memory_space<vmem>>, vector<1x1x16xf32>,
        %get3A_723 = vector.shape_cast %get3A_722 : vector<1x1x16xf32> to vector<16xf32>
        %add3A_724 = arith.addf %get3A_717, %get3A_723 : vector<16xf32>
        %swap3A_725 = arith.constant 1 : i32
        %swap3A_726 = arith.constant 0 : i32
        %swap3A_727 = arith.index_cast %swap3A_725 : i32 to index
        %swap3A_728 = arith.index_cast %swap3A_726 : i32 to index
        %swap3A_729 = arith.index_cast %add3A_637 : i32 to index
        %swap3A_730 = arith.constant 48 : index
        %swap3A_731 = tpu.vector_load %arg9[%swap3A_727, %swap3A_728, %swap3A_729, %swap3A_730] {strides = array<i32>} : memref<2x2x100x64xf32, #tpu.memory_space<vmem>>, vector<1x1x1x16xf32>,
        %swap3A_732 = vector.shape_cast %swap3A_731 : vector<1x1x1x16xf32> to vector<16xf32>
        %swap3A_733 = vector.shape_cast %add3A_724 : vector<16xf32> to vector<1x1x1x16xf32>
        tpu.vector_store %arg9[%swap3A_727, %swap3A_728, %swap3A_729, %swap3A_730], %swap3A_733 {strides = array<i32>} : memref<2x2x100x64xf32, #tpu.memory_space<vmem>>, vector<1x1x1x16xf32>,
        %get3A_734 = arith.constant 1 : i32
        %get3A_735 = arith.constant 1 : i32
        %get3A_736 = arith.index_cast %get3A_734 : i32 to index
        %get3A_737 = arith.index_cast %get3A_735 : i32 to index
        %get3A_738 = arith.index_cast %add3A_637 : i32 to index
        %get3A_739 = arith.constant 0 : index
        %get3A_740 = tpu.vector_load %arg8[%get3A_736, %get3A_737, %get3A_738, %get3A_739] {strides = array<i32>} : memref<2x2x100x64xf32, #tpu.memory_space<vmem>>, vector<1x1x1x16xf32>,
        %get3A_741 = vector.shape_cast %get3A_740 : vector<1x1x1x16xf32> to vector<16xf32>
        %get3A_742 = arith.constant 1 : i32
        %get3A_743 = arith.index_cast %get3A_742 : i32 to index
        %get3A_744 = arith.index_cast %add3A_637 : i32 to index
        %get3A_745 = arith.constant 0 : index
        %get3A_746 = tpu.vector_load %arg6[%get3A_743, %get3A_744, %get3A_745] {strides = array<i32>} : memref<2x100x64xf32, #tpu.memory_space<vmem>>, vector<1x1x16xf32>,
        %get3A_747 = vector.shape_cast %get3A_746 : vector<1x1x16xf32> to vector<16xf32>
        %add3A_748 = arith.addf %get3A_741, %get3A_747 : vector<16xf32>
        %swap3A_749 = arith.constant 1 : i32
        %swap3A_750 = arith.constant 1 : i32
        %swap3A_751 = arith.index_cast %swap3A_749 : i32 to index
        %swap3A_752 = arith.index_cast %swap3A_750 : i32 to index
        %swap3A_753 = arith.index_cast %add3A_637 : i32 to index
        %swap3A_754 = arith.constant 0 : index
        %swap3A_755 = tpu.vector_load %arg9[%swap3A_751, %swap3A_752, %swap3A_753, %swap3A_754] {strides = array<i32>} : memref<2x2x100x64xf32, #tpu.memory_space<vmem>>, vector<1x1x1x16xf32>,
        %swap3A_756 = vector.shape_cast %swap3A_755 : vector<1x1x1x16xf32> to vector<16xf32>
        %swap3A_757 = vector.shape_cast %add3A_748 : vector<16xf32> to vector<1x1x1x16xf32>
        tpu.vector_store %arg9[%swap3A_751, %swap3A_752, %swap3A_753, %swap3A_754], %swap3A_757 {strides = array<i32>} : memref<2x2x100x64xf32, #tpu.memory_space<vmem>>, vector<1x1x1x16xf32>,
        %get3A_758 = arith.constant 1 : i32
        %get3A_759 = arith.constant 1 : i32
        %get3A_760 = arith.index_cast %get3A_758 : i32 to index
        %get3A_761 = arith.index_cast %get3A_759 : i32 to index
        %get3A_762 = arith.index_cast %add3A_637 : i32 to index
        %get3A_763 = arith.constant 16 : index
        %get3A_764 = tpu.vector_load %arg8[%get3A_760, %get3A_761, %get3A_762, %get3A_763] {strides = array<i32>} : memref<2x2x100x64xf32, #tpu.memory_space<vmem>>, vector<1x1x1x16xf32>,
        %get3A_765 = vector.shape_cast %get3A_764 : vector<1x1x1x16xf32> to vector<16xf32>
        %get3A_766 = arith.constant 1 : i32
        %get3A_767 = arith.index_cast %get3A_766 : i32 to index
        %get3A_768 = arith.index_cast %add3A_637 : i32 to index
        %get3A_769 = arith.constant 16 : index
        %get3A_770 = tpu.vector_load %arg6[%get3A_767, %get3A_768, %get3A_769] {strides = array<i32>} : memref<2x100x64xf32, #tpu.memory_space<vmem>>, vector<1x1x16xf32>,
        %get3A_771 = vector.shape_cast %get3A_770 : vector<1x1x16xf32> to vector<16xf32>
        %add3A_772 = arith.addf %get3A_765, %get3A_771 : vector<16xf32>
        %swap3A_773 = arith.constant 1 : i32
        %swap3A_774 = arith.constant 1 : i32
        %swap3A_775 = arith.index_cast %swap3A_773 : i32 to index
        %swap3A_776 = arith.index_cast %swap3A_774 : i32 to index
        %swap3A_777 = arith.index_cast %add3A_637 : i32 to index
        %swap3A_778 = arith.constant 16 : index
        %swap3A_779 = tpu.vector_load %arg9[%swap3A_775, %swap3A_776, %swap3A_777, %swap3A_778] {strides = array<i32>} : memref<2x2x100x64xf32, #tpu.memory_space<vmem>>, vector<1x1x1x16xf32>,
        %swap3A_780 = vector.shape_cast %swap3A_779 : vector<1x1x1x16xf32> to vector<16xf32>
        %swap3A_781 = vector.shape_cast %add3A_772 : vector<16xf32> to vector<1x1x1x16xf32>
        tpu.vector_store %arg9[%swap3A_775, %swap3A_776, %swap3A_777, %swap3A_778], %swap3A_781 {strides = array<i32>} : memref<2x2x100x64xf32, #tpu.memory_space<vmem>>, vector<1x1x1x16xf32>,
        %get3A_782 = arith.constant 1 : i32
        %get3A_783 = arith.constant 1 : i32
        %get3A_784 = arith.index_cast %get3A_782 : i32 to index
        %get3A_785 = arith.index_cast %get3A_783 : i32 to index
        %get3A_786 = arith.index_cast %add3A_637 : i32 to index
        %get3A_787 = arith.constant 32 : index
        %get3A_788 = tpu.vector_load %arg8[%get3A_784, %get3A_785, %get3A_786, %get3A_787] {strides = array<i32>} : memref<2x2x100x64xf32, #tpu.memory_space<vmem>>, vector<1x1x1x16xf32>,
        %get3A_789 = vector.shape_cast %get3A_788 : vector<1x1x1x16xf32> to vector<16xf32>
        %get3A_790 = arith.constant 1 : i32
        %get3A_791 = arith.index_cast %get3A_790 : i32 to index
        %get3A_792 = arith.index_cast %add3A_637 : i32 to index
        %get3A_793 = arith.constant 32 : index
        %get3A_794 = tpu.vector_load %arg6[%get3A_791, %get3A_792, %get3A_793] {strides = array<i32>} : memref<2x100x64xf32, #tpu.memory_space<vmem>>, vector<1x1x16xf32>,
        %get3A_795 = vector.shape_cast %get3A_794 : vector<1x1x16xf32> to vector<16xf32>
        %add3A_796 = arith.addf %get3A_789, %get3A_795 : vector<16xf32>
        %swap3A_797 = arith.constant 1 : i32
        %swap3A_798 = arith.constant 1 : i32
        %swap3A_799 = arith.index_cast %swap3A_797 : i32 to index
        %swap3A_800 = arith.index_cast %swap3A_798 : i32 to index
        %swap3A_801 = arith.index_cast %add3A_637 : i32 to index
        %swap3A_802 = arith.constant 32 : index
        %swap3A_803 = tpu.vector_load %arg9[%swap3A_799, %swap3A_800, %swap3A_801, %swap3A_802] {strides = array<i32>} : memref<2x2x100x64xf32, #tpu.memory_space<vmem>>, vector<1x1x1x16xf32>,
        %swap3A_804 = vector.shape_cast %swap3A_803 : vector<1x1x1x16xf32> to vector<16xf32>
        %swap3A_805 = vector.shape_cast %add3A_796 : vector<16xf32> to vector<1x1x1x16xf32>
        tpu.vector_store %arg9[%swap3A_799, %swap3A_800, %swap3A_801, %swap3A_802], %swap3A_805 {strides = array<i32>} : memref<2x2x100x64xf32, #tpu.memory_space<vmem>>, vector<1x1x1x16xf32>,
        %get3A_806 = arith.constant 1 : i32
        %get3A_807 = arith.constant 1 : i32
        %get3A_808 = arith.index_cast %get3A_806 : i32 to index
        %get3A_809 = arith.index_cast %get3A_807 : i32 to index
        %get3A_810 = arith.index_cast %add3A_637 : i32 to index
        %get3A_811 = arith.constant 48 : index
        %get3A_812 = tpu.vector_load %arg8[%get3A_808, %get3A_809, %get3A_810, %get3A_811] {strides = array<i32>} : memref<2x2x100x64xf32, #tpu.memory_space<vmem>>, vector<1x1x1x16xf32>,
        %get3A_813 = vector.shape_cast %get3A_812 : vector<1x1x1x16xf32> to vector<16xf32>
        %get3A_814 = arith.constant 1 : i32
        %get3A_815 = arith.index_cast %get3A_814 : i32 to index
        %get3A_816 = arith.index_cast %add3A_637 : i32 to index
        %get3A_817 = arith.constant 48 : index
        %get3A_818 = tpu.vector_load %arg6[%get3A_815, %get3A_816, %get3A_817] {strides = array<i32>} : memref<2x100x64xf32, #tpu.memory_space<vmem>>, vector<1x1x16xf32>,
        %get3A_819 = vector.shape_cast %get3A_818 : vector<1x1x16xf32> to vector<16xf32>
        %add3A_820 = arith.addf %get3A_813, %get3A_819 : vector<16xf32>
        %swap3A_821 = arith.constant 1 : i32
        %swap3A_822 = arith.constant 1 : i32
        %swap3A_823 = arith.index_cast %swap3A_821 : i32 to index
        %swap3A_824 = arith.index_cast %swap3A_822 : i32 to index
        %swap3A_825 = arith.index_cast %add3A_637 : i32 to index
        %swap3A_826 = arith.constant 48 : index
        %swap3A_827 = tpu.vector_load %arg9[%swap3A_823, %swap3A_824, %swap3A_825, %swap3A_826] {strides = array<i32>} : memref<2x2x100x64xf32, #tpu.memory_space<vmem>>, vector<1x1x1x16xf32>,
        %swap3A_828 = vector.shape_cast %swap3A_827 : vector<1x1x1x16xf32> to vector<16xf32>
        %swap3A_829 = vector.shape_cast %add3A_820 : vector<16xf32> to vector<1x1x1x16xf32>
        tpu.vector_store %arg9[%swap3A_823, %swap3A_824, %swap3A_825, %swap3A_826], %swap3A_829 {strides = array<i32>} : memref<2x2x100x64xf32, #tpu.memory_space<vmem>>, vector<1x1x1x16xf32>,
        %scan3A_830 = arith.constant 3 : i32
        %scan3A_831 = arith.addi %scan3A_239, %scan3A_830 : i32
        %mul3A_832 = arith.constant 1 : i32
        %mul3A_833 = arith.muli %scan3A_831, %mul3A_832 : i32
        %add3A_834 = arith.constant 0 : i32
        %add3A_835 = arith.addi %add3A_834, %mul3A_833 : i32
        %get3A_836 = arith.constant 1 : i32
        %get3A_837 = arith.constant 0 : i32
        %get3A_838 = arith.index_cast %get3A_836 : i32 to index
        %get3A_839 = arith.index_cast %get3A_837 : i32 to index
        %get3A_840 = arith.index_cast %add3A_835 : i32 to index
        %get3A_841 = arith.constant 0 : index
        %get3A_842 = tpu.vector_load %arg8[%get3A_838, %get3A_839, %get3A_840, %get3A_841] {strides = array<i32>} : memref<2x2x100x64xf32, #tpu.memory_space<vmem>>, vector<1x1x1x16xf32>,
        %get3A_843 = vector.shape_cast %get3A_842 : vector<1x1x1x16xf32> to vector<16xf32>
        %get3A_844 = arith.constant 0 : i32
        %get3A_845 = arith.index_cast %get3A_844 : i32 to index
        %get3A_846 = arith.index_cast %add3A_835 : i32 to index
        %get3A_847 = arith.constant 0 : index
        %get3A_848 = tpu.vector_load %arg6[%get3A_845, %get3A_846, %get3A_847] {strides = array<i32>} : memref<2x100x64xf32, #tpu.memory_space<vmem>>, vector<1x1x16xf32>,
        %get3A_849 = vector.shape_cast %get3A_848 : vector<1x1x16xf32> to vector<16xf32>
        %add3A_850 = arith.addf %get3A_843, %get3A_849 : vector<16xf32>
        %swap3A_851 = arith.constant 1 : i32
        %swap3A_852 = arith.constant 0 : i32
        %swap3A_853 = arith.index_cast %swap3A_851 : i32 to index
        %swap3A_854 = arith.index_cast %swap3A_852 : i32 to index
        %swap3A_855 = arith.index_cast %add3A_835 : i32 to index
        %swap3A_856 = arith.constant 0 : index
        %swap3A_857 = tpu.vector_load %arg9[%swap3A_853, %swap3A_854, %swap3A_855, %swap3A_856] {strides = array<i32>} : memref<2x2x100x64xf32, #tpu.memory_space<vmem>>, vector<1x1x1x16xf32>,
        %swap3A_858 = vector.shape_cast %swap3A_857 : vector<1x1x1x16xf32> to vector<16xf32>
        %swap3A_859 = vector.shape_cast %add3A_850 : vector<16xf32> to vector<1x1x1x16xf32>
        tpu.vector_store %arg9[%swap3A_853, %swap3A_854, %swap3A_855, %swap3A_856], %swap3A_859 {strides = array<i32>} : memref<2x2x100x64xf32, #tpu.memory_space<vmem>>, vector<1x1x1x16xf32>,
        %get3A_860 = arith.constant 1 : i32
        %get3A_861 = arith.constant 0 : i32
        %get3A_862 = arith.index_cast %get3A_860 : i32 to index
        %get3A_863 = arith.index_cast %get3A_861 : i32 to index
        %get3A_864 = arith.index_cast %add3A_835 : i32 to index
        %get3A_865 = arith.constant 16 : index
        %get3A_866 = tpu.vector_load %arg8[%get3A_862, %get3A_863, %get3A_864, %get3A_865] {strides = array<i32>} : memref<2x2x100x64xf32, #tpu.memory_space<vmem>>, vector<1x1x1x16xf32>,
        %get3A_867 = vector.shape_cast %get3A_866 : vector<1x1x1x16xf32> to vector<16xf32>
        %get3A_868 = arith.constant 0 : i32
        %get3A_869 = arith.index_cast %get3A_868 : i32 to index
        %get3A_870 = arith.index_cast %add3A_835 : i32 to index
        %get3A_871 = arith.constant 16 : index
        %get3A_872 = tpu.vector_load %arg6[%get3A_869, %get3A_870, %get3A_871] {strides = array<i32>} : memref<2x100x64xf32, #tpu.memory_space<vmem>>, vector<1x1x16xf32>,
        %get3A_873 = vector.shape_cast %get3A_872 : vector<1x1x16xf32> to vector<16xf32>
        %add3A_874 = arith.addf %get3A_867, %get3A_873 : vector<16xf32>
        %swap3A_875 = arith.constant 1 : i32
        %swap3A_876 = arith.constant 0 : i32
        %swap3A_877 = arith.index_cast %swap3A_875 : i32 to index
        %swap3A_878 = arith.index_cast %swap3A_876 : i32 to index
        %swap3A_879 = arith.index_cast %add3A_835 : i32 to index
        %swap3A_880 = arith.constant 16 : index
        %swap3A_881 = tpu.vector_load %arg9[%swap3A_877, %swap3A_878, %swap3A_879, %swap3A_880] {strides = array<i32>} : memref<2x2x100x64xf32, #tpu.memory_space<vmem>>, vector<1x1x1x16xf32>,
        %swap3A_882 = vector.shape_cast %swap3A_881 : vector<1x1x1x16xf32> to vector<16xf32>
        %swap3A_883 = vector.shape_cast %add3A_874 : vector<16xf32> to vector<1x1x1x16xf32>
        tpu.vector_store %arg9[%swap3A_877, %swap3A_878, %swap3A_879, %swap3A_880], %swap3A_883 {strides = array<i32>} : memref<2x2x100x64xf32, #tpu.memory_space<vmem>>, vector<1x1x1x16xf32>,
        %get3A_884 = arith.constant 1 : i32
        %get3A_885 = arith.constant 0 : i32
        %get3A_886 = arith.index_cast %get3A_884 : i32 to index
        %get3A_887 = arith.index_cast %get3A_885 : i32 to index
        %get3A_888 = arith.index_cast %add3A_835 : i32 to index
        %get3A_889 = arith.constant 32 : index
        %get3A_890 = tpu.vector_load %arg8[%get3A_886, %get3A_887, %get3A_888, %get3A_889] {strides = array<i32>} : memref<2x2x100x64xf32, #tpu.memory_space<vmem>>, vector<1x1x1x16xf32>,
        %get3A_891 = vector.shape_cast %get3A_890 : vector<1x1x1x16xf32> to vector<16xf32>
        %get3A_892 = arith.constant 0 : i32
        %get3A_893 = arith.index_cast %get3A_892 : i32 to index
        %get3A_894 = arith.index_cast %add3A_835 : i32 to index
        %get3A_895 = arith.constant 32 : index
        %get3A_896 = tpu.vector_load %arg6[%get3A_893, %get3A_894, %get3A_895] {strides = array<i32>} : memref<2x100x64xf32, #tpu.memory_space<vmem>>, vector<1x1x16xf32>,
        %get3A_897 = vector.shape_cast %get3A_896 : vector<1x1x16xf32> to vector<16xf32>
        %add3A_898 = arith.addf %get3A_891, %get3A_897 : vector<16xf32>
        %swap3A_899 = arith.constant 1 : i32
        %swap3A_900 = arith.constant 0 : i32
        %swap3A_901 = arith.index_cast %swap3A_899 : i32 to index
        %swap3A_902 = arith.index_cast %swap3A_900 : i32 to index
        %swap3A_903 = arith.index_cast %add3A_835 : i32 to index
        %swap3A_904 = arith.constant 32 : index
        %swap3A_905 = tpu.vector_load %arg9[%swap3A_901, %swap3A_902, %swap3A_903, %swap3A_904] {strides = array<i32>} : memref<2x2x100x64xf32, #tpu.memory_space<vmem>>, vector<1x1x1x16xf32>,
        %swap3A_906 = vector.shape_cast %swap3A_905 : vector<1x1x1x16xf32> to vector<16xf32>
        %swap3A_907 = vector.shape_cast %add3A_898 : vector<16xf32> to vector<1x1x1x16xf32>
        tpu.vector_store %arg9[%swap3A_901, %swap3A_902, %swap3A_903, %swap3A_904], %swap3A_907 {strides = array<i32>} : memref<2x2x100x64xf32, #tpu.memory_space<vmem>>, vector<1x1x1x16xf32>,
        %get3A_908 = arith.constant 1 : i32
        %get3A_909 = arith.constant 0 : i32
        %get3A_910 = arith.index_cast %get3A_908 : i32 to index
        %get3A_911 = arith.index_cast %get3A_909 : i32 to index
        %get3A_912 = arith.index_cast %add3A_835 : i32 to index
        %get3A_913 = arith.constant 48 : index
        %get3A_914 = tpu.vector_load %arg8[%get3A_910, %get3A_911, %get3A_912, %get3A_913] {strides = array<i32>} : memref<2x2x100x64xf32, #tpu.memory_space<vmem>>, vector<1x1x1x16xf32>,
        %get3A_915 = vector.shape_cast %get3A_914 : vector<1x1x1x16xf32> to vector<16xf32>
        %get3A_916 = arith.constant 0 : i32
        %get3A_917 = arith.index_cast %get3A_916 : i32 to index
        %get3A_918 = arith.index_cast %add3A_835 : i32 to index
        %get3A_919 = arith.constant 48 : index
        %get3A_920 = tpu.vector_load %arg6[%get3A_917, %get3A_918, %get3A_919] {strides = array<i32>} : memref<2x100x64xf32, #tpu.memory_space<vmem>>, vector<1x1x16xf32>,
        %get3A_921 = vector.shape_cast %get3A_920 : vector<1x1x16xf32> to vector<16xf32>
        %add3A_922 = arith.addf %get3A_915, %get3A_921 : vector<16xf32>
        %swap3A_923 = arith.constant 1 : i32
        %swap3A_924 = arith.constant 0 : i32
        %swap3A_925 = arith.index_cast %swap3A_923 : i32 to index
        %swap3A_926 = arith.index_cast %swap3A_924 : i32 to index
        %swap3A_927 = arith.index_cast %add3A_835 : i32 to index
        %swap3A_928 = arith.constant 48 : index
        %swap3A_929 = tpu.vector_load %arg9[%swap3A_925, %swap3A_926, %swap3A_927, %swap3A_928] {strides = array<i32>} : memref<2x2x100x64xf32, #tpu.memory_space<vmem>>, vector<1x1x1x16xf32>,
        %swap3A_930 = vector.shape_cast %swap3A_929 : vector<1x1x1x16xf32> to vector<16xf32>
        %swap3A_931 = vector.shape_cast %add3A_922 : vector<16xf32> to vector<1x1x1x16xf32>
        tpu.vector_store %arg9[%swap3A_925, %swap3A_926, %swap3A_927, %swap3A_928], %swap3A_931 {strides = array<i32>} : memref<2x2x100x64xf32, #tpu.memory_space<vmem>>, vector<1x1x1x16xf32>,
        %get3A_932 = arith.constant 1 : i32
        %get3A_933 = arith.constant 1 : i32
        %get3A_934 = arith.index_cast %get3A_932 : i32 to index
        %get3A_935 = arith.index_cast %get3A_933 : i32 to index
        %get3A_936 = arith.index_cast %add3A_835 : i32 to index
        %get3A_937 = arith.constant 0 : index
        %get3A_938 = tpu.vector_load %arg8[%get3A_934, %get3A_935, %get3A_936, %get3A_937] {strides = array<i32>} : memref<2x2x100x64xf32, #tpu.memory_space<vmem>>, vector<1x1x1x16xf32>,
        %get3A_939 = vector.shape_cast %get3A_938 : vector<1x1x1x16xf32> to vector<16xf32>
        %get3A_940 = arith.constant 1 : i32
        %get3A_941 = arith.index_cast %get3A_940 : i32 to index
        %get3A_942 = arith.index_cast %add3A_835 : i32 to index
        %get3A_943 = arith.constant 0 : index
        %get3A_944 = tpu.vector_load %arg6[%get3A_941, %get3A_942, %get3A_943] {strides = array<i32>} : memref<2x100x64xf32, #tpu.memory_space<vmem>>, vector<1x1x16xf32>,
        %get3A_945 = vector.shape_cast %get3A_944 : vector<1x1x16xf32> to vector<16xf32>
        %add3A_946 = arith.addf %get3A_939, %get3A_945 : vector<16xf32>
        %swap3A_947 = arith.constant 1 : i32
        %swap3A_948 = arith.constant 1 : i32
        %swap3A_949 = arith.index_cast %swap3A_947 : i32 to index
        %swap3A_950 = arith.index_cast %swap3A_948 : i32 to index
        %swap3A_951 = arith.index_cast %add3A_835 : i32 to index
        %swap3A_952 = arith.constant 0 : index
        %swap3A_953 = tpu.vector_load %arg9[%swap3A_949, %swap3A_950, %swap3A_951, %swap3A_952] {strides = array<i32>} : memref<2x2x100x64xf32, #tpu.memory_space<vmem>>, vector<1x1x1x16xf32>,
        %swap3A_954 = vector.shape_cast %swap3A_953 : vector<1x1x1x16xf32> to vector<16xf32>
        %swap3A_955 = vector.shape_cast %add3A_946 : vector<16xf32> to vector<1x1x1x16xf32>
        tpu.vector_store %arg9[%swap3A_949, %swap3A_950, %swap3A_951, %swap3A_952], %swap3A_955 {strides = array<i32>} : memref<2x2x100x64xf32, #tpu.memory_space<vmem>>, vector<1x1x1x16xf32>,
        %get3A_956 = arith.constant 1 : i32
        %get3A_957 = arith.constant 1 : i32
        %get3A_958 = arith.index_cast %get3A_956 : i32 to index
        %get3A_959 = arith.index_cast %get3A_957 : i32 to index
        %get3A_960 = arith.index_cast %add3A_835 : i32 to index
        %get3A_961 = arith.constant 16 : index
        %get3A_962 = tpu.vector_load %arg8[%get3A_958, %get3A_959, %get3A_960, %get3A_961] {strides = array<i32>} : memref<2x2x100x64xf32, #tpu.memory_space<vmem>>, vector<1x1x1x16xf32>,
        %get3A_963 = vector.shape_cast %get3A_962 : vector<1x1x1x16xf32> to vector<16xf32>
        %get3A_964 = arith.constant 1 : i32
        %get3A_965 = arith.index_cast %get3A_964 : i32 to index
        %get3A_966 = arith.index_cast %add3A_835 : i32 to index
        %get3A_967 = arith.constant 16 : index
        %get3A_968 = tpu.vector_load %arg6[%get3A_965, %get3A_966, %get3A_967] {strides = array<i32>} : memref<2x100x64xf32, #tpu.memory_space<vmem>>, vector<1x1x16xf32>,
        %get3A_969 = vector.shape_cast %get3A_968 : vector<1x1x16xf32> to vector<16xf32>
        %add3A_970 = arith.addf %get3A_963, %get3A_969 : vector<16xf32>
        %swap3A_971 = arith.constant 1 : i32
        %swap3A_972 = arith.constant 1 : i32
        %swap3A_973 = arith.index_cast %swap3A_971 : i32 to index
        %swap3A_974 = arith.index_cast %swap3A_972 : i32 to index
        %swap3A_975 = arith.index_cast %add3A_835 : i32 to index
        %swap3A_976 = arith.constant 16 : index
        %swap3A_977 = tpu.vector_load %arg9[%swap3A_973, %swap3A_974, %swap3A_975, %swap3A_976] {strides = array<i32>} : memref<2x2x100x64xf32, #tpu.memory_space<vmem>>, vector<1x1x1x16xf32>,
        %swap3A_978 = vector.shape_cast %swap3A_977 : vector<1x1x1x16xf32> to vector<16xf32>
        %swap3A_979 = vector.shape_cast %add3A_970 : vector<16xf32> to vector<1x1x1x16xf32>
        tpu.vector_store %arg9[%swap3A_973, %swap3A_974, %swap3A_975, %swap3A_976], %swap3A_979 {strides = array<i32>} : memref<2x2x100x64xf32, #tpu.memory_space<vmem>>, vector<1x1x1x16xf32>,
        %get3A_980 = arith.constant 1 : i32
        %get3A_981 = arith.constant 1 : i32
        %get3A_982 = arith.index_cast %get3A_980 : i32 to index
        %get3A_983 = arith.index_cast %get3A_981 : i32 to index
        %get3A_984 = arith.index_cast %add3A_835 : i32 to index
        %get3A_985 = arith.constant 32 : index
        %get3A_986 = tpu.vector_load %arg8[%get3A_982, %get3A_983, %get3A_984, %get3A_985] {strides = array<i32>} : memref<2x2x100x64xf32, #tpu.memory_space<vmem>>, vector<1x1x1x16xf32>,
        %get3A_987 = vector.shape_cast %get3A_986 : vector<1x1x1x16xf32> to vector<16xf32>
        %get3A_988 = arith.constant 1 : i32
        %get3A_989 = arith.index_cast %get3A_988 : i32 to index
        %get3A_990 = arith.index_cast %add3A_835 : i32 to index
        %get3A_991 = arith.constant 32 : index
        %get3A_992 = tpu.vector_load %arg6[%get3A_989, %get3A_990, %get3A_991] {strides = array<i32>} : memref<2x100x64xf32, #tpu.memory_space<vmem>>, vector<1x1x16xf32>,
        %get3A_993 = vector.shape_cast %get3A_992 : vector<1x1x16xf32> to vector<16xf32>
        %add3A_994 = arith.addf %get3A_987, %get3A_993 : vector<16xf32>
        %swap3A_995 = arith.constant 1 : i32
        %swap3A_996 = arith.constant 1 : i32
        %swap3A_997 = arith.index_cast %swap3A_995 : i32 to index
        %swap3A_998 = arith.index_cast %swap3A_996 : i32 to index
        %swap3A_999 = arith.index_cast %add3A_835 : i32 to index
        %swap3A_1000 = arith.constant 32 : index
        %swap3A_1001 = tpu.vector_load %arg9[%swap3A_997, %swap3A_998, %swap3A_999, %swap3A_1000] {strides = array<i32>} : memref<2x2x100x64xf32, #tpu.memory_space<vmem>>, vector<1x1x1x16xf32>,
        %swap3A_1002 = vector.shape_cast %swap3A_1001 : vector<1x1x1x16xf32> to vector<16xf32>
        %swap3A_1003 = vector.shape_cast %add3A_994 : vector<16xf32> to vector<1x1x1x16xf32>
        tpu.vector_store %arg9[%swap3A_997, %swap3A_998, %swap3A_999, %swap3A_1000], %swap3A_1003 {strides = array<i32>} : memref<2x2x100x64xf32, #tpu.memory_space<vmem>>, vector<1x1x1x16xf32>,
        %get3A_1004 = arith.constant 1 : i32
        %get3A_1005 = arith.constant 1 : i32
        %get3A_1006 = arith.index_cast %get3A_1004 : i32 to index
        %get3A_1007 = arith.index_cast %get3A_1005 : i32 to index
        %get3A_1008 = arith.index_cast %add3A_835 : i32 to index
        %get3A_1009 = arith.constant 48 : index
        %get3A_1010 = tpu.vector_load %arg8[%get3A_1006, %get3A_1007, %get3A_1008, %get3A_1009] {strides = array<i32>} : memref<2x2x100x64xf32, #tpu.memory_space<vmem>>, vector<1x1x1x16xf32>,
        %get3A_1011 = vector.shape_cast %get3A_1010 : vector<1x1x1x16xf32> to vector<16xf32>
        %get3A_1012 = arith.constant 1 : i32
        %get3A_1013 = arith.index_cast %get3A_1012 : i32 to index
        %get3A_1014 = arith.index_cast %add3A_835 : i32 to index
        %get3A_1015 = arith.constant 48 : index
        %get3A_1016 = tpu.vector_load %arg6[%get3A_1013, %get3A_1014, %get3A_1015] {strides = array<i32>} : memref<2x100x64xf32, #tpu.memory_space<vmem>>, vector<1x1x16xf32>,
        %get3A_1017 = vector.shape_cast %get3A_1016 : vector<1x1x16xf32> to vector<16xf32>
        %add3A_1018 = arith.addf %get3A_1011, %get3A_1017 : vector<16xf32>
        %swap3A_1019 = arith.constant 1 : i32
        %swap3A_1020 = arith.constant 1 : i32
        %swap3A_1021 = arith.index_cast %swap3A_1019 : i32 to index
        %swap3A_1022 = arith.index_cast %swap3A_1020 : i32 to index
        %swap3A_1023 = arith.index_cast %add3A_835 : i32 to index
        %swap3A_1024 = arith.constant 48 : index
        %swap3A_1025 = tpu.vector_load %arg9[%swap3A_1021, %swap3A_1022, %swap3A_1023, %swap3A_1024] {strides = array<i32>} : memref<2x2x100x64xf32, #tpu.memory_space<vmem>>, vector<1x1x1x16xf32>,
        %swap3A_1026 = vector.shape_cast %swap3A_1025 : vector<1x1x1x16xf32> to vector<16xf32>
        %swap3A_1027 = vector.shape_cast %add3A_1018 : vector<16xf32> to vector<1x1x1x16xf32>
        tpu.vector_store %arg9[%swap3A_1021, %swap3A_1022, %swap3A_1023, %swap3A_1024], %swap3A_1027 {strides = array<i32>} : memref<2x2x100x64xf32, #tpu.memory_space<vmem>>, vector<1x1x1x16xf32>,
      }
      %scan3A_211 = arith.constant 100 : i32
      %add3A_212 = arith.constant 2 : i32
      %add3A_213 = arith.addi %add3A_173, %add3A_212 : i32
      %lt3A_214 = arith.constant 128 : i32
      %lt3A_215 = arith.cmpi slt, %add3A_213, %lt3A_214 : i32
      %convert_element_type3A_216 = arith.extui %lt3A_215 : i1 to i32
      %cond3A_217 = arith.constant 0 : i32
      %cond3A_218 = arith.cmpi ne, %convert_element_type3A_216, %cond3A_217 : i32
      scf.if %cond3A_218 {
        %add3A_239 = arith.constant 2 : i32
        %add3A_240 = arith.addi %add3A_173, %add3A_239 : i32
        %mul3A_241 = arith.constant 2 : i32
        %mul3A_242 = arith.muli %add3A_240, %mul3A_241 : i32
        %add3A_243 = arith.addi %mul3A_2, %mul3A_242 : i32
        %run_scoped3A_244 = arith.constant 1 : i32
        "tpu.region"() ({
          %run_scoped3A_273 = tpu.sem_alloc : memref<!tpu.dma_semaphore, #tpu.memory_space<semaphore_mem>>
          %dma_start3A_274 = arith.constant 0 : i32
          %dma_start3A_275 = arith.constant 0 : i32
          %dma_start3A_276 = tpu.memref_slice %arg7[%run_scoped3A_244, %dma_start3A_274, %dma_start3A_275] : memref<2x2x100xi32, #tpu.memory_space<vmem>> -> memref<1x2x100xi32, #tpu.memory_space<vmem>>
          %dma_start3A_277 = tpu.memref_squeeze %dma_start3A_276 : memref<1x2x100xi32, #tpu.memory_space<vmem>> -> memref<2x100xi32, #tpu.memory_space<vmem>>
          %dma_start3A_278 = arith.constant 0 : i32
          %dma_start3A_279 = tpu.memref_slice %arg2[%add3A_243, %dma_start3A_278] : memref<8192x100xi32, #tpu.memory_space<hbm>> -> memref<2x100xi32, #tpu.memory_space<hbm>>
          %dma_start3A_280 = arith.constant 0 : i32
          %dma_start3A_281 = arith.constant 0 : i32
          %dma_start3A_282 = tpu.memref_slice %arg7[%run_scoped3A_244, %dma_start3A_280, %dma_start3A_281] : memref<2x2x100xi32, #tpu.memory_space<vmem>> -> memref<1x2x100xi32, #tpu.memory_space<vmem>>
          %dma_start3A_283 = tpu.memref_squeeze %dma_start3A_282 : memref<1x2x100xi32, #tpu.memory_space<vmem>> -> memref<2x100xi32, #tpu.memory_space<vmem>>
          %dma_start3A_284 = arith.constant 0 : i32
          %dma_start3A_285 = tpu.memref_slice %arg2[%add3A_243, %dma_start3A_284] : memref<8192x100xi32, #tpu.memory_space<hbm>> -> memref<2x100xi32, #tpu.memory_space<hbm>>
          tpu.enqueue_dma source(%dma_start3A_285 : memref<2x100xi32, #tpu.memory_space<hbm>>) target(%dma_start3A_283 : memref<2x100xi32, #tpu.memory_space<vmem>>) target_semaphore(%run_scoped3A_273 : memref<!tpu.dma_semaphore, #tpu.memory_space<semaphore_mem>>)
          %dma_wait3A_286 = arith.constant 0 : i32
          %dma_wait3A_287 = arith.constant 0 : i32
          %dma_wait3A_288 = tpu.memref_slice %arg7[%run_scoped3A_244, %dma_wait3A_286, %dma_wait3A_287] : memref<2x2x100xi32, #tpu.memory_space<vmem>> -> memref<1x2x100xi32, #tpu.memory_space<vmem>>
          %dma_wait3A_289 = tpu.memref_squeeze %dma_wait3A_288 : memref<1x2x100xi32, #tpu.memory_space<vmem>> -> memref<2x100xi32, #tpu.memory_space<vmem>>
          %dma_wait3A_290 = arith.constant 0 : i32
          %dma_wait3A_291 = tpu.memref_slice %arg2[%add3A_243, %dma_wait3A_290] : memref<8192x100xi32, #tpu.memory_space<hbm>> -> memref<2x100xi32, #tpu.memory_space<hbm>>
          %dma_wait3A_292 = arith.constant 0 : i32
          %dma_wait3A_293 = arith.constant 0 : i32
          %dma_wait3A_294 = tpu.memref_slice %arg7[%run_scoped3A_244, %dma_wait3A_292, %dma_wait3A_293] : memref<2x2x100xi32, #tpu.memory_space<vmem>> -> memref<1x2x100xi32, #tpu.memory_space<vmem>>
          %dma_wait3A_295 = tpu.memref_squeeze %dma_wait3A_294 : memref<1x2x100xi32, #tpu.memory_space<vmem>> -> memref<2x100xi32, #tpu.memory_space<vmem>>
          %dma_wait3A_296 = arith.constant 0 : i32
          %dma_wait3A_297 = tpu.memref_slice %arg2[%add3A_243, %dma_wait3A_296] : memref<8192x100xi32, #tpu.memory_space<hbm>> -> memref<2x100xi32, #tpu.memory_space<hbm>>
          tpu.wait_dma2 semaphore(%run_scoped3A_273 : memref<!tpu.dma_semaphore, #tpu.memory_space<semaphore_mem>>) src(%dma_wait3A_297 : memref<2x100xi32, #tpu.memory_space<hbm>>) dst(%dma_wait3A_295 : memref<2x100xi32, #tpu.memory_space<vmem>>)
          tpu.yield
        }) : () -> ()
        %dma_start3A_245 = arith.constant 1 : i32
        %dma_start3A_246 = arith.constant 0 : i32
        %dma_start3A_247 = arith.constant 1 : i32
        %dma_start3A_248 = arith.constant 0 : i32
        %dma_start3A_249 = arith.constant 0 : i32
        %dma_start3A_250 = arith.constant 0 : i32
        %dma_start3A_251 = tpu.memref_slice %arg8[%dma_start3A_247, %dma_start3A_248, %dma_start3A_249, %dma_start3A_250] : memref<2x2x100x64xf32, #tpu.memory_space<vmem>> -> memref<1x1x100x64xf32, #tpu.memory_space<vmem>>
        %dma_start3A_252 = tpu.memref_squeeze %dma_start3A_251 : memref<1x1x100x64xf32, #tpu.memory_space<vmem>> -> memref<100x64xf32, #tpu.memory_space<vmem>>
        %dma_start3A_253 = arith.constant 0 : i32
        %dma_start3A_254 = tpu.memref_slice %arg7[%dma_start3A_245, %dma_start3A_246, %dma_start3A_253] : memref<2x2x100xi32, #tpu.memory_space<vmem>> -> memref<1x1x100xi32, #tpu.memory_space<vmem>>
        %dma_start3A_255 = tpu.memref_squeeze %dma_start3A_254 : memref<1x1x100xi32, #tpu.memory_space<vmem>> -> memref<100xi32, #tpu.memory_space<vmem>>
        %dma_start3A_256 = arith.constant 0 : i32
        %dma_start3A_257 = arith.constant 0 : i32
        %dma_start3A_258 = tpu.memref_slice %arg3[%dma_start3A_256, %dma_start3A_257] : memref<1000000x64xf32, #tpu.memory_space<hbm>> -> memref<1000000x64xf32, #tpu.memory_space<hbm>>
        tpu.enqueue_indirect_dma source(%dma_start3A_258 : memref<1000000x64xf32, #tpu.memory_space<hbm>>) target(%dma_start3A_252 : memref<100x64xf32, #tpu.memory_space<vmem>>) offsets(%dma_start3A_255 : memref<100xi32, #tpu.memory_space<vmem>>) semaphore(%arg11 : memref<!tpu.dma_semaphore, #tpu.memory_space<semaphore_mem>>)
        %dma_start3A_259 = arith.constant 1 : i32
        %dma_start3A_260 = arith.constant 1 : i32
        %dma_start3A_261 = arith.constant 1 : i32
        %dma_start3A_262 = arith.constant 1 : i32
        %dma_start3A_263 = arith.constant 0 : i32
        %dma_start3A_264 = arith.constant 0 : i32
        %dma_start3A_265 = tpu.memref_slice %arg8[%dma_start3A_261, %dma_start3A_262, %dma_start3A_263, %dma_start3A_264] : memref<2x2x100x64xf32, #tpu.memory_space<vmem>> -> memref<1x1x100x64xf32, #tpu.memory_space<vmem>>
        %dma_start3A_266 = tpu.memref_squeeze %dma_start3A_265 : memref<1x1x100x64xf32, #tpu.memory_space<vmem>> -> memref<100x64xf32, #tpu.memory_space<vmem>>
        %dma_start3A_267 = arith.constant 0 : i32
        %dma_start3A_268 = tpu.memref_slice %arg7[%dma_start3A_259, %dma_start3A_260, %dma_start3A_267] : memref<2x2x100xi32, #tpu.memory_space<vmem>> -> memref<1x1x100xi32, #tpu.memory_space<vmem>>
        %dma_start3A_269 = tpu.memref_squeeze %dma_start3A_268 : memref<1x1x100xi32, #tpu.memory_space<vmem>> -> memref<100xi32, #tpu.memory_space<vmem>>
        %dma_start3A_270 = arith.constant 0 : i32
        %dma_start3A_271 = arith.constant 0 : i32
        %dma_start3A_272 = tpu.memref_slice %arg3[%dma_start3A_270, %dma_start3A_271] : memref<1000000x64xf32, #tpu.memory_space<hbm>> -> memref<1000000x64xf32, #tpu.memory_space<hbm>>
        tpu.enqueue_indirect_dma source(%dma_start3A_272 : memref<1000000x64xf32, #tpu.memory_space<hbm>>) target(%dma_start3A_266 : memref<100x64xf32, #tpu.memory_space<vmem>>) offsets(%dma_start3A_269 : memref<100xi32, #tpu.memory_space<vmem>>) semaphore(%arg11 : memref<!tpu.dma_semaphore, #tpu.memory_space<semaphore_mem>>)
      } else {
      }
      %mul3A_219 = arith.constant 2 : i32
      %mul3A_220 = arith.muli %add3A_173, %mul3A_219 : i32
      %add3A_221 = arith.addi %mul3A_2, %mul3A_220 : i32
      %dma_start3A_222 = arith.constant 1 : i32
      %dma_start3A_223 = arith.constant 0 : i32
      %dma_start3A_224 = arith.constant 0 : i32
      %dma_start3A_225 = arith.constant 0 : i32
      %dma_start3A_226 = tpu.memref_slice %arg9[%dma_start3A_222, %dma_start3A_223, %dma_start3A_224, %dma_start3A_225] : memref<2x2x100x64xf32, #tpu.memory_space<vmem>> -> memref<1x2x100x64xf32, #tpu.memory_space<vmem>>
      %dma_start3A_227 = tpu.memref_squeeze %dma_start3A_226 : memref<1x2x100x64xf32, #tpu.memory_space<vmem>> -> memref<2x100x64xf32, #tpu.memory_space<vmem>>
      %dma_start3A_228 = arith.constant 0 : i32
      %dma_start3A_229 = arith.constant 0 : i32
      %dma_start3A_230 = tpu.memref_slice %arg5[%add3A_221, %dma_start3A_228, %dma_start3A_229] : memref<8192x100x64xf32, #tpu.memory_space<hbm>> -> memref<2x100x64xf32, #tpu.memory_space<hbm>>
      %dma_start3A_231 = arith.constant 0 : i32
      %dma_start3A_232 = arith.constant 0 : i32
      %dma_start3A_233 = tpu.memref_slice %arg5[%add3A_221, %dma_start3A_231, %dma_start3A_232] : memref<8192x100x64xf32, #tpu.memory_space<hbm>> -> memref<2x100x64xf32, #tpu.memory_space<hbm>>
      %dma_start3A_234 = arith.constant 0 : i32
      %dma_start3A_235 = arith.constant 0 : i32
      %dma_start3A_236 = arith.constant 0 : i32
      %dma_start3A_237 = tpu.memref_slice %arg9[%dma_start3A_222, %dma_start3A_234, %dma_start3A_235, %dma_start3A_236] : memref<2x2x100x64xf32, #tpu.memory_space<vmem>> -> memref<1x2x100x64xf32, #tpu.memory_space<vmem>>
      %dma_start3A_238 = tpu.memref_squeeze %dma_start3A_237 : memref<1x2x100x64xf32, #tpu.memory_space<vmem>> -> memref<2x100x64xf32, #tpu.memory_space<vmem>>
      tpu.enqueue_dma source(%dma_start3A_238 : memref<2x100x64xf32, #tpu.memory_space<vmem>>) target(%dma_start3A_233 : memref<2x100x64xf32, #tpu.memory_space<hbm>>) target_semaphore(%arg13 : memref<!tpu.dma_semaphore, #tpu.memory_space<semaphore_mem>>)
    }
    %scan3A_66 = arith.constant 64 : i32
    %dma_wait3A = arith.constant 0 : i32
    %dma_wait3A_67 = arith.constant 0 : i32
    %dma_wait3A_68 = arith.constant 0 : i32
    %dma_wait3A_69 = arith.constant 0 : i32
    %dma_wait3A_70 = tpu.memref_slice %arg9[%dma_wait3A, %dma_wait3A_67, %dma_wait3A_68, %dma_wait3A_69] : memref<2x2x100x64xf32, #tpu.memory_space<vmem>> -> memref<1x2x100x64xf32, #tpu.memory_space<vmem>>
    %dma_wait3A_71 = tpu.memref_squeeze %dma_wait3A_70 : memref<1x2x100x64xf32, #tpu.memory_space<vmem>> -> memref<2x100x64xf32, #tpu.memory_space<vmem>>
    %dma_wait3A_72 = arith.constant 0 : i32
    %dma_wait3A_73 = arith.constant 0 : i32
    %dma_wait3A_74 = arith.constant 0 : i32
    %dma_wait3A_75 = tpu.memref_slice %arg5[%dma_wait3A_72, %dma_wait3A_73, %dma_wait3A_74] : memref<8192x100x64xf32, #tpu.memory_space<hbm>> -> memref<2x100x64xf32, #tpu.memory_space<hbm>>
    %dma_wait3A_76 = arith.constant 0 : i32
    %dma_wait3A_77 = arith.constant 0 : i32
    %dma_wait3A_78 = arith.constant 0 : i32
    %dma_wait3A_79 = tpu.memref_slice %arg5[%dma_wait3A_76, %dma_wait3A_77, %dma_wait3A_78] : memref<8192x100x64xf32, #tpu.memory_space<hbm>> -> memref<2x100x64xf32, #tpu.memory_space<hbm>>
    %dma_wait3A_80 = arith.constant 0 : i32
    %dma_wait3A_81 = arith.constant 0 : i32
    %dma_wait3A_82 = arith.constant 0 : i32
    %dma_wait3A_83 = tpu.memref_slice %arg9[%dma_wait3A, %dma_wait3A_80, %dma_wait3A_81, %dma_wait3A_82] : memref<2x2x100x64xf32, #tpu.memory_space<vmem>> -> memref<1x2x100x64xf32, #tpu.memory_space<vmem>>
    %dma_wait3A_84 = tpu.memref_squeeze %dma_wait3A_83 : memref<1x2x100x64xf32, #tpu.memory_space<vmem>> -> memref<2x100x64xf32, #tpu.memory_space<vmem>>
    tpu.wait_dma2 semaphore(%arg12 : memref<!tpu.dma_semaphore, #tpu.memory_space<semaphore_mem>>) src(%dma_wait3A_84 : memref<2x100x64xf32, #tpu.memory_space<vmem>>) dst(%dma_wait3A_79 : memref<2x100x64xf32, #tpu.memory_space<hbm>>)
    %dma_wait3A_85 = arith.constant 1 : i32
    %dma_wait3A_86 = arith.constant 0 : i32
    %dma_wait3A_87 = arith.constant 0 : i32
    %dma_wait3A_88 = arith.constant 0 : i32
    %dma_wait3A_89 = tpu.memref_slice %arg9[%dma_wait3A_85, %dma_wait3A_86, %dma_wait3A_87, %dma_wait3A_88] : memref<2x2x100x64xf32, #tpu.memory_space<vmem>> -> memref<1x2x100x64xf32, #tpu.memory_space<vmem>>
    %dma_wait3A_90 = tpu.memref_squeeze %dma_wait3A_89 : memref<1x2x100x64xf32, #tpu.memory_space<vmem>> -> memref<2x100x64xf32, #tpu.memory_space<vmem>>
    %dma_wait3A_91 = arith.constant 0 : i32
    %dma_wait3A_92 = arith.constant 0 : i32
    %dma_wait3A_93 = arith.constant 0 : i32
    %dma_wait3A_94 = tpu.memref_slice %arg5[%dma_wait3A_91, %dma_wait3A_92, %dma_wait3A_93] : memref<8192x100x64xf32, #tpu.memory_space<hbm>> -> memref<2x100x64xf32, #tpu.memory_space<hbm>>
    %dma_wait3A_95 = arith.constant 0 : i32
    %dma_wait3A_96 = arith.constant 0 : i32
    %dma_wait3A_97 = arith.constant 0 : i32
    %dma_wait3A_98 = tpu.memref_slice %arg5[%dma_wait3A_95, %dma_wait3A_96, %dma_wait3A_97] : memref<8192x100x64xf32, #tpu.memory_space<hbm>> -> memref<2x100x64xf32, #tpu.memory_space<hbm>>
    %dma_wait3A_99 = arith.constant 0 : i32
    %dma_wait3A_100 = arith.constant 0 : i32
    %dma_wait3A_101 = arith.constant 0 : i32
    %dma_wait3A_102 = tpu.memref_slice %arg9[%dma_wait3A_85, %dma_wait3A_99, %dma_wait3A_100, %dma_wait3A_101] : memref<2x2x100x64xf32, #tpu.memory_space<vmem>> -> memref<1x2x100x64xf32, #tpu.memory_space<vmem>>
    %dma_wait3A_103 = tpu.memref_squeeze %dma_wait3A_102 : memref<1x2x100x64xf32, #tpu.memory_space<vmem>> -> memref<2x100x64xf32, #tpu.memory_space<vmem>>
    tpu.wait_dma2 semaphore(%arg13 : memref<!tpu.dma_semaphore, #tpu.memory_space<semaphore_mem>>) src(%dma_wait3A_103 : memref<2x100x64xf32, #tpu.memory_space<vmem>>) dst(%dma_wait3A_98 : memref<2x100x64xf32, #tpu.memory_space<hbm>>)
    return
  }
}

</mosaic_0001>

<sc_bundles>
// kernel: kernel.3.cloned.1.call-start
scs
__scs_entry_jumppad:
0x0: {  	(pc) =	sbr.rel $0x88, $3  }
0x1: {  	(tag) =	ssettag $0x0;
	lr =	simm.s32 $0x1  }
0x2: {  	[smem:$0x3F9F] =	sst lr;
	_ =	strace $0xD0000000  }
0x3: {  	_ = 	snop  }
0x4: {  	_ = 	snop  }
0x5: {  	_ = 	snop  }
0x6: {  	_ = 	snop  }
0x7: {  	_ = 	snop  }
__scs_overlays_trampoline_lowered:
0x8: {  	[smem:$0x3FAE] =	sst s0  }
0x9: {  	[smem:$0x3FAF] =	sst s1  }
0xa: {  	[smem:$0x3FB0] =	sst s2  }
0xb: {  	[smem:$0x3FB1] =	sst s3  }
0xc: {  	[smem:$0x3FB2] =	sst s4  }
0xd: {  	[smem:$0x3FB3] =	sst s5  }
0xe: {  	[smem:$0x3FB4] =	sst s6  }
0xf: {  	[smem:$0x3FB5] =	sst s7  }
0x10: {  	[smem:$0x3FB6] =	sst s8  }
0x11: {  	[smem:$0x3FB7] =	sst s9;
	s0 =	simm.s32 @!p0 $0x0  }
0x12: {  	s1 =	sld [smem:$0x3F9D];
	s0 =	simm.s32 @p0 $0x1  }
0x13: {  	[smem:$0x3FB8] =	sst s0;
	s0 =	simm.s32 @!p1 $0x0  }
0x14: {  	s2 =	sld [smem:$0x3F9C];
	s0 =	simm.s32 @p1 $0x1  }
0x15: {  	[smem:$0x3FB9] =	sst s0;
	s0 =	simm.s32 @!p2 $0x0  }
0x16: {  	s3 =	sld [smem:$0x3FDB];
	s0 =	simm.s32 @p2 $0x1  }
0x17: {  	s4 =	simm.s32 $0x1BF5;
	[smem:$0x3FBB] =	sst s0  }
0x18: {  	s0 =	sld [smem:$0x3F9E];
	_ =	swait.ge [sflag:s4], $0x0  }
0x19: {  	s7 =	sld [smem:$0x3F9F]  }
0x1a: {  	s8 =	sadd.s32 $0xFFFFE003, lr  }
0x1b: {  	s9 =	sadd.s32 $0xFFFFFEF7, lr;
	s5 =	simm.s32 $0xFFFFFFFF;
	p2 =	slt.u32 s8, $0xFFFFF086  }
0x1c: {  	p1 =	slt.u32 s9, $0xF7A;
	s5 =	simm.s32 @!p2 $0x0  }
0x1d: {  	s5 =	simm.s32 @p1 $0x1;
	p0 =	seq.s32 s7, s2  }
0x1e: {  	s7 =	smul.u32 @!p0 $0xF7A, s2;
	p2 =	seq.s32 @!p0 s5, $0x0  }
0x1f: {  	s9 =	smul.u32 $0xF7A, s1;
	s8 =	simm.s32 @!p0 $0x1BF5;
	p2 =	por !p2, p0  }
0x20: {  	[sflag:s8] =	ssyncset.s32 @!p0 $0xFFFFF086;
	s6 =	sadd.s32 @!p0 s3, s7;
	s7 =	simm.s32 @!p0 $0x108  }
0x21: {  	s3 =	sadd.s32 s3, s9;
	s6 =	sadd.s32 @!p0 $0x88, s6;
	s7 =	simm.s32 @p2 $0x1082  }
0x22: {  	[simem:s7], [sflag:s8] =	dma.local @!p0 [hbm:s6], $0xF7A  }
0x23: {  	s9 =	sor.u32 $0xD0000000, s2;
	s6 =	simm.s32 $0x108;
	_ =	swait.ge @!p0 [sflag:s8], $0x0  }
0x24: {  	s3 =	sadd.s32 $0x88, s3;
	s6 =	simm.s32 @!p1 $0x1082;
	[sflag:s4] =	ssyncset.s32 $0xFFFFF086  }
0x25: {  	[simem:s6], [sflag:s4] =	dma.local [hbm:s3], $0xF7A  }
0x26: {  	[smem:$0x3F9F] =	sst s1;
	(tag) =	ssettag s2;
	_ =	strace s9  }
0x27: {  	s1 =	sld [smem:$0x3FAF]  }
0x28: {  	s2 =	sld [smem:$0x3FB0]  }
0x29: {  	s4 =	sld [smem:$0x3FB2]  }
0x2a: {  	p0 =	seq.s32 s5, $0x0;
	s5 =	sld [smem:$0x3FB3]  }
0x2b: {  	s6 =	sld [smem:$0x3FB4]  }
0x2c: {  	s7 =	sld [smem:$0x3FB5]  }
0x2d: {  	s3 =	simm.s32 $0x108;
	s8 =	sld [smem:$0x3FB6]  }
0x2e: {  	s3 =	simm.s32 @!p0 $0x1082;
	s9 =	sld [smem:$0x3FB7]  }
0x2f: {  	lr =	sadd.s32 s0, s3;
	s0 =	sld [smem:$0x3FAE]  }
0x30: {  	s3 =	sld [smem:$0x3FB1]  }
0x31: {  	[smem:$0x3FBA] =	sst s10  }
0x32: {  	s10 =	sld [smem:$0x3FB8];
	_ =	sdelay $0x3  }
0x33: {  	p0 =	seq.s32 s10, $0x1;
	s10 =	sld [smem:$0x3FBA];
	_ =	sdelay $0x3  }
0x34: {  	[smem:$0x3FBA] =	sst s10  }
0x35: {  	s10 =	sld [smem:$0x3FB9];
	_ =	sdelay $0x3  }
0x36: {  	p1 =	seq.s32 s10, $0x1;
	s10 =	sld [smem:$0x3FBA];
	_ =	sdelay $0x3  }
0x37: {  	[smem:$0x3FBA] =	sst s10  }
0x38: {  	s10 =	sld [smem:$0x3FBB]  }
0x39: {  	_ = 	snop;
	(pc) =	sbr.ind lr, $3  }
0x3a: {  	_ = 	snop  }
0x3b: {  	_ = 	snop  }
0x3c: {  	p2 =	seq.s32 s10, $0x1;
	s10 =	sld [smem:$0x3FBA]  }
0x3d: {  	_ =	shalt  }
0x3e: {  	_ =	shalt  }
0x3f: {  	_ =	shalt  }
0x40: {  	_ =	shalt  }
0x41: {  	_ =	shalt  }
0x42: {  	_ =	shalt  }
0x43: {  	_ =	shalt  }
0x44: {  	_ =	shalt  }
0x45: {  	_ =	shalt  }
0x46: {  	_ =	shalt  }
0x47: {  	_ =	shalt  }
0x48: {  	_ =	shalt  }
0x49: {  	_ =	shalt  }
0x4a: {  	_ =	shalt  }
0x4b: {  	_ =	shalt  }
0x4c: {  	_ =	shalt  }
0x4d: {  	_ =	shalt  }
0x4e: {  	_ =	shalt  }
0x4f: {  	_ =	shalt  }
0x50: {  	_ =	shalt  }
0x51: {  	_ =	shalt  }
0x52: {  	_ =	shalt  }
0x53: {  	_ =	shalt  }
0x54: {  	_ =	shalt  }
0x55: {  	_ =	shalt  }
0x56: {  	_ =	shalt  }
0x57: {  	_ =	shalt  }
0x58: {  	_ =	shalt  }
0x59: {  	_ =	shalt  }
0x5a: {  	_ =	shalt  }
0x5b: {  	_ =	shalt  }
0x5c: {  	_ =	shalt  }
0x5d: {  	_ =	shalt  }
0x5e: {  	_ =	shalt  }
0x5f: {  	_ =	shalt  }
0x60: {  	_ =	shalt  }
0x61: {  	_ =	shalt  }
0x62: {  	_ =	shalt  }
0x63: {  	_ =	shalt  }
0x64: {  	_ =	shalt  }
0x65: {  	_ =	shalt  }
0x66: {  	_ =	shalt  }
0x67: {  	_ =	shalt  }
0x68: {  	_ =	shalt  }
0x69: {  	_ =	shalt  }
0x6a: {  	_ =	shalt  }
0x6b: {  	_ =	shalt  }
0x6c: {  	_ =	shalt  }
0x6d: {  	_ =	shalt  }
0x6e: {  	_ =	shalt  }
0x6f: {  	_ =	shalt  }
0x70: {  	_ =	shalt  }
0x71: {  	_ =	shalt  }
0x72: {  	_ =	shalt  }
0x73: {  	_ =	shalt  }
0x74: {  	_ =	shalt  }
0x75: {  	_ =	shalt  }
0x76: {  	_ =	shalt  }
0x77: {  	_ =	shalt  }
0x78: {  	_ =	shalt  }
0x79: {  	_ =	shalt  }
0x7a: {  	_ =	shalt  }
0x7b: {  	_ =	shalt  }
0x7c: {  	_ =	shalt  }
0x7d: {  	_ =	shalt  }
0x7e: {  	_ =	shalt  }
0x7f: {  	_ =	shalt  }
0x80: {  	_ =	shalt  }
0x81: {  	_ =	shalt  }
0x82: {  	_ =	shalt  }
0x83: {  	_ =	shalt  }
0x84: {  	_ =	shalt  }
0x85: {  	_ =	shalt  }
0x86: {  	_ =	shalt  }
0x87: {  	_ =	shalt  }
.Lfunc_end0:
.L_simem_size_0:
called_computation.1_lowered:
.L_overlay_start_0:
0x88: {  	s2 =	sld [smem:$0x3FD9]  }
0x89: {  	s3 =	sld [smem:$0x3FFE];
	_ =	sdelay $0x1  }
0x8a: {  	s1 =	srdreg.scid  }
0x8b: {  	s0 =	sand.u32 $0x1, s1  }
0x8c: {  	s17 =	sshll.u32 s0, $0xA;
	s2 =	sadd.s32 s3, s2  }
0x8d: {  	s2 =	sadd.s32 s2, s17  }
0x8e: {  	[smem:$0x3FC6] =	sst s2  }
0x8f: {  	_ = 	snop  }
0x90: {  	s2 =	sld [smem:$0x3FD0];
	(tm) =	ssettm $0x1  }
0x91: {  	s18 =	sld [smem:$0x3FFB];
	_ =	sdelay $0x3  }
0x92: {  	_ =	strace s18  }
0x93: {  	s3 =	sld [smem:$0x3FFC];
	_ =	sdelay $0x3  }
0x94: {  	_ =	strace s3  }
0x95: {  	s3 =	sld [smem:$0x3FFD];
	_ =	sdelay $0x3  }
0x96: {  	_ =	strace s3  }
0x97: {  	_ =	strace $0x8FFFFFFF  }
0x98: {  	s19 =	sld [smem:$0x3FDB];
	_ =	sdelay $0x1  }
0x99: {  	s4 =	simm.s32 $_scs_section_size  }
0x9a: {  	s5 =	simm.s32 $_size__tile_overlayer_lowered;
	s6 =	simm.s32 $_tile_overlayer_lowered  }
0x9b: {  	s22 =	simm.s32 $0x1BFF;
	s21 =	sshll.u32 s6, $0x1;
	s3 =	sadd.s32 s4, s19  }
0x9c: {  	s7 =	simm.s32 $0x0;
	s20 =	sshll.u32 s5, $0x1;
	s5 =	sadd.s32 s21, s3  }
0x9d: {  	[timem:s7], [sflag:s22] =	dma.local [hbm:s5], s20  }
0x9e: {  	_ =	swait.ge [sflag:s22], s20  }
0x9f: {  	s4 =	ssub.s32 $0x0, s20;
	[sflag:s22] =	ssyncset.done $0x0  }
0xa0: {  	[sflag:s22] =	ssyncadd.s32 s4;
	_ =	sdelay $0x1  }
0xa1: {  	s23 =	simm.s32 $0x1B8B  }
0xa2: {  	_ =	swait.ge [sflag:s23], $0x1  }
0xa3: {  	[sflag:s23] =	ssyncset.done $0x0  }
0xa4: {  	s25 =	simm.s32 $0x1B8E;
	s24 =	sld [smem:$0x3FFE];
	[sflag:s23] =	ssyncadd.s32 $0xFFFFFFFF  }
0xa5: {  	s26 =	simm.s32 $execute0_lowered;
	[smem:$0x3FD2] =	sst s25  }
0xa6: {  	s5 =	sshll.u32 s26, $0x1;
	_ =	strace $0x80000046;
	[dreg:$0x1] =	wrdreg $0xFFFFFFFF  }
0xa7: {  	s28 =	simm.s32 $_size_execute0_lowered;
	s3 =	sadd.s32 s3, s5;
	[dreg:$0x0] =	wrdreg $0x0  }
0xa8: {  	s5 =	sshll.u32 s28, $0x1;
	[dreg:$0x2] =	wrdreg s3  }
0xa9: {  	[dreg:$0x3] =	wrdreg s5  }
0xaa: {  	[dreg:$0x4] =	wrdreg $0xC0  }
0xab: {  	_ =	task [dreg:s7], $0x5FFFF  }
0xac: {  	[dreg:$0x1] =	wrdreg $0xFFFFFFFF  }
0xad: {  	[dreg:$0x0] =	wrdreg $0x60  }
0xae: {  	[dreg:$0x2] =	wrdreg s24  }
0xaf: {  	[dreg:$0x3] =	wrdreg s2  }
0xb0: {  	[dreg:$0x4] =	wrdreg $0x9  }
0xb1: {  	_ =	task.clear_ibuf [dreg:s7], $0x5FFFF;
	_ =	strace $0x90000046  }
0xb2: {  	s29 =	simm.s32 $0x9;
	_ =	strace $0x80000048  }
0xb3: {  	_ =	swait.ge [sflag:s29], $0x1  }
0xb4: {  	[sflag:s29] =	ssyncadd.s32 $0xFFFFFFFF  }
0xb5: {  	_ =	strace $0x90000048  }
0xb6: {  	_ =	sfence  }
0xb7: {  	s30 =	sld [smem:$0x0];
	_ =	sdelay $0x2  }
0xb8: {  	s31 =	sshll.u32 s1, $0xD;
	s1 =	sshrl.u32 s1, $0x2  }
0xb9: {  	s3 =	sand.u32 $0x4000, s31;
	s1 =	sadd.s32 s1, s30  }
0xba: {  	s0 =	sor.u32 s3, s0;
	s1 =	sshll.u32 s1, $0x11  }
0xbb: {  	s0 =	sor.u32 s1, s0  }
0xbc: {  	s0 =	sadd.s32 $0x8F2B, s0  }
0xbd: {  	[sflag:s0] =	ssyncadd.remote.s32 $0x1  }
0xbe: {  	_ =	sfence.sel $0xFFFF  }
0xbf: {  	[dreg:$0x0] =	wrdreg $0xFFFFFFFF;
	(pc) =	sbr.abs _section_cstart, $3  }
0xc0: {  	[dreg:$0x1] =	wrdreg $0xFFFFFFFF  }
0xc1: {  	_ =	task.clear_ibuf [dreg:s7], $0x2FFFF;
	_ =	strace $0x9FFFFFFF  }
0xc2: {  	(tm) =	ssettm $0x7FFFFFFF  }
0xc3: {  	_ =	shalt  }
tec
execute0_lowered:
.L_overlay_start_1:
0x0: {  	(tag) =	ssettag $0x1  }
0x1: {  	s0 =	rddreg [dreg:$0x0]  }
0x2: {  	s2 =	rddreg [dreg:$0x1]  }
0x3: {  	s1 =	srdreg.scid;
	s4 =	stileid.u32  }
0x4: {  	s3 =	simm.s32 $0x0;
	s13 =	simm.s32 $0x5;
	s14 =	simm.s32 $0x3200  }
0x5: {  	s15 =	simm.s32 $0x64;
	s19 =	simm.s32 $0x32D0;
	s23 =	simm.s32 $0x1  }
0x6: {  	s24 =	simm.s32 $0x97A0;
	s25 =	simm.s32 $0x2;
	s26 =	simm.s32 $0xC9A0  }
0x7: {  	s28 =	simm.s32 $0x3;
	s29 =	simm.s32 $0x4;
	s1 =	sand.u32 $0x1, s1  }
0x8: {  	s30 =	simm.s32 $0x0;
	s4 =	sshll.u32 s4, $0x9;
	s5 =	sshll.u32 s1, $0x8  }
0x9: {  	[smem:$0x7FF] =	sst s3;
	s6 =	sadd.s32 $0xF43000, s0;
	s4 =	sor.u32 s5, s4  }
0xa: {  	s7 =	sadd.s32 $0x400, s0;
	s1 =	ssub.s32 $0x2, s1;
	s8 =	smul.u32 $0xD, s4  }
0xb: {  	_ =	strace $0x80000047;
	s5 =	sadd.s32 $0xC00, s0;
	s9 =	sshrl.u32 s1, $0x1  }
0xc: {  	s31 =	ssub.s32 s1, s9;
	s10 =	sor.u32 $0x4, s4;
	s8 =	sadd.s32 s5, s8  }
0xd: {  	s11 =	sor.u32 $0x6, s4;
	s12 =	smax.u32 s31, $0x1;
	s9 =	sadd.s32 $0x1A, s8  }
.LBB2_1:
0xe: {  	[tilespmem:s3], [sflag:$0x5] =	stream.linear.gather [hbm4b:s7+s3], $0x3200, $0x38;
	[tilespmem:$0xFBA0] =	vst v63  }
0xf: {  	_ =	swait.ge [sflag:s13], $0x3200  }
0x10: {  	[sflag:s13] =	ssyncset.done $0x0  }
0x11: {  	[sflag:s13] =	ssyncadd.s32 $0xFFFFCE00  }
0x12: {  	[tilespmem:s14], [sflag:$0x5] =	stream.linear.gather [hbm4b:s8+s3], $0xD0, $0x38;
	[tilespmem:$0xFBA0] =	vst v63  }
0x13: {  	_ =	swait.ge [sflag:s13], $0xD0  }
0x14: {  	[sflag:s13] =	ssyncset.done $0x0  }
0x15: {  	s0 =	simm.s32 $0x33A0;
	[sflag:s13] =	ssyncadd.s32 $0xFFFFFF30  }
0x16: {  	[tilespmem:s0], [sflag:$0x1] =	stream.indirect.gather [hbm4b:s6+s15], $0x40, s14, s15, $0xb8;
	[tilespmem:$0xFBA0] =	vst v63  }
0x17: {  	s18 =	simm.s32 $0x3268;
	s1 =	simm.s32 $0x4CA0  }
0x18: {  	[tilespmem:s1], [sflag:$0x1] =	stream.indirect.gather [hbm4b:s6+s15], $0x40, s18, s15, $0xb8;
	[tilespmem:$0xFBA0] =	vst v63  }
0x19: {  	_ = 	snop  }
0x1a: {  	[tilespmem:s19], [sflag:$0x5] =	stream.linear.gather [hbm4b:s9+s3], $0xD0, $0x38;
	[tilespmem:$0xFBA0] =	vst v63  }
0x1b: {  	_ =	swait.ge [sflag:s13], $0xD0  }
0x1c: {  	[sflag:s13] =	ssyncset.done $0x0  }
0x1d: {  	s20 =	simm.s32 $0x65A0;
	[sflag:s13] =	ssyncadd.s32 $0xFFFFFF30  }
0x1e: {  	[tilespmem:s20], [sflag:$0x2] =	stream.indirect.gather [hbm4b:s6+s15], $0x40, s19, s15, $0xb8;
	[tilespmem:$0xFBA0] =	vst v63  }
0x1f: {  	s21 =	simm.s32 $0x3338;
	s22 =	simm.s32 $0x7EA0;
	s31 =	simm.s32 $0x0  }
0x20: {  	[tilespmem:s22], [sflag:$0x2] =	stream.indirect.gather [hbm4b:s6+s15], $0x40, s21, s15, $0xb8;
	[tilespmem:$0xFBA0] =	vst v63  }
.LBB2_2:
0x21: {  	_ =	swait.ge [sflag:s23], $0x1900  }
0x22: {  	[sflag:s23] =	ssyncset.done $0x0  }
0x23: {  	[sflag:s23] =	ssyncadd.s32 $0xFFFFE700  }
0x24: {  	_ =	swait.ge [sflag:s23], $0x1900  }
0x25: {  	p0 =	seq.s32 s31, $0x0;
	[sflag:s23] =	ssyncset.done $0x0  }
0x26: {  	s0 =	simm.s32 @!p0 $0x3;
	[sflag:s23] =	ssyncadd.s32 $0xFFFFE700  }
0x27: {  	_ =	swait.ge @!p0 [sflag:s0], $0x3200  }
0x28: {  	[sflag:s0] =	ssyncset.done @!p0 $0x0  }
0x29: {  	s16 =	simm.s32 $0x4D90;
	[sflag:s0] =	ssyncadd.s32 @!p0 $0xFFFFCE00  }
0x2a: {  	s17 =	simm.s32 $0x19F0;
	v0 =	vld [tilespmem:s16+$0xFFFFE610]  }
0x2b: {  	v1 =	vld [tilespmem:s17+$0xFFFFE610];
	_ =	sdelay $0x4  }
0x2c: {  	v0 =	vadd.f32 v1, v0  }
0x2d: {  	s1 =	simm.s32 $0xB190  }
0x2e: {  	[tilespmem:s1+$0xFFFFE610] =	vst v0  }
0x2f: {  	v0 =	vld [tilespmem:s17+$0xFFFFE620]  }
0x30: {  	v1 =	vld [tilespmem:s16+$0xFFFFE620];
	_ =	sdelay $0x4  }
0x31: {  	v0 =	vadd.f32 v0, v1;
	_ =	sdelay $0x1  }
0x32: {  	[tilespmem:s1+$0xFFFFE620] =	vst v0  }
0x33: {  	v0 =	vld [tilespmem:s16+$0xFFFFE630]  }
0x34: {  	v1 =	vld [tilespmem:s17+$0xFFFFE630];
	_ =	sdelay $0x4  }
0x35: {  	v0 =	vadd.f32 v1, v0;
	_ =	sdelay $0x1  }
0x36: {  	[tilespmem:s1+$0xFFFFE630] =	vst v0  }
0x37: {  	v0 =	vld [tilespmem:s16+$0xFFFFE640]  }
0x38: {  	v1 =	vld [tilespmem:s17+$0xFFFFE640];
	_ =	sdelay $0x4  }
0x39: {  	v0 =	vadd.f32 v1, v0;
	_ =	sdelay $0x1  }
0x3a: {  	[tilespmem:s1+$0xFFFFE640] =	vst v0  }
0x3b: {  	v0 =	vld [tilespmem:s16+$0xFFFFFF10]  }
0x3c: {  	v1 =	vld [tilespmem:s17+$0xFFFFFF10];
	_ =	sdelay $0x4  }
0x3d: {  	v0 =	vadd.f32 v1, v0;
	_ =	sdelay $0x1  }
0x3e: {  	[tilespmem:s1+$0xFFFFFF10] =	vst v0  }
0x3f: {  	v0 =	vld [tilespmem:s16+$0xFFFFFF20]  }
0x40: {  	v1 =	vld [tilespmem:s17+$0xFFFFFF20];
	_ =	sdelay $0x4  }
0x41: {  	v0 =	vadd.f32 v1, v0;
	_ =	sdelay $0x1  }
0x42: {  	[tilespmem:s1+$0xFFFFFF20] =	vst v0  }
0x43: {  	v0 =	vld [tilespmem:s16+$0xFFFFFF30]  }
0x44: {  	v1 =	vld [tilespmem:s17+$0xFFFFFF30];
	_ =	sdelay $0x4  }
0x45: {  	v0 =	vadd.f32 v1, v0;
	_ =	sdelay $0x1  }
0x46: {  	[tilespmem:s1+$0xFFFFFF30] =	vst v0  }
0x47: {  	v0 =	vld [tilespmem:s16+$0xFFFFFF40]  }
0x48: {  	v1 =	vld [tilespmem:s17+$0xFFFFFF40];
	_ =	sdelay $0x4  }
0x49: {  	v0 =	vadd.f32 v1, v0;
	_ =	sdelay $0x1  }
0x4a: {  	[tilespmem:s1+$0xFFFFFF40] =	vst v0  }
0x4b: {  	v0 =	vld [tilespmem:s16+$0xFFFFE650]  }
0x4c: {  	v1 =	vld [tilespmem:s17+$0xFFFFE650];
	_ =	sdelay $0x4  }
0x4d: {  	v0 =	vadd.f32 v1, v0;
	_ =	sdelay $0x1  }
0x4e: {  	[tilespmem:s1+$0xFFFFE650] =	vst v0  }
0x4f: {  	v0 =	vld [tilespmem:s16+$0xFFFFE660]  }
0x50: {  	v1 =	vld [tilespmem:s17+$0xFFFFE660];
	_ =	sdelay $0x4  }
0x51: {  	v0 =	vadd.f32 v1, v0;
	_ =	sdelay $0x1  }
0x52: {  	[tilespmem:s1+$0xFFFFE660] =	vst v0  }
0x53: {  	v0 =	vld [tilespmem:s16+$0xFFFFE670]  }
0x54: {  	v1 =	vld [tilespmem:s17+$0xFFFFE670];
	_ =	sdelay $0x4  }
0x55: {  	v0 =	vadd.f32 v1, v0;
	_ =	sdelay $0x1  }
0x56: {  	[tilespmem:s1+$0xFFFFE670] =	vst v0  }
0x57: {  	v0 =	vld [tilespmem:s16+$0xFFFFE680]  }
0x58: {  	v1 =	vld [tilespmem:s17+$0xFFFFE680];
	_ =	sdelay $0x4  }
0x59: {  	v0 =	vadd.f32 v1, v0;
	_ =	sdelay $0x1  }
0x5a: {  	[tilespmem:s1+$0xFFFFE680] =	vst v0  }
0x5b: {  	v0 =	vld [tilespmem:s16+$0xFFFFFF50]  }
0x5c: {  	v1 =	vld [tilespmem:s17+$0xFFFFFF50];
	_ =	sdelay $0x4  }
0x5d: {  	v0 =	vadd.f32 v1, v0;
	_ =	sdelay $0x1  }
0x5e: {  	[tilespmem:s1+$0xFFFFFF50] =	vst v0  }
0x5f: {  	v0 =	vld [tilespmem:s16+$0xFFFFFF60]  }
0x60: {  	v1 =	vld [tilespmem:s17+$0xFFFFFF60];
	_ =	sdelay $0x4  }
0x61: {  	v0 =	vadd.f32 v1, v0;
	_ =	sdelay $0x1  }
0x62: {  	[tilespmem:s1+$0xFFFFFF60] =	vst v0  }
0x63: {  	v0 =	vld [tilespmem:s16+$0xFFFFFF70]  }
0x64: {  	v1 =	vld [tilespmem:s17+$0xFFFFFF70];
	_ =	sdelay $0x4  }
0x65: {  	v0 =	vadd.f32 v1, v0;
	_ =	sdelay $0x1  }
0x66: {  	[tilespmem:s1+$0xFFFFFF70] =	vst v0  }
0x67: {  	v0 =	vld [tilespmem:s16+$0xFFFFFF80]  }
0x68: {  	v1 =	vld [tilespmem:s17+$0xFFFFFF80];
	_ =	sdelay $0x4  }
0x69: {  	v0 =	vadd.f32 v1, v0;
	_ =	sdelay $0x1  }
0x6a: {  	[tilespmem:s1+$0xFFFFFF80] =	vst v0  }
0x6b: {  	v0 =	vld [tilespmem:s16+$0xFFFFE690]  }
0x6c: {  	v1 =	vld [tilespmem:s17+$0xFFFFE690];
	_ =	sdelay $0x4  }
0x6d: {  	v0 =	vadd.f32 v1, v0;
	_ =	sdelay $0x1  }
0x6e: {  	[tilespmem:s1+$0xFFFFE690] =	vst v0  }
0x6f: {  	v0 =	vld [tilespmem:s16+$0xFFFFE6A0]  }
0x70: {  	v1 =	vld [tilespmem:s17+$0xFFFFE6A0];
	_ =	sdelay $0x4  }
0x71: {  	v0 =	vadd.f32 v1, v0;
	_ =	sdelay $0x1  }
0x72: {  	[tilespmem:s1+$0xFFFFE6A0] =	vst v0  }
0x73: {  	v0 =	vld [tilespmem:s16+$0xFFFFE6B0]  }
0x74: {  	v1 =	vld [tilespmem:s17+$0xFFFFE6B0];
	_ =	sdelay $0x4  }
0x75: {  	v0 =	vadd.f32 v1, v0;
	_ =	sdelay $0x1  }
0x76: {  	[tilespmem:s1+$0xFFFFE6B0] =	vst v0  }
0x77: {  	v0 =	vld [tilespmem:s16+$0xFFFFE6C0]  }
0x78: {  	v1 =	vld [tilespmem:s17+$0xFFFFE6C0];
	_ =	sdelay $0x4  }
0x79: {  	v0 =	vadd.f32 v1, v0;
	_ =	sdelay $0x1  }
0x7a: {  	[tilespmem:s1+$0xFFFFE6C0] =	vst v0  }
0x7b: {  	v0 =	vld [tilespmem:s16+$0xFFFFFF90]  }
0x7c: {  	v1 =	vld [tilespmem:s17+$0xFFFFFF90];
	_ =	sdelay $0x4  }
0x7d: {  	v0 =	vadd.f32 v1, v0;
	_ =	sdelay $0x1  }
0x7e: {  	[tilespmem:s1+$0xFFFFFF90] =	vst v0  }
0x7f: {  	v0 =	vld [tilespmem:s16+$0xFFFFFFA0]  }
0x80: {  	v1 =	vld [tilespmem:s17+$0xFFFFFFA0];
	_ =	sdelay $0x4  }
0x81: {  	v0 =	vadd.f32 v1, v0;
	_ =	sdelay $0x1  }
0x82: {  	[tilespmem:s1+$0xFFFFFFA0] =	vst v0  }
0x83: {  	v0 =	vld [tilespmem:s16+$0xFFFFFFB0]  }
0x84: {  	v1 =	vld [tilespmem:s17+$0xFFFFFFB0];
	_ =	sdelay $0x4  }
0x85: {  	v0 =	vadd.f32 v1, v0;
	_ =	sdelay $0x1  }
0x86: {  	[tilespmem:s1+$0xFFFFFFB0] =	vst v0  }
0x87: {  	v0 =	vld [tilespmem:s16+$0xFFFFFFC0]  }
0x88: {  	v1 =	vld [tilespmem:s17+$0xFFFFFFC0];
	_ =	sdelay $0x4  }
0x89: {  	v0 =	vadd.f32 v1, v0;
	_ =	sdelay $0x1  }
0x8a: {  	[tilespmem:s1+$0xFFFFFFC0] =	vst v0  }
0x8b: {  	v0 =	vld [tilespmem:s16+$0xFFFFE6D0]  }
0x8c: {  	v1 =	vld [tilespmem:s17+$0xFFFFE6D0];
	_ =	sdelay $0x4  }
0x8d: {  	v0 =	vadd.f32 v1, v0;
	_ =	sdelay $0x1  }
0x8e: {  	[tilespmem:s1+$0xFFFFE6D0] =	vst v0  }
0x8f: {  	v0 =	vld [tilespmem:s16+$0xFFFFE6E0]  }
0x90: {  	v1 =	vld [tilespmem:s17+$0xFFFFE6E0];
	_ =	sdelay $0x4  }
0x91: {  	v0 =	vadd.f32 v1, v0;
	_ =	sdelay $0x1  }
0x92: {  	[tilespmem:s1+$0xFFFFE6E0] =	vst v0  }
0x93: {  	v0 =	vld [tilespmem:s16+$0xFFFFE6F0]  }
0x94: {  	v1 =	vld [tilespmem:s17+$0xFFFFE6F0];
	_ =	sdelay $0x4  }
0x95: {  	v0 =	vadd.f32 v1, v0;
	_ =	sdelay $0x1  }
0x96: {  	[tilespmem:s1+$0xFFFFE6F0] =	vst v0  }
0x97: {  	v0 =	vld [tilespmem:s16+$0xFFFFE700]  }
0x98: {  	v1 =	vld [tilespmem:s17+$0xFFFFE700];
	_ =	sdelay $0x4  }
0x99: {  	v0 =	vadd.f32 v1, v0;
	_ =	sdelay $0x1  }
0x9a: {  	[tilespmem:s1+$0xFFFFE700] =	vst v0  }
0x9b: {  	v0 =	vld [tilespmem:s16+$0xFFFFFFD0]  }
0x9c: {  	v1 =	vld [tilespmem:s17+$0xFFFFFFD0]  }
0x9d: {  	s21 =	simm.s32 $0x0;
	s22 =	simm.s32 $0xB290  }
0x9e: {  	s18 =	simm.s32 $0x4D90;
	s20 =	simm.s32 $0x19F0;
	s0 =	sshll.u32 s31, $0x2  }
.LBB2_3:
0x9f: {  	s21 =	sadd.s32 $0x4, s21;
	s16 =	sadd.s32 $0x100, s16;
	s17 =	sadd.s32 $0x100, s17  }
0xa0: {  	p1 =	slt.u32 s21, $0x60  }
0xa1: {  	v0 =	vadd.f32 v1, v0;
	_ =	sdelay $0x1  }
0xa2: {  	[tilespmem:s1+$0xFFFFFFD0] =	vst v0  }
0xa3: {  	v0 =	vld [tilespmem:s18+$0xFFFFFFE0]  }
0xa4: {  	v1 =	vld [tilespmem:s20+$0xFFFFFFE0];
	_ =	sdelay $0x4  }
0xa5: {  	v0 =	vadd.f32 v1, v0;
	_ =	sdelay $0x1  }
0xa6: {  	[tilespmem:s1+$0xFFFFFFE0] =	vst v0  }
0xa7: {  	v0 =	vld [tilespmem:s18+$0xFFFFFFF0]  }
0xa8: {  	v1 =	vld [tilespmem:s20+$0xFFFFFFF0];
	_ =	sdelay $0x4  }
0xa9: {  	v0 =	vadd.f32 v1, v0;
	_ =	sdelay $0x1  }
0xaa: {  	[tilespmem:s1+$0xFFFFFFF0] =	vst v0  }
0xab: {  	v0 =	vld [tilespmem:s18+$0x0];
	s18 =	smov.u32 s16  }
0xac: {  	v1 =	vld [tilespmem:s20+$0x0];
	s20 =	smov.u32 s17;
	_ =	sdelay $0x4  }
0xad: {  	v0 =	vadd.f32 v1, v0;
	_ =	sdelay $0x1  }
0xae: {  	[tilespmem:s1+$0x0] =	vst v0;
	s1 =	smov.u32 s22  }
0xaf: {  	v0 =	vld [tilespmem:s16+$0xFFFFE610]  }
0xb0: {  	v1 =	vld [tilespmem:s17+$0xFFFFE610];
	_ =	sdelay $0x4  }
0xb1: {  	v0 =	vadd.f32 v1, v0;
	_ =	sdelay $0x1  }
0xb2: {  	[tilespmem:s22+$0xFFFFE610] =	vst v0  }
0xb3: {  	v0 =	vld [tilespmem:s17+$0xFFFFE620]  }
0xb4: {  	v1 =	vld [tilespmem:s16+$0xFFFFE620];
	_ =	sdelay $0x4  }
0xb5: {  	v0 =	vadd.f32 v0, v1;
	_ =	sdelay $0x1  }
0xb6: {  	[tilespmem:s22+$0xFFFFE620] =	vst v0  }
0xb7: {  	v0 =	vld [tilespmem:s16+$0xFFFFE630]  }
0xb8: {  	v1 =	vld [tilespmem:s17+$0xFFFFE630];
	_ =	sdelay $0x4  }
0xb9: {  	v0 =	vadd.f32 v1, v0;
	_ =	sdelay $0x1  }
0xba: {  	[tilespmem:s22+$0xFFFFE630] =	vst v0  }
0xbb: {  	v0 =	vld [tilespmem:s16+$0xFFFFE640]  }
0xbc: {  	v1 =	vld [tilespmem:s17+$0xFFFFE640];
	_ =	sdelay $0x4  }
0xbd: {  	v0 =	vadd.f32 v1, v0;
	_ =	sdelay $0x1  }
0xbe: {  	[tilespmem:s22+$0xFFFFE640] =	vst v0  }
0xbf: {  	v0 =	vld [tilespmem:s16+$0xFFFFFF10]  }
0xc0: {  	v1 =	vld [tilespmem:s17+$0xFFFFFF10];
	_ =	sdelay $0x4  }
0xc1: {  	v0 =	vadd.f32 v1, v0;
	_ =	sdelay $0x1  }
0xc2: {  	[tilespmem:s22+$0xFFFFFF10] =	vst v0  }
0xc3: {  	v0 =	vld [tilespmem:s16+$0xFFFFFF20]  }
0xc4: {  	v1 =	vld [tilespmem:s17+$0xFFFFFF20];
	_ =	sdelay $0x4  }
0xc5: {  	v0 =	vadd.f32 v1, v0;
	_ =	sdelay $0x1  }
0xc6: {  	[tilespmem:s22+$0xFFFFFF20] =	vst v0  }
0xc7: {  	v0 =	vld [tilespmem:s16+$0xFFFFFF30]  }
0xc8: {  	v1 =	vld [tilespmem:s17+$0xFFFFFF30];
	_ =	sdelay $0x4  }
0xc9: {  	v0 =	vadd.f32 v1, v0;
	_ =	sdelay $0x1  }
0xca: {  	[tilespmem:s22+$0xFFFFFF30] =	vst v0  }
0xcb: {  	v0 =	vld [tilespmem:s16+$0xFFFFFF40]  }
0xcc: {  	v1 =	vld [tilespmem:s17+$0xFFFFFF40];
	_ =	sdelay $0x4  }
0xcd: {  	v0 =	vadd.f32 v1, v0;
	_ =	sdelay $0x1  }
0xce: {  	[tilespmem:s22+$0xFFFFFF40] =	vst v0  }
0xcf: {  	v0 =	vld [tilespmem:s16+$0xFFFFE650]  }
0xd0: {  	v1 =	vld [tilespmem:s17+$0xFFFFE650];
	_ =	sdelay $0x4  }
0xd1: {  	v0 =	vadd.f32 v1, v0;
	_ =	sdelay $0x1  }
0xd2: {  	[tilespmem:s22+$0xFFFFE650] =	vst v0  }
0xd3: {  	v0 =	vld [tilespmem:s16+$0xFFFFE660]  }
0xd4: {  	v1 =	vld [tilespmem:s17+$0xFFFFE660];
	_ =	sdelay $0x4  }
0xd5: {  	v0 =	vadd.f32 v1, v0;
	_ =	sdelay $0x1  }
0xd6: {  	[tilespmem:s22+$0xFFFFE660] =	vst v0  }
0xd7: {  	v0 =	vld [tilespmem:s16+$0xFFFFE670]  }
0xd8: {  	v1 =	vld [tilespmem:s17+$0xFFFFE670];
	_ =	sdelay $0x4  }
0xd9: {  	v0 =	vadd.f32 v1, v0;
	_ =	sdelay $0x1  }
0xda: {  	[tilespmem:s22+$0xFFFFE670] =	vst v0  }
0xdb: {  	v0 =	vld [tilespmem:s16+$0xFFFFE680]  }
0xdc: {  	v1 =	vld [tilespmem:s17+$0xFFFFE680];
	_ =	sdelay $0x4  }
0xdd: {  	v0 =	vadd.f32 v1, v0;
	_ =	sdelay $0x1  }
0xde: {  	[tilespmem:s22+$0xFFFFE680] =	vst v0  }
0xdf: {  	v0 =	vld [tilespmem:s16+$0xFFFFFF50]  }
0xe0: {  	v1 =	vld [tilespmem:s17+$0xFFFFFF50];
	_ =	sdelay $0x4  }
0xe1: {  	v0 =	vadd.f32 v1, v0;
	_ =	sdelay $0x1  }
0xe2: {  	[tilespmem:s22+$0xFFFFFF50] =	vst v0  }
0xe3: {  	v0 =	vld [tilespmem:s16+$0xFFFFFF60]  }
0xe4: {  	v1 =	vld [tilespmem:s17+$0xFFFFFF60];
	_ =	sdelay $0x4  }
0xe5: {  	v0 =	vadd.f32 v1, v0;
	_ =	sdelay $0x1  }
0xe6: {  	[tilespmem:s22+$0xFFFFFF60] =	vst v0  }
0xe7: {  	v0 =	vld [tilespmem:s16+$0xFFFFFF70]  }
0xe8: {  	v1 =	vld [tilespmem:s17+$0xFFFFFF70];
	_ =	sdelay $0x4  }
0xe9: {  	v0 =	vadd.f32 v1, v0;
	_ =	sdelay $0x1  }
0xea: {  	[tilespmem:s22+$0xFFFFFF70] =	vst v0  }
0xeb: {  	v0 =	vld [tilespmem:s16+$0xFFFFFF80]  }
0xec: {  	v1 =	vld [tilespmem:s17+$0xFFFFFF80];
	_ =	sdelay $0x4  }
0xed: {  	v0 =	vadd.f32 v1, v0;
	_ =	sdelay $0x1  }
0xee: {  	[tilespmem:s22+$0xFFFFFF80] =	vst v0  }
0xef: {  	v0 =	vld [tilespmem:s16+$0xFFFFE690]  }
0xf0: {  	v1 =	vld [tilespmem:s17+$0xFFFFE690];
	_ =	sdelay $0x4  }
0xf1: {  	v0 =	vadd.f32 v1, v0;
	_ =	sdelay $0x1  }
0xf2: {  	[tilespmem:s22+$0xFFFFE690] =	vst v0  }
0xf3: {  	v0 =	vld [tilespmem:s16+$0xFFFFE6A0]  }
0xf4: {  	v1 =	vld [tilespmem:s17+$0xFFFFE6A0];
	_ =	sdelay $0x4  }
0xf5: {  	v0 =	vadd.f32 v1, v0;
	_ =	sdelay $0x1  }
0xf6: {  	[tilespmem:s22+$0xFFFFE6A0] =	vst v0  }
0xf7: {  	v0 =	vld [tilespmem:s16+$0xFFFFE6B0]  }
0xf8: {  	v1 =	vld [tilespmem:s17+$0xFFFFE6B0];
	_ =	sdelay $0x4  }
0xf9: {  	v0 =	vadd.f32 v1, v0;
	_ =	sdelay $0x1  }
0xfa: {  	[tilespmem:s22+$0xFFFFE6B0] =	vst v0  }
0xfb: {  	v0 =	vld [tilespmem:s16+$0xFFFFE6C0]  }
0xfc: {  	v1 =	vld [tilespmem:s17+$0xFFFFE6C0];
	_ =	sdelay $0x4  }
0xfd: {  	v0 =	vadd.f32 v1, v0;
	_ =	sdelay $0x1  }
0xfe: {  	[tilespmem:s22+$0xFFFFE6C0] =	vst v0  }
0xff: {  	v0 =	vld [tilespmem:s16+$0xFFFFFF90]  }
0x100: {  	v1 =	vld [tilespmem:s17+$0xFFFFFF90];
	_ =	sdelay $0x4  }
0x101: {  	v0 =	vadd.f32 v1, v0;
	_ =	sdelay $0x1  }
0x102: {  	[tilespmem:s22+$0xFFFFFF90] =	vst v0  }
0x103: {  	v0 =	vld [tilespmem:s16+$0xFFFFFFA0]  }
0x104: {  	v1 =	vld [tilespmem:s17+$0xFFFFFFA0];
	_ =	sdelay $0x4  }
0x105: {  	v0 =	vadd.f32 v1, v0;
	_ =	sdelay $0x1  }
0x106: {  	[tilespmem:s22+$0xFFFFFFA0] =	vst v0  }
0x107: {  	v0 =	vld [tilespmem:s16+$0xFFFFFFB0]  }
0x108: {  	v1 =	vld [tilespmem:s17+$0xFFFFFFB0];
	_ =	sdelay $0x4  }
0x109: {  	v0 =	vadd.f32 v1, v0;
	_ =	sdelay $0x1  }
0x10a: {  	[tilespmem:s22+$0xFFFFFFB0] =	vst v0  }
0x10b: {  	v0 =	vld [tilespmem:s16+$0xFFFFFFC0]  }
0x10c: {  	v1 =	vld [tilespmem:s17+$0xFFFFFFC0];
	_ =	sdelay $0x4  }
0x10d: {  	v0 =	vadd.f32 v1, v0;
	_ =	sdelay $0x1  }
0x10e: {  	[tilespmem:s22+$0xFFFFFFC0] =	vst v0  }
0x10f: {  	v0 =	vld [tilespmem:s16+$0xFFFFE6D0]  }
0x110: {  	v1 =	vld [tilespmem:s17+$0xFFFFE6D0];
	_ =	sdelay $0x4  }
0x111: {  	v0 =	vadd.f32 v1, v0;
	_ =	sdelay $0x1  }
0x112: {  	[tilespmem:s22+$0xFFFFE6D0] =	vst v0  }
0x113: {  	v0 =	vld [tilespmem:s16+$0xFFFFE6E0]  }
0x114: {  	v1 =	vld [tilespmem:s17+$0xFFFFE6E0];
	_ =	sdelay $0x4  }
0x115: {  	v0 =	vadd.f32 v1, v0;
	_ =	sdelay $0x1  }
0x116: {  	[tilespmem:s22+$0xFFFFE6E0] =	vst v0  }
0x117: {  	v0 =	vld [tilespmem:s16+$0xFFFFE6F0]  }
0x118: {  	v1 =	vld [tilespmem:s17+$0xFFFFE6F0];
	_ =	sdelay $0x4  }
0x119: {  	v0 =	vadd.f32 v1, v0;
	_ =	sdelay $0x1  }
0x11a: {  	[tilespmem:s22+$0xFFFFE6F0] =	vst v0  }
0x11b: {  	v0 =	vld [tilespmem:s16+$0xFFFFE700]  }
0x11c: {  	v1 =	vld [tilespmem:s17+$0xFFFFE700];
	_ =	sdelay $0x4  }
0x11d: {  	v0 =	vadd.f32 v1, v0;
	_ =	sdelay $0x1  }
.Ltmp0:
0x11e: {  	[tilespmem:s22+$0xFFFFE700] =	vst v0;
	(pc) =	sbr.rel @p1 .LBB2_3-.Ltmp0, $3  }
0x11f: {  	v0 =	vld [tilespmem:s16+$0xFFFFFFD0]  }
0x120: {  	v1 =	vld [tilespmem:s17+$0xFFFFFFD0];
	_ =	sdelay $0x1  }
0x121: {  	s22 =	sadd.s32 $0x100, s22  }
0x122: {  	_ =	sdelay $0x1  }
0x123: {  	v0 =	vadd.f32 v1, v0;
	_ =	sdelay $0x1  }
0x124: {  	[tilespmem:s1+$0xFFFFFFD0] =	vst v0  }
0x125: {  	v0 =	vld [tilespmem:s18+$0xFFFFFFE0]  }
0x126: {  	v1 =	vld [tilespmem:s20+$0xFFFFFFE0];
	_ =	sdelay $0x4  }
0x127: {  	v0 =	vadd.f32 v1, v0;
	_ =	sdelay $0x1  }
0x128: {  	[tilespmem:s1+$0xFFFFFFE0] =	vst v0  }
0x129: {  	v0 =	vld [tilespmem:s18+$0xFFFFFFF0]  }
0x12a: {  	v1 =	vld [tilespmem:s20+$0xFFFFFFF0];
	_ =	sdelay $0x4  }
0x12b: {  	v0 =	vadd.f32 v1, v0;
	_ =	sdelay $0x1  }
0x12c: {  	[tilespmem:s1+$0xFFFFFFF0] =	vst v0  }
0x12d: {  	v0 =	vld [tilespmem:s18+$0x0]  }
0x12e: {  	v1 =	vld [tilespmem:s20+$0x0];
	_ =	sdelay $0x2  }
0x12f: {  	p1 =	seq.s32 s31, $0x3F  }
0x130: {  	s16 =	sadd.s32 @!p1 s0, s10  }
0x131: {  	s16 =	smul.u32 @!p1 $0xD, s16;
	v0 =	vadd.f32 v1, v0;
	_ =	sdelay $0x1  }
0x132: {  	s17 =	simm.s32 @!p1 $0x3200;
	[tilespmem:s1+$0x0] =	vst v0;
	s1 =	sadd.s32 @!p1 s5, s16;
	s16 =	simm.s32 @!p1 $0x0  }
0x133: {  	[tilespmem:s17], [sflag:$0x5] =	stream.linear.gather @!p1 [hbm4b:s1+s16], $0xD0, $0x38;
	[tilespmem:$0xFBA0] =	vst v63  }
0x134: {  	s1 =	simm.s32 @!p1 $0x5  }
0x135: {  	_ =	swait.ge @!p1 [sflag:s1], $0xD0  }
0x136: {  	s21 =	sadd.s32 s4, s0;
	[sflag:s1] =	ssyncset.done @!p1 $0x0  }
0x137: {  	s16 =	simm.s32 @!p1 $0x33A0;
	[sflag:s1] =	ssyncadd.s32 @!p1 $0xFFFFFF30;
	s1 =	simm.s32 @!p1 $0x64  }
0x138: {  	[tilespmem:s16], [sflag:$0x1] =	stream.indirect.gather @!p1 [hbm4b:s6+s1], $0x40, s17, s1, $0xb8;
	[tilespmem:$0xFBA0] =	vst v63  }
0x139: {  	s18 =	simm.s32 @!p1 $0x4CA0;
	s17 =	simm.s32 @!p1 $0x3268;
	s16 =	smul.u32 $0x320, s21  }
0x13a: {  	[tilespmem:s18], [sflag:$0x1] =	stream.indirect.gather @!p1 [hbm4b:s6+s1], $0x40, s17, s1, $0xb8;
	[tilespmem:$0xFBA0] =	vst v63  }
0x13b: {  	s22 =	sadd.s32 s2, s16  }
0x13c: {  	[hbm4b:s22+s3] =	stream.linear.scatter [tilespmem:s24], [sflag:$0x3], $0x3200, $0x38;
	[tilespmem:$0xFBA0] =	vst v63  }
0x13d: {  	_ =	swait.ge [sflag:s25], $0x1900  }
0x13e: {  	[sflag:s25] =	ssyncset.done $0x0  }
0x13f: {  	[sflag:s25] =	ssyncadd.s32 $0xFFFFE700  }
0x140: {  	_ =	swait.ge [sflag:s25], $0x1900  }
0x141: {  	[sflag:s25] =	ssyncset.done $0x0  }
0x142: {  	s1 =	simm.s32 @!p0 $0x4;
	[sflag:s25] =	ssyncadd.s32 $0xFFFFE700  }
0x143: {  	_ =	swait.ge @!p0 [sflag:s1], $0x3200  }
0x144: {  	[sflag:s1] =	ssyncset.done @!p0 $0x0  }
0x145: {  	[sflag:s1] =	ssyncadd.s32 @!p0 $0xFFFFCE00;
	s1 =	simm.s32 $0x0  }
0x146: {  	v0 =	vld [tilespmem:s1+$0x7F90]  }
0x147: {  	v1 =	vld [tilespmem:s1+$0x19F0]  }
0x148: {  	v2 =	vld [tilespmem:s1+$0x65A0]  }
0x149: {  	v3 =	vld [tilespmem:s1+$0x0]  }
0x14a: {  	v4 =	vld [tilespmem:s1+$0x65B0]  }
0x14b: {  	v5 =	vld [tilespmem:s1+$0x10]  }
0x14c: {  	v6 =	vld [tilespmem:s1+$0x65C0]  }
0x14d: {  	v7 =	vld [tilespmem:s1+$0x65D0]  }
0x14e: {  	v0 =	vadd.f32 v1, v0;
	v1 =	vld [tilespmem:s1+$0x20]  }
0x14f: {  	v2 =	vadd.f32 v3, v2;
	v3 =	vld [tilespmem:s1+$0x7EA0]  }
0x150: {  	[tilespmem:s1+$0xE390] =	vst v0;
	v0 =	vld [tilespmem:s1+$0x30]  }
0x151: {  	[tilespmem:s1+$0xC9A0] =	vst v2;
	v2 =	vadd.f32 v5, v4;
	v4 =	vld [tilespmem:s1+$0x1900]  }
0x152: {  	v5 =	vld [tilespmem:s1+$0x1910]  }
0x153: {  	[tilespmem:s1+$0xC9B0] =	vst v2;
	v2 =	vld [tilespmem:s1+$0x7EB0];
	v1 =	vadd.f32 v1, v6  }
0x154: {  	v6 =	vld [tilespmem:s1+$0x1920]  }
0x155: {  	[tilespmem:s1+$0xC9C0] =	vst v1;
	v0 =	vadd.f32 v0, v7;
	v1 =	vld [tilespmem:s1+$0x7EC0]  }
0x156: {  	v7 =	vld [tilespmem:s1+$0xE0]  }
0x157: {  	[tilespmem:s1+$0xC9D0] =	vst v0;
	v0 =	vadd.f32 v4, v3;
	v3 =	vld [tilespmem:s1+$0x7ED0]  }
0x158: {  	v4 =	vld [tilespmem:s1+$0x1930]  }
0x159: {  	[tilespmem:s1+$0xE2A0] =	vst v0;
	v0 =	vadd.f32 v5, v2;
	v2 =	vld [tilespmem:s1+$0x65E0]  }
0x15a: {  	v5 =	vld [tilespmem:s1+$0x40]  }
0x15b: {  	[tilespmem:s1+$0xE2B0] =	vst v0;
	v0 =	vadd.f32 v6, v1;
	v1 =	vld [tilespmem:s1+$0x65F0]  }
0x15c: {  	v6 =	vld [tilespmem:s1+$0x50]  }
0x15d: {  	[tilespmem:s1+$0xE2C0] =	vst v0;
	v0 =	vadd.f32 v4, v3;
	v3 =	vld [tilespmem:s1+$0x6600]  }
0x15e: {  	v4 =	vld [tilespmem:s1+$0x60]  }
0x15f: {  	[tilespmem:s1+$0xE2D0] =	vst v0;
	v0 =	vadd.f32 v5, v2;
	v2 =	vld [tilespmem:s1+$0x6610]  }
0x160: {  	v5 =	vld [tilespmem:s1+$0x70]  }
0x161: {  	[tilespmem:s1+$0xC9E0] =	vst v0;
	v0 =	vadd.f32 v6, v1;
	v1 =	vld [tilespmem:s1+$0x7EE0]  }
0x162: {  	v6 =	vld [tilespmem:s1+$0x1940]  }
0x163: {  	[tilespmem:s1+$0xC9F0] =	vst v0;
	v0 =	vadd.f32 v4, v3;
	v3 =	vld [tilespmem:s1+$0x7EF0]  }
0x164: {  	v4 =	vld [tilespmem:s1+$0x1950]  }
0x165: {  	[tilespmem:s1+$0xCA00] =	vst v0;
	v0 =	vadd.f32 v5, v2;
	v2 =	vld [tilespmem:s1+$0x7F00]  }
0x166: {  	v5 =	vld [tilespmem:s1+$0x1960]  }
0x167: {  	[tilespmem:s1+$0xCA10] =	vst v0;
	v0 =	vadd.f32 v6, v1;
	v1 =	vld [tilespmem:s1+$0x7F10]  }
0x168: {  	v6 =	vld [tilespmem:s1+$0x1970]  }
0x169: {  	[tilespmem:s1+$0xE2E0] =	vst v0;
	v0 =	vadd.f32 v4, v3;
	v3 =	vld [tilespmem:s1+$0x6620]  }
0x16a: {  	v4 =	vld [tilespmem:s1+$0x80]  }
0x16b: {  	[tilespmem:s1+$0xE2F0] =	vst v0;
	v0 =	vadd.f32 v5, v2;
	v2 =	vld [tilespmem:s1+$0x6630]  }
0x16c: {  	v5 =	vld [tilespmem:s1+$0x90]  }
0x16d: {  	[tilespmem:s1+$0xE300] =	vst v0;
	v0 =	vadd.f32 v6, v1;
	v1 =	vld [tilespmem:s1+$0x6640]  }
0x16e: {  	v6 =	vld [tilespmem:s1+$0xA0]  }
0x16f: {  	[tilespmem:s1+$0xE310] =	vst v0;
	v0 =	vadd.f32 v4, v3;
	v3 =	vld [tilespmem:s1+$0x6650]  }
0x170: {  	v4 =	vld [tilespmem:s1+$0xB0]  }
0x171: {  	[tilespmem:s1+$0xCA20] =	vst v0;
	v0 =	vadd.f32 v5, v2;
	v2 =	vld [tilespmem:s1+$0x7F20]  }
0x172: {  	v5 =	vld [tilespmem:s1+$0x1980]  }
0x173: {  	[tilespmem:s1+$0xCA30] =	vst v0;
	v0 =	vadd.f32 v6, v1;
	v1 =	vld [tilespmem:s1+$0x7F30]  }
0x174: {  	v6 =	vld [tilespmem:s1+$0x1990]  }
0x175: {  	[tilespmem:s1+$0xCA40] =	vst v0;
	v0 =	vadd.f32 v4, v3;
	v3 =	vld [tilespmem:s1+$0x7F40]  }
0x176: {  	v4 =	vld [tilespmem:s1+$0x19A0]  }
0x177: {  	[tilespmem:s1+$0xCA50] =	vst v0;
	v0 =	vadd.f32 v5, v2;
	v2 =	vld [tilespmem:s1+$0x7F50]  }
0x178: {  	v5 =	vld [tilespmem:s1+$0x19B0]  }
0x179: {  	[tilespmem:s1+$0xE320] =	vst v0;
	v0 =	vadd.f32 v6, v1;
	v1 =	vld [tilespmem:s1+$0x6660]  }
0x17a: {  	v6 =	vld [tilespmem:s1+$0xC0]  }
0x17b: {  	[tilespmem:s1+$0xE330] =	vst v0;
	v0 =	vadd.f32 v4, v3;
	v3 =	vld [tilespmem:s1+$0x6670]  }
0x17c: {  	v4 =	vld [tilespmem:s1+$0xD0]  }
0x17d: {  	[tilespmem:s1+$0xE340] =	vst v0;
	v0 =	vadd.f32 v5, v2;
	v5 =	vld [tilespmem:s1+$0x6680]  }
0x17e: {  	v8 =	vld [tilespmem:s1+$0xF0]  }
0x17f: {  	[tilespmem:s1+$0xE350] =	vst v0;
	v0 =	vadd.f32 v6, v1;
	v6 =	vld [tilespmem:s1+$0x6690]  }
0x180: {  	v2 =	vld [tilespmem:s1+$0x19C0]  }
0x181: {  	v1 =	vadd.f32 v4, v3;
	[tilespmem:s1+$0xCA60] =	vst v0;
	v0 =	vld [tilespmem:s1+$0x7F60]  }
0x182: {  	v4 =	vld [tilespmem:s1+$0x19D0];
	v3 =	vadd.f32 v7, v5  }
0x183: {  	[tilespmem:s1+$0xCA70] =	vst v1;
	v1 =	vld [tilespmem:s1+$0x7F70]  }
0x184: {  	s16 =	simm.s32 $0x0;
	s17 =	simm.s32 $0x400;
	[tilespmem:s1+$0xCA80] =	vst v3;
	v5 =	vadd.f32 v8, v6;
	v3 =	vld [tilespmem:s1+$0x7F80]  }
.LBB2_5:
0x185: {  	s18 =	sshra.s32 s17, $0x2;
	v6 =	vld [tilespmem:s1+$0x19E0]  }
0x186: {  	s16 =	sadd.s32 $0x4, s16;
	v7 =	vld [tilespmem:s18+$0x7F90];
	[tilespmem:s1+$0xCA90] =	vst v5;
	v0 =	vadd.f32 v2, v0  }
0x187: {  	p0 =	slt.u32 s16, $0x60;
	v2 =	vld [tilespmem:s18+$0x19F0]  }
0x188: {  	v5 =	vld [tilespmem:s18+$0x65A0];
	[tilespmem:s1+$0xE360] =	vst v0;
	v0 =	vadd.f32 v4, v1  }
0x189: {  	v1 =	vld [tilespmem:s18+$0x0]  }
0x18a: {  	v4 =	vld [tilespmem:s18+$0x65B0];
	[tilespmem:s1+$0xE370] =	vst v0;
	v0 =	vadd.f32 v6, v3  }
0x18b: {  	v3 =	vld [tilespmem:s18+$0x10]  }
0x18c: {  	v6 =	vld [tilespmem:s18+$0x65C0];
	v2 =	vadd.f32 v2, v7;
	[tilespmem:s1+$0xE380] =	vst v0;
	s1 =	smov.u32 s18  }
0x18d: {  	v0 =	vld [tilespmem:s1+$0x20]  }
0x18e: {  	v1 =	vadd.f32 v1, v5;
	v5 =	vld [tilespmem:s1+$0x65D0];
	[tilespmem:s1+$0xE390] =	vst v2  }
0x18f: {  	v2 =	vld [tilespmem:s1+$0x30]  }
0x190: {  	[tilespmem:s1+$0xC9A0] =	vst v1;
	v1 =	vadd.f32 v3, v4;
	v3 =	vld [tilespmem:s1+$0x7EA0]  }
0x191: {  	v4 =	vld [tilespmem:s1+$0x1900]  }
0x192: {  	[tilespmem:s1+$0xC9B0] =	vst v1;
	v0 =	vadd.f32 v0, v6;
	v1 =	vld [tilespmem:s1+$0x7EB0]  }
0x193: {  	v6 =	vld [tilespmem:s1+$0x1910]  }
0x194: {  	[tilespmem:s1+$0xC9C0] =	vst v0;
	v0 =	vadd.f32 v2, v5;
	v2 =	vld [tilespmem:s1+$0x7EC0]  }
0x195: {  	v5 =	vld [tilespmem:s1+$0x1920]  }
0x196: {  	[tilespmem:s1+$0xC9D0] =	vst v0;
	v0 =	vadd.f32 v4, v3;
	v3 =	vld [tilespmem:s1+$0x7ED0]  }
0x197: {  	v4 =	vld [tilespmem:s1+$0x1930]  }
0x198: {  	[tilespmem:s1+$0xE2A0] =	vst v0;
	v0 =	vadd.f32 v6, v1;
	v1 =	vld [tilespmem:s1+$0x65E0]  }
0x199: {  	v6 =	vld [tilespmem:s1+$0x40]  }
0x19a: {  	[tilespmem:s1+$0xE2B0] =	vst v0;
	v0 =	vadd.f32 v5, v2;
	v2 =	vld [tilespmem:s1+$0x65F0]  }
0x19b: {  	v5 =	vld [tilespmem:s1+$0x50]  }
0x19c: {  	[tilespmem:s1+$0xE2C0] =	vst v0;
	v0 =	vadd.f32 v4, v3;
	v3 =	vld [tilespmem:s1+$0x6600]  }
0x19d: {  	v4 =	vld [tilespmem:s1+$0x60]  }
0x19e: {  	[tilespmem:s1+$0xE2D0] =	vst v0;
	v0 =	vadd.f32 v6, v1;
	v1 =	vld [tilespmem:s1+$0x6610]  }
0x19f: {  	v6 =	vld [tilespmem:s1+$0x70]  }
0x1a0: {  	[tilespmem:s1+$0xC9E0] =	vst v0;
	v0 =	vadd.f32 v5, v2;
	v2 =	vld [tilespmem:s1+$0x7EE0]  }
0x1a1: {  	v5 =	vld [tilespmem:s1+$0x1940]  }
0x1a2: {  	[tilespmem:s1+$0xC9F0] =	vst v0;
	v0 =	vadd.f32 v4, v3;
	v3 =	vld [tilespmem:s1+$0x7EF0]  }
0x1a3: {  	v4 =	vld [tilespmem:s1+$0x1950]  }
0x1a4: {  	[tilespmem:s1+$0xCA00] =	vst v0;
	v0 =	vadd.f32 v6, v1;
	v1 =	vld [tilespmem:s1+$0x7F00]  }
0x1a5: {  	v6 =	vld [tilespmem:s1+$0x1960]  }
0x1a6: {  	[tilespmem:s1+$0xCA10] =	vst v0;
	v0 =	vadd.f32 v5, v2;
	v2 =	vld [tilespmem:s1+$0x7F10]  }
0x1a7: {  	v5 =	vld [tilespmem:s1+$0x1970]  }
0x1a8: {  	[tilespmem:s1+$0xE2E0] =	vst v0;
	v0 =	vadd.f32 v4, v3;
	v3 =	vld [tilespmem:s1+$0x6620]  }
0x1a9: {  	v4 =	vld [tilespmem:s1+$0x80]  }
0x1aa: {  	[tilespmem:s1+$0xE2F0] =	vst v0;
	v0 =	vadd.f32 v6, v1;
	v1 =	vld [tilespmem:s1+$0x6630]  }
0x1ab: {  	v6 =	vld [tilespmem:s1+$0x90]  }
0x1ac: {  	[tilespmem:s1+$0xE300] =	vst v0;
	v0 =	vadd.f32 v5, v2;
	v2 =	vld [tilespmem:s1+$0x6640]  }
0x1ad: {  	v5 =	vld [tilespmem:s1+$0xA0]  }
0x1ae: {  	[tilespmem:s1+$0xE310] =	vst v0;
	v0 =	vadd.f32 v4, v3;
	v3 =	vld [tilespmem:s1+$0x6650]  }
0x1af: {  	v4 =	vld [tilespmem:s1+$0xB0]  }
0x1b0: {  	[tilespmem:s1+$0xCA20] =	vst v0;
	v0 =	vadd.f32 v6, v1;
	v1 =	vld [tilespmem:s1+$0x7F20]  }
0x1b1: {  	v6 =	vld [tilespmem:s1+$0x1980]  }
0x1b2: {  	[tilespmem:s1+$0xCA30] =	vst v0;
	v0 =	vadd.f32 v5, v2;
	v2 =	vld [tilespmem:s1+$0x7F30]  }
0x1b3: {  	v5 =	vld [tilespmem:s1+$0x1990]  }
0x1b4: {  	[tilespmem:s1+$0xCA40] =	vst v0;
	v0 =	vadd.f32 v4, v3;
	v3 =	vld [tilespmem:s1+$0x7F40]  }
0x1b5: {  	v4 =	vld [tilespmem:s1+$0x19A0]  }
0x1b6: {  	[tilespmem:s1+$0xCA50] =	vst v0;
	v0 =	vadd.f32 v6, v1;
	v1 =	vld [tilespmem:s1+$0x7F50]  }
0x1b7: {  	v6 =	vld [tilespmem:s1+$0x19B0]  }
0x1b8: {  	[tilespmem:s1+$0xE320] =	vst v0;
	v0 =	vadd.f32 v5, v2;
	v2 =	vld [tilespmem:s1+$0x6660]  }
0x1b9: {  	v5 =	vld [tilespmem:s1+$0xC0]  }
0x1ba: {  	[tilespmem:s1+$0xE330] =	vst v0;
	v0 =	vadd.f32 v4, v3;
	v3 =	vld [tilespmem:s1+$0x6670]  }
0x1bb: {  	v4 =	vld [tilespmem:s1+$0xD0]  }
0x1bc: {  	[tilespmem:s1+$0xE340] =	vst v0;
	v0 =	vadd.f32 v6, v1;
	v1 =	vld [tilespmem:s1+$0x6680]  }
0x1bd: {  	v6 =	vld [tilespmem:s1+$0xE0]  }
0x1be: {  	[tilespmem:s1+$0xE350] =	vst v0;
	v0 =	vadd.f32 v5, v2;
	v5 =	vld [tilespmem:s1+$0x6690]  }
0x1bf: {  	v7 =	vld [tilespmem:s1+$0xF0]  }
.Ltmp1:
0x1c0: {  	[tilespmem:s1+$0xCA60] =	vst v0;
	v3 =	vadd.f32 v4, v3;
	v0 =	vld [tilespmem:s1+$0x7F60];
	(pc) =	sbr.rel @p0 .LBB2_5-.Ltmp1, $4  }
0x1c1: {  	v2 =	vld [tilespmem:s1+$0x19C0]  }
0x1c2: {  	[tilespmem:s1+$0xCA70] =	vst v3;
	v3 =	vadd.f32 v6, v1;
	v1 =	vld [tilespmem:s1+$0x7F70]  }
0x1c3: {  	v4 =	vld [tilespmem:s1+$0x19D0]  }
0x1c4: {  	s17 =	sadd.s32 $0x400, s17;
	[tilespmem:s1+$0xCA80] =	vst v3;
	v5 =	vadd.f32 v7, v5;
	v3 =	vld [tilespmem:s1+$0x7F80]  }
0x1c5: {  	v6 =	vld [tilespmem:s1+$0x19E0];
	_ =	sdelay $0x2  }
0x1c6: {  	v0 =	vadd.f32 v2, v0  }
0x1c7: {  	s16 =	sadd.s32 @!p1 s0, s11;
	[tilespmem:s1+$0xCA90] =	vst v5;
	v1 =	vadd.f32 v4, v1  }
0x1c8: {  	s16 =	smul.u32 @!p1 $0xD, s16;
	[tilespmem:s1+$0xE360] =	vst v0;
	v63 =	vadd.f32 v6, v3  }
0x1c9: {  	[tilespmem:s1+$0xE370] =	vst v1  }
0x1ca: {  	s17 =	simm.s32 @!p1 $0x32D0;
	[tilespmem:s1+$0xE380] =	vst v63;
	s1 =	sadd.s32 @!p1 s5, s16;
	s16 =	simm.s32 @!p1 $0x0  }
0x1cb: {  	[tilespmem:s17], [sflag:$0x5] =	stream.linear.gather @!p1 [hbm4b:s1+s16], $0xD0, $0x38;
	[tilespmem:$0xFBA0] =	vst v63  }
0x1cc: {  	s1 =	simm.s32 @!p1 $0x5  }
0x1cd: {  	s22 =	sadd.s32 s0, s4;
	s31 =	sadd.s32 $0x1, s31;
	_ =	swait.ge @!p1 [sflag:s1], $0xD0  }
0x1ce: {  	s0 =	smul.u32 $0x320, s22;
	p0 =	sne.s32 s31, $0x40;
	[sflag:s1] =	ssyncset.done @!p1 $0x0  }
0x1cf: {  	s16 =	simm.s32 @!p1 $0x65A0;
	[sflag:s1] =	ssyncadd.s32 @!p1 $0xFFFFFF30;
	s1 =	simm.s32 @!p1 $0x64  }
0x1d0: {  	[tilespmem:s16], [sflag:$0x2] =	stream.indirect.gather @!p1 [hbm4b:s6+s1], $0x40, s17, s1, $0xb8;
	[tilespmem:$0xFBA0] =	vst v63  }
.Ltmp2:
0x1d1: {  	_ = 	snop;
	(pc) =	sbr.rel @p0 .LBB2_2-.Ltmp2, $4  }
0x1d2: {  	s0 =	sadd.s32 s2, s0;
	s16 =	simm.s32 @!p1 $0x3338;
	s17 =	simm.s32 @!p1 $0x7EA0  }
0x1d3: {  	[tilespmem:s17], [sflag:$0x2] =	stream.indirect.gather @!p1 [hbm4b:s6+s1], $0x40, s16, s1, $0xb8;
	[tilespmem:$0xFBA0] =	vst v63  }
0x1d4: {  	s0 =	sadd.s32 $0x640, s0  }
0x1d5: {  	[hbm4b:s0+s3] =	stream.linear.scatter [tilespmem:s26], [sflag:$0x4], $0x3200, $0x38;
	[tilespmem:$0xFBA0] =	vst v63  }
0x1d6: {  	s30 =	sadd.s32 $0x1, s30  }
0x1d7: {  	_ =	swait.ge [sflag:s28], $0x3200;
	p0 =	sne.s32 s30, s12  }
.Ltmp3:
0x1d8: {  	[sflag:s28] =	ssyncset.done $0x0;
	(pc) =	sbr.rel @p0 .LBB2_1-.Ltmp3, $4  }
0x1d9: {  	[sflag:s28] =	ssyncadd.s32 $0xFFFFCE00  }
0x1da: {  	_ =	swait.ge [sflag:s29], $0x3200  }
0x1db: {  	[sflag:s29] =	ssyncset.done $0x0  }
0x1dc: {  	[sflag:s29] =	ssyncadd.s32 $0xFFFFCE00  }
0x1dd: {  	_ =	sfence.sel $0x180000  }
0x1de: {  	[bflag:$0x0] =	sbarrier.arrive $0xFFFF  }
0x1df: {  	_ =	strace $0x90000047  }
0x1e0: {  	s0 =	stileid.u32;
	[bflag:$0x2] =	sbarrier.arrive $0xFFFF  }
0x1e1: {  	p0 =	sne.s32 s0, $0x0;
	s0 =	rddreg [dreg:$0x2]  }
0x1e2: {  	s0 =	sadd.s32 @!p0 $0x100000, s0  }
0x1e3: {  	[sflag:s0] =	ssyncadd.tile.s32 @!p0 $0x1;
	_ =	shalt  }
.Lfunc_end2:
_tile_overlayer_lowered:
.L_overlay_start_2:
0x1e4: {  	(tag) =	ssettag $0x2  }
0x1e5: {  	s0 =	rddreg [dreg:$0x0];
	s2 =	stileid.u32  }
0x1e6: {  	s1 =	rddreg [dreg:$0x1];
	p0 =	sne.s32 s2, $0x0  }
0x1e7: {  	s3 =	rddreg [dreg:$0x2];
	[bflag:$0x3] =	sbarrier.arrive $0xFFFF;
	s2 =	simm.s32 @!p0 $0x1C05  }
0x1e8: {  	[timem:s3], [sflag:s2] =	dma.local @!p0 [hbm:s0], s1  }
0x1e9: {  	s0 =	simm.s32 @!p0 $0x5  }
0x1ea: {  	_ =	swait.ge @!p0 [sflag:s0], s1  }
0x1eb: {  	s1 =	ssub.s32 @!p0 $0x0, s1;
	[sflag:s0] =	ssyncset.done @!p0 $0x0  }
0x1ec: {  	[sflag:s0] =	ssyncadd.s32 @!p0 s1  }
0x1ed: {  	[bflag:$0x3] =	sbarrier.arrive $0xFFFF  }
0x1ee: {  	_ =	shalt  }

// kernel: sparse-core-data-format-call.cloned.1.call-start
scs
called_computation_lowered:
.L_overlay_start_0:
0x0: {  	s2 =	sld [smem:$0x3FD9]  }
0x1: {  	s3 =	sld [smem:$0x3FFE];
	_ =	sdelay $0x1  }
0x2: {  	s1 =	srdreg.scid  }
0x3: {  	s0 =	sand.u32 $0x1, s1  }
0x4: {  	s18 =	sshll.u32 s0, $0xA;
	s2 =	sadd.s32 s3, s2  }
0x5: {  	s2 =	sadd.s32 s2, s18  }
0x6: {  	[smem:$0x3FC6] =	sst s2  }
0x7: {  	_ = 	snop  }
0x8: {  	s2 =	sld [smem:$0x3FD0];
	(tm) =	ssettm $0x1  }
0x9: {  	s19 =	sld [smem:$0x3FFB];
	_ =	sdelay $0x3  }
0xa: {  	_ =	strace s19  }
0xb: {  	s3 =	sld [smem:$0x3FFC];
	_ =	sdelay $0x3  }
0xc: {  	_ =	strace s3  }
0xd: {  	s3 =	sld [smem:$0x3FFD];
	_ =	sdelay $0x3  }
0xe: {  	_ =	strace s3  }
0xf: {  	_ =	strace $0x8FFFFFFF  }
0x10: {  	s20 =	sld [smem:$0x3FDB];
	_ =	sdelay $0x1  }
0x11: {  	s4 =	simm.s32 $_scs_section_size  }
0x12: {  	s5 =	simm.s32 $_size__tile_overlayer_lowered;
	s6 =	simm.s32 $_tile_overlayer_lowered  }
0x13: {  	s23 =	simm.s32 $0x1BFF;
	s22 =	sshll.u32 s6, $0x1;
	s3 =	sadd.s32 s4, s20  }
0x14: {  	s7 =	simm.s32 $0x0;
	s21 =	sshll.u32 s5, $0x1;
	s5 =	sadd.s32 s22, s3  }
0x15: {  	[timem:s7], [sflag:s23] =	dma.local [hbm:s5], s21  }
0x16: {  	_ =	swait.ge [sflag:s23], s21  }
0x17: {  	s4 =	ssub.s32 $0x0, s21;
	[sflag:s23] =	ssyncset.done $0x0  }
0x18: {  	[sflag:s23] =	ssyncadd.s32 s4;
	_ =	sdelay $0x1  }
0x19: {  	s24 =	simm.s32 $0x1B8B  }
0x1a: {  	_ =	swait.ge [sflag:s24], $0x1  }
0x1b: {  	[sflag:s24] =	ssyncset.done $0x0  }
0x1c: {  	s26 =	simm.s32 $0x1B8E;
	s25 =	sld [smem:$0x3FFE];
	[sflag:s24] =	ssyncadd.s32 $0xFFFFFFFF  }
0x1d: {  	s27 =	simm.s32 $execute0_lowered;
	[smem:$0x3FD2] =	sst s26  }
0x1e: {  	s5 =	sshll.u32 s27, $0x1;
	_ =	strace $0x80000049;
	[dreg:$0x1] =	wrdreg $0xFFFFFFFF  }
0x1f: {  	s28 =	simm.s32 $_size_execute0_lowered;
	s3 =	sadd.s32 s3, s5;
	[dreg:$0x0] =	wrdreg $0x0  }
0x20: {  	s5 =	sshll.u32 s28, $0x1;
	[dreg:$0x2] =	wrdreg s3  }
0x21: {  	[dreg:$0x3] =	wrdreg s5  }
0x22: {  	[dreg:$0x4] =	wrdreg $0xC0  }
0x23: {  	_ =	task [dreg:s7], $0x5FFFF  }
0x24: {  	[dreg:$0x1] =	wrdreg $0xFFFFFFFF  }
0x25: {  	[dreg:$0x0] =	wrdreg $0x60  }
0x26: {  	[dreg:$0x2] =	wrdreg s25  }
0x27: {  	[dreg:$0x3] =	wrdreg s2  }
0x28: {  	[dreg:$0x4] =	wrdreg $0x9  }
0x29: {  	_ =	task.clear_ibuf [dreg:s7], $0x5FFFF;
	_ =	strace $0x90000049  }
0x2a: {  	s29 =	simm.s32 $0x9;
	_ =	strace $0x8000004B  }
0x2b: {  	_ =	swait.ge [sflag:s29], $0x1  }
0x2c: {  	[sflag:s29] =	ssyncadd.s32 $0xFFFFFFFF  }
0x2d: {  	_ =	strace $0x9000004B  }
0x2e: {  	_ =	sfence  }
0x2f: {  	s30 =	sld [smem:$0x0];
	_ =	sdelay $0x2  }
0x30: {  	s31 =	sshll.u32 s1, $0xD;
	s1 =	sshrl.u32 s1, $0x2  }
0x31: {  	s3 =	sand.u32 $0x4000, s31;
	s1 =	sadd.s32 s1, s30  }
0x32: {  	s0 =	sor.u32 s3, s0;
	s1 =	sshll.u32 s1, $0x11  }
0x33: {  	s0 =	sor.u32 s1, s0  }
0x34: {  	s0 =	sadd.s32 $0x8F2B, s0  }
0x35: {  	[sflag:s0] =	ssyncadd.remote.s32 $0x1  }
0x36: {  	_ =	sfence.sel $0xFFFF  }
0x37: {  	[dreg:$0x0] =	wrdreg $0xFFFFFFFF;
	(pc) =	sbr.abs _section_cstart, $3  }
0x38: {  	[dreg:$0x1] =	wrdreg $0xFFFFFFFF  }
0x39: {  	_ =	task.clear_ibuf [dreg:s7], $0x2FFFF;
	_ =	strace $0x9FFFFFFF  }
0x3a: {  	(tm) =	ssettm $0x7FFFFFFF  }
0x3b: {  	_ =	shalt  }
tec
execute0_lowered:
.L_overlay_start_1:
0x0: {  	(tag) =	ssettag $0x1  }
0x1: {  	s0 =	srdreg.scid  }
0x2: {  	s1 =	sshll.u32 s0, $0x4  }
0x3: {  	s0 =	stileid.u32;
	s1 =	sand.u32 $0x10, s1  }
0x4: {  	s1 =	sor.u32 s0, s1  }
0x5: {  	s6 =	rddreg [dreg:$0x0];
	s4 =	simm.s32 $0x1;
	s2 =	sshll.u32 s1, $0x7  }
0x6: {  	s7 =	simm.s32 $0x2;
	s12 =	simm.s32 $0x0;
	s1 =	ssub.s32 $0x1000, s2  }
0x7: {  	s8 =	simm.s32 $0x8000;
	s13 =	simm.s32 $0x0;
	s3 =	sand.u32 $0xF80, s1  }
0x8: {  	s9 =	simm.s32 $0x0;
	s5 =	sshrl.u32 s1, $0xC;
	p0 =	sne.s32 s3, $0x0  }
.Ltmp0:
0x9: {  	s1 =	rddreg [dreg:$0x2];
	s4 =	simm.s32 @!p0 $0x0;
	(pc) =	sbr.rel .LBB1_1-.Ltmp0, $4  }
0xa: {  	s11 =	simm.s32 $0x0;
	s3 =	rddreg [dreg:$0x1];
	s5 =	sadd.s32 s4, s5  }
0xb: {  	_ =	strace $0x8000004A;
	s4 =	simm.s32 $0x1;
	s5 =	smul.u32 $0xC8, s5  }
0xc: {  	s6 =	sadd.s32 $0x400, s6;
	s10 =	smov.u32 s2;
	[sflag:s4] =	ssyncpa.u1 $0x0  }
0xd: {  	p0 =	por $0x0, $0x0;
	[sflag:s7] =	ssyncpa.u1 $0x0;
	s7 =	sor.u32 $0x1, s5  }
.LBB1_4:
0xe: {  	s16 =	sshll.u32 s13, $0x3;
	s17 =	sand.u32 $0x78, s13  }
0xf: {  	s30 =	sand.u32 $0x7E00, s13;
	s12 =	sshll.u32 s12, $0xF;
	s16 =	sand.u32 $0xC00, s16  }
0x10: {  	[tilespmem:s15+$0x810 ss:$0x81] =	vst.msk $0xffff, v2;
	s31 =	sand.u32 $0x7, s13;
	s16 =	sor.u32 s17, s16;
	s17 =	sadd.s32 s3, s30  }
0x11: {  	[tilespmem:s15+$0x1020 ss:$0x81] =	vst.msk $0xffff, v0;
	s13 =	sshll.u32 s31, $0x12;
	s12 =	sadd.s32 s12, s17;
	s16 =	sshrl.u32 s16, $0x3  }
0x12: {  	[tilespmem:s15+$0x0 ss:$0x81] =	vst.msk $0xffff, v1;
	s13 =	sor.u32 $0x400, s13;
	s12 =	sadd.s32 s16, s12  }
0x13: {  	[hbm4b:s12+s13] =	stream.strided.scatter [tilespmem:s14], [sflag:$0x2], $0x2000, s8, s13, $0x20;
	[tilespmem:$0x8080] =	vst v63  }
.LBB1_5:
0x14: {  	s14 =	sadd.s32 $0x1, s9  }
0x15: {  	s12 =	sadd.s32 $0x1000, s10;
	s16 =	smov.u32 s10;
	p2 =	sgt.s32 s14, $0xC7  }
0x16: {  	s16 =	smov.u32 @p2 s12  }
0x17: {  	s14 =	simm.s32 @p2 $0x0;
	p2 =	sgt.s32 s16, $0xFFF  }
0x18: {  	s16 =	smov.u32 @p2 s2;
	p2 =	sne.s32 s11, s7  }
.Ltmp1:
0x19: {  	p1 =	slt.u32 s11, $0x2;
	(pc) =	sbr.rel @!p2 .LBB1_6-.Ltmp1, $4  }
0x1a: {  	s15 =	simm.s32 @!p1 $0x2  }
0x1b: {  	s13 =	smov.u32 s10;
	p0 =	por !p0, !p0;
	_ =	swait.ge @!p1 [sflag:s15], $0x2000  }
0x1c: {  	s12 =	smov.u32 s9;
	[sflag:s15] =	ssyncset.done @!p1 $0x0;
	s9 =	smov.u32 s14  }
0x1d: {  	s11 =	sadd.s32 $0x1, s11;
	[sflag:s15] =	ssyncadd.s32 @!p1 $0xFFFFE000;
	s10 =	smov.u32 s16  }
.LBB1_1:
0x1e: {  	p1 =	sge.u32 s11, s5  }
0x1f: {  	s14 =	sand.u32 @!p1 $0x1FFFFFF, s9  }
0x20: {  	s15 =	smulhi.u32 @!p1 $0x147AE15, s14;
	_ =	sdelay $0x1  }
0x21: {  	s15 =	smul.u32 @!p1 $0xC8, s15  }
0x22: {  	s16 =	sxor.u32 @!p1 $0xFFFFFFFF, s11;
	s17 =	smul.u32 @!p1 $0xC80, s10  }
0x23: {  	s31 =	sadd.s32 $0xFFFFFFFF, s11;
	s16 =	sshll.u32 @!p1 s16, $0xD;
	s14 =	ssub.s32 @!p1 s14, s15  }
0x24: {  	s15 =	sand.u32 @!p1 $0x2000, s16;
	s16 =	sadd.s32 @!p1 s6, s17;
	s14 =	sshll.u32 @!p1 s14, $0x4  }
0x25: {  	s17 =	simm.s32 @!p1 $0x6400;
	s14 =	sadd.s32 @!p1 s14, s16;
	s16 =	simm.s32 @!p1 $0x40  }
0x26: {  	[tilespmem:s15], [sflag:$0x1] =	stream.strided.gather @!p1 [hbm4b:s14+s16], $0x2000, s17, s16, $0x38;
	[tilespmem:$0x8080] =	vst v63  }
0x27: {  	p1 =	sge.u32 s31, s5  }
.Ltmp2:
0x28: {  	_ = 	snop;
	(pc) =	sbr.rel @p1 .LBB1_5-.Ltmp2, $1  }
0x29: {  	_ =	sdelay $0x3  }
0x2a: {  	s14 =	simm.s32 $0x1  }
0x2b: {  	_ =	swait.ge [sflag:s4], $0x2000;
	s14 =	simm.s32 @!p0 $0x0  }
0x2c: {  	[sflag:s4] =	ssyncset.done $0x0;
	s15 =	sshll.u32 s14, $0xD  }
0x2d: {  	[sflag:s4] =	ssyncadd.s32 $0xFFFFE000;
	s18 =	sor.u32 $0x20, s15  }
0x2e: {  	s14 =	smul.u32 $0x8100, s14;
	v3 =	vld [tilespmem:s18+$0x10]  }
0x2f: {  	s30 =	sand.u32 $0x1, s11;
	v2 =	vld [tilespmem:s18+$0xFFFFFFF0]  }
0x30: {  	s15 =	smul.u32 $0x8100, s30;
	s14 =	sshrl.u32 s14, $0x2;
	v0 =	vld [tilespmem:s18+$0x0]  }
0x31: {  	v1 =	vld [tilespmem:s18+$0xFFFFFFE0];
	s16 =	sor.u32 $0x4000, s14  }
0x32: {  	s31 =	sshrl.u32 s15, $0x2;
	s15 =	sadd.s32 $0x0, s16  }
0x33: {  	s17 =	simm.s32 $0x4;
	s18 =	sadd.s32 $0x40, s18;
	s14 =	sor.u32 $0x4000, s31;
	[tilespmem:s15+$0x1830 ss:$0x81] =	vst.msk $0xffff, v3  }
.LBB1_3:
0x34: {  	v3 =	vld [tilespmem:s18+$0x10];
	p1 =	sne.s32 s17, $0x1FC;
	[tilespmem:s15+$0x810 ss:$0x81] =	vst.msk $0xffff, v2;
	s19 =	smov.u32 s17;
	s17 =	sadd.s32 $0x4, s17  }
.Ltmp3:
0x35: {  	v2 =	vld [tilespmem:s18+$0xFFFFFFF0];
	[tilespmem:s15+$0x1020 ss:$0x81] =	vst.msk $0xffff, v0;
	(pc) =	sbr.rel @p1 .LBB1_3-.Ltmp3, $4  }
0x36: {  	v0 =	vld [tilespmem:s18+$0x0];
	[tilespmem:s15+$0x0 ss:$0x81] =	vst.msk $0xffff, v1  }
0x37: {  	s15 =	sshra.s32 s19, $0x2;
	v1 =	vld [tilespmem:s18+$0xFFFFFFE0]  }
0x38: {  	s15 =	sadd.s32 s15, s16  }
0x39: {  	s18 =	sadd.s32 $0x40, s18;
	[tilespmem:s15+$0x1830 ss:$0x81] =	vst.msk $0xffff, v3  }
.Ltmp4:
0x3a: {  	_ = 	snop;
	(pc) =	sbr.rel .LBB1_4-.Ltmp4, $1  }
0x3b: {  	_ =	sdelay $0x3  }
.LBB1_6:
0x3c: {  	_ =	sfence.sel $0x180000  }
0x3d: {  	s2 =	simm.s32 $0x1;
	[bflag:$0x0] =	sbarrier.arrive $0xFFFF  }
0x3e: {  	s31 =	simm.s32 $0x2;
	[sflag:s2] =	ssyncpa.u1 $0x1  }
0x3f: {  	[sflag:s31] =	ssyncpa.u1 $0x1  }
0x40: {  	p0 =	sne.s32 s0, $0x0;
	_ =	strace $0x9000004A  }
0x41: {  	s0 =	sadd.s32 @!p0 $0x100000, s1;
	[bflag:$0x2] =	sbarrier.arrive $0xFFFF  }
0x42: {  	[sflag:s0] =	ssyncadd.tile.s32 @!p0 $0x1;
	_ =	shalt  }
.Lfunc_end1:
_tile_overlayer_lowered:
.L_overlay_start_2:
0x43: {  	(tag) =	ssettag $0x2  }
0x44: {  	s0 =	rddreg [dreg:$0x0];
	s2 =	stileid.u32  }
0x45: {  	s1 =	rddreg [dreg:$0x1];
	p0 =	sne.s32 s2, $0x0  }
0x46: {  	s3 =	rddreg [dreg:$0x2];
	[bflag:$0x3] =	sbarrier.arrive $0xFFFF;
	s2 =	simm.s32 @!p0 $0x1C01  }
0x47: {  	[timem:s3], [sflag:s2] =	dma.local @!p0 [hbm:s0], s1  }
0x48: {  	s0 =	simm.s32 @!p0 $0x1  }
0x49: {  	_ =	swait.ge @!p0 [sflag:s0], s1  }
0x4a: {  	s1 =	ssub.s32 @!p0 $0x0, s1;
	[sflag:s0] =	ssyncset.done @!p0 $0x0  }
0x4b: {  	[sflag:s0] =	ssyncadd.s32 @!p0 s1  }
0x4c: {  	[bflag:$0x3] =	sbarrier.arrive $0xFFFF  }
0x4d: {  	_ =	shalt  }

</sc_bundles>
